<compile_context>
chip_gen: v7x
topology: tpu7x:2x2x1
jax: 0.10.2.dev20260603
libtpu: 0.0.44.dev20260713+nightly
codegen_flags: <defaults>
</compile_context>

<pallas_src>
import functools

import jax
import jax.numpy as jnp
from jax import lax
from jax.experimental import pallas as pl
from jax.experimental.pallas import tpu as pltpu
from jax.experimental.pallas import tpu_sc as plsc

N = 10000
NC, NS = 2, 16
NW = NC * NS
CHUNK = 256
NPAD = N + 8
ZROWS = 640
F32 = jnp.float32
BN = 1000
NBUF = 2
LOOK = 1


def _sc_segsum(table, srcp, dstp, zeros, zeros8, ones8, *, nchunks, npass,
               with_deg, interpret=False):
    feat = 64
    nplanes = npass * NC
    mesh = plsc.VectorSubcoreMesh(core_axis_name="c", subcore_axis_name="s",
                                  num_cores=NC, num_subcores=NS)
    out_type = [jax.ShapeDtypeStruct((nplanes, N, feat), F32)]
    if with_deg:
        out_type.append(jax.ShapeDtypeStruct((N, 8), F32))
    scratch = [
        pltpu.VMEM((nchunks, CHUNK), jnp.int32),
        pltpu.VMEM((nchunks, CHUNK), jnp.int32),
        pltpu.VMEM((NBUF, CHUNK, feat), F32),
        pltpu.VMEM_SHARED((NPAD, feat), F32),
        pltpu.SemaphoreType.DMA((NBUF,)),
        pltpu.SemaphoreType.DMA((NBUF,)),
    ]
    if with_deg:
        scratch += [
            pltpu.VMEM((CHUNK, 8), F32),
            pltpu.VMEM_SHARED((NPAD, 8), F32),
            pltpu.SemaphoreType.DMA((NBUF,)),
        ]

    def body(table_ref, srcp_ref, dstp_ref, zeros_ref, zeros8_ref, ones8_ref,
             *rest):
        if with_deg:
            acc_out, deg_out = rest[0], rest[1]
            (src_v, dst_v, rows_v, acc_sh, gsem, ssem,
             ones_v, deg_sh, dsem) = rest[2:]
        else:
            acc_out = rest[0]
            deg_out = ones_v = deg_sh = dsem = None
            (src_v, dst_v, rows_v, acc_sh, gsem, ssem) = rest[1:]
        cid = lax.axis_index("c")
        sid = lax.axis_index("s")
        r0 = sid * ZROWS
        nrows_full = ZROWS
        nrows_last = N - (NS - 1) * ZROWS

        if with_deg:
            pltpu.sync_copy(ones8_ref, ones_v)

        for p in range(npass):
            plane = npass * cid + p

            @pl.when(sid < NS - 1)
            def _():
                pltpu.sync_copy(zeros_ref, acc_sh.at[pl.ds(r0, nrows_full)])
                if with_deg and p == 0:
                    @pl.when(cid == 0)
                    def _():
                        pltpu.sync_copy(zeros8_ref,
                                        deg_sh.at[pl.ds(r0, nrows_full)])

            @pl.when(sid == NS - 1)
            def _():
                b0 = (NS - 1) * ZROWS
                pltpu.sync_copy(zeros_ref.at[pl.ds(0, nrows_last)],
                                acc_sh.at[pl.ds(b0, nrows_last)])
                if with_deg and p == 0:
                    @pl.when(cid == 0)
                    def _():
                        pltpu.sync_copy(zeros8_ref.at[pl.ds(0, nrows_last)],
                                        deg_sh.at[pl.ds(b0, nrows_last)])

            pltpu.sync_copy(srcp_ref.at[plane, sid], src_v)
            pltpu.sync_copy(dstp_ref.at[plane, sid], dst_v)

            plsc.subcore_barrier()

            def g_start(j, t):
                pltpu.make_async_copy(table_ref.at[src_v.at[j]],
                                      rows_v.at[t], gsem.at[t]).start()

            def g_wait(j, t):
                pltpu.make_async_copy(table_ref.at[src_v.at[j]],
                                      rows_v.at[t], gsem.at[t]).wait()

            def s_start(j, t):
                pltpu.async_copy(rows_v.at[t], acc_sh.at[dst_v.at[j]],
                                 ssem.at[t], add=True)
                if with_deg and p == 0:
                    @pl.when(cid == 0)
                    def _():
                        pltpu.async_copy(ones_v, deg_sh.at[dst_v.at[j]],
                                         dsem.at[t], add=True)

            def s_wait(j, t):
                pltpu.make_async_copy(rows_v.at[t], acc_sh.at[dst_v.at[j]],
                                      ssem.at[t]).wait()
                if with_deg and p == 0:
                    @pl.when(cid == 0)
                    def _():
                        pltpu.make_async_copy(ones_v, deg_sh.at[dst_v.at[j]],
                                              dsem.at[t]).wait()

            for t in range(LOOK):
                g_start(t, t)

            def loop_body(k, carry):
                j8 = NBUF * k
                for t in range(NBUF):
                    j = j8 + t
                    u = (t + LOOK) % NBUF
                    g_wait(j, t)
                    s_start(j, t)

                    @pl.when(j >= LOOK)
                    def _():
                        s_wait(j - LOOK, u)

                    @pl.when(j + LOOK < nchunks)
                    def _():
                        g_start(j + LOOK, u)
                return carry

            lax.fori_loop(0, nchunks // NBUF, loop_body, 0)
            for t in range(LOOK, NBUF):
                s_wait(nchunks - NBUF + t, t)
            plsc.subcore_barrier()

            @pl.when(sid < NS - 1)
            def _():
                pltpu.sync_copy(acc_sh.at[pl.ds(r0, nrows_full)],
                                acc_out.at[plane, pl.ds(r0, nrows_full)])
                if with_deg and p == 0:
                    @pl.when(cid == 0)
                    def _():
                        pltpu.sync_copy(deg_sh.at[pl.ds(r0, nrows_full)],
                                        deg_out.at[pl.ds(r0, nrows_full)])

            @pl.when(sid == NS - 1)
            def _():
                b0 = (NS - 1) * ZROWS
                pltpu.sync_copy(acc_sh.at[pl.ds(b0, nrows_last)],
                                acc_out.at[plane, pl.ds(b0, nrows_last)])
                if with_deg and p == 0:
                    @pl.when(cid == 0)
                    def _():
                        pltpu.sync_copy(deg_sh.at[pl.ds(b0, nrows_last)],
                                        deg_out.at[pl.ds(b0, nrows_last)])

    fn = pl.kernel(
        body, out_type=tuple(out_type), mesh=mesh, scratch_types=scratch,
        compiler_params=pltpu.CompilerParams(use_tc_tiling_on_sc=False),
        interpret=interpret)
    return fn(table, srcp, dstp, zeros, zeros8, ones8)


def _rdeg(deg_blk):
    return 1.0 / jnp.maximum(deg_blk[:, 0:1], 1.0)


def _tc1_body(x_ref, acc_ref, deg_ref, ws_ref, wn_ref, b_ref, out_ref):
    agg = jnp.concatenate([acc_ref[0], acc_ref[1]], axis=1)
    hn = agg * _rdeg(deg_ref[...])
    y = (jnp.dot(x_ref[...], ws_ref[...], preferred_element_type=F32)
         + jnp.dot(hn, wn_ref[...], preferred_element_type=F32)
         + b_ref[...][None, :])
    y = jnp.maximum(y, 0.0)
    for q in range(4):
        out_ref[q] = y[:, q * 64:(q + 1) * 64]


def _tc2_body(h1_ref, acc2_ref, deg_ref, ws2_ref, wn2_ref, b2_ref,
              ws3_ref, wn3_ref, b3_ref, s_ref, p_ref):
    h1 = jnp.concatenate([h1_ref[i] for i in range(4)], axis=1)
    agg = jnp.concatenate([acc2_ref[i] for i in range(4)], axis=1)
    hn = agg * _rdeg(deg_ref[...])
    h2 = (jnp.dot(h1, ws2_ref[...], preferred_element_type=F32)
          + jnp.dot(hn, wn2_ref[...], preferred_element_type=F32)
          + b2_ref[...][None, :])
    h2 = jnp.maximum(h2, 0.0)
    s_ref[...] = (jnp.dot(h2, ws3_ref[...], preferred_element_type=F32)
                  + b3_ref[...][None, :])
    p_ref[...] = jnp.dot(h2, wn3_ref[...], preferred_element_type=F32)


def _tc3_body(s_ref, acc_ref, deg_ref, out_ref):
    agg = acc_ref[0] + acc_ref[1]
    out_ref[...] = s_ref[...] + agg * _rdeg(deg_ref[...])


def _tc1(x, acc1, deg, ws, wn, b):
    return pl.pallas_call(
        _tc1_body,
        grid=(N // BN,),
        in_specs=[
            pl.BlockSpec((BN, 128), lambda i: (i, 0)),
            pl.BlockSpec((2, BN, 64), lambda i: (0, i, 0)),
            pl.BlockSpec((BN, 8), lambda i: (i, 0)),
            pl.BlockSpec((128, 256), lambda i: (0, 0)),
            pl.BlockSpec((128, 256), lambda i: (0, 0)),
            pl.BlockSpec((256,), lambda i: (0,)),
        ],
        out_specs=pl.BlockSpec((4, BN, 64), lambda i: (0, i, 0)),
        out_shape=jax.ShapeDtypeStruct((4, N, 64), F32),
    )(x, acc1, deg, ws, wn, b)


def _tc2(h1q, acc2, deg, ws2, wn2, b2, ws3, wn3, b3):
    return pl.pallas_call(
        _tc2_body,
        grid=(N // BN,),
        in_specs=[
            pl.BlockSpec((4, BN, 64), lambda i: (0, i, 0)),
            pl.BlockSpec((4, BN, 64), lambda i: (0, i, 0)),
            pl.BlockSpec((BN, 8), lambda i: (i, 0)),
            pl.BlockSpec((256, 256), lambda i: (0, 0)),
            pl.BlockSpec((256, 256), lambda i: (0, 0)),
            pl.BlockSpec((256,), lambda i: (0,)),
            pl.BlockSpec((256, 64), lambda i: (0, 0)),
            pl.BlockSpec((256, 64), lambda i: (0, 0)),
            pl.BlockSpec((64,), lambda i: (0,)),
        ],
        out_specs=[
            pl.BlockSpec((BN, 64), lambda i: (i, 0)),
            pl.BlockSpec((BN, 64), lambda i: (i, 0)),
        ],
        out_shape=[
            jax.ShapeDtypeStruct((N, 64), F32),
            jax.ShapeDtypeStruct((N, 64), F32),
        ],
    )(h1q, acc2, deg, ws2, wn2, b2, ws3, wn3, b3)


def _tc3(s, acc3, deg):
    return pl.pallas_call(
        _tc3_body,
        grid=(N // BN,),
        in_specs=[
            pl.BlockSpec((BN, 64), lambda i: (i, 0)),
            pl.BlockSpec((2, BN, 64), lambda i: (0, i, 0)),
            pl.BlockSpec((BN, 8), lambda i: (i, 0)),
        ],
        out_specs=pl.BlockSpec((BN, 64), lambda i: (i, 0)),
        out_shape=jax.ShapeDtypeStruct((N, 64), F32),
    )(s, acc3, deg)


def _even_chunks(edges_per_tile):
    nc = -(-edges_per_tile // CHUNK)
    return -(-nc // NBUF) * NBUF


def kernel(x, edge_index, Wself1, Wneigh1, b1, Wself2, Wneigh2, b2,
           Wself3, Wneigh3, b3):
    E = edge_index.shape[1]
    src = edge_index[0].astype(jnp.int32)
    dst = edge_index[1].astype(jnp.int32)

    eps = E // NS
    npc_f = _even_chunks(eps)
    padf = npc_f * CHUNK - eps
    src_f = jnp.concatenate(
        [src.reshape(NS, eps), jnp.zeros((NS, padf), jnp.int32)], axis=1)
    dst_f = jnp.concatenate(
        [dst.reshape(NS, eps), jnp.full((NS, padf), N, jnp.int32)], axis=1)
    offs2 = (jnp.arange(2, dtype=jnp.int32) * N)[:, None, None]
    src_h = (src_f[None] + offs2).reshape(2, NS, npc_f, CHUNK)
    dst_h = jnp.broadcast_to(dst_f, (2, NS, npc_f * CHUNK)).reshape(
        2, NS, npc_f, CHUNK)
    offs4 = (jnp.arange(4, dtype=jnp.int32) * N)[:, None, None]
    src_q = (src_f[None] + offs4).reshape(4, NS, npc_f, CHUNK)
    dst_q = jnp.broadcast_to(dst_f, (4, NS, npc_f * CHUNK)).reshape(
        4, NS, npc_f, CHUNK)

    epw = E // NW
    npc_e = _even_chunks(epw)
    pade = npc_e * CHUNK - epw
    src_e = jnp.concatenate(
        [src.reshape(NW, epw), jnp.zeros((NW, pade), jnp.int32)], axis=1
    ).reshape(2, NS, npc_e, CHUNK)
    dst_e = jnp.concatenate(
        [dst.reshape(NW, epw), jnp.full((NW, pade), N, jnp.int32)], axis=1
    ).reshape(2, NS, npc_e, CHUNK)

    z64 = jnp.zeros((ZROWS, 64), F32)
    z8 = jnp.zeros((ZROWS, 8), F32)
    ones8 = jnp.ones((CHUNK, 8), F32)

    xs = jnp.concatenate([x[:, :64], x[:, 64:]], axis=0)
    acc1, deg = _sc_segsum(xs, src_h, dst_h, z64, z8, ones8,
                           nchunks=npc_f, npass=1, with_deg=True)
    h1q = _tc1(x, acc1, deg, Wself1, Wneigh1, b1)

    table2 = h1q.reshape(4 * N, 64)
    (acc2,) = _sc_segsum(table2, src_q, dst_q, z64, z8, ones8,
                         nchunks=npc_f, npass=2, with_deg=False)
    s, p = _tc2(h1q, acc2, deg, Wself2, Wneigh2, b2, Wself3, Wneigh3, b3)

    (acc3,) = _sc_segsum(p, src_e, dst_e, z64, z8, ones8,
                         nchunks=npc_e, npass=1, with_deg=False)
    return _tc3(s, acc3, deg)

# --- scband reference (transcript-rebuilt; emitter-appended) ---
"""Pipeline reference for scband-graph-sage-53910429499951 (READ-ONLY COPY).

The authoritative reference and input builder live on the scoring server;
editing this copy changes nothing except your own understanding.
"""

import jax, jax.numpy as jnp
import numpy as np

N_NODES = 10000

def _sage_layer(h, src, dst, Wself, Wneigh, b, activation):
    # DGL-style SAGEConv with mean aggregator (eval mode, dropout off):
    # h_neigh = mean_{u in N(v)} h_u ; out = h @ Wself + h_neigh @ Wneigh + b
    msg = h[src]
    agg = jax.ops.segment_sum(msg, dst, num_segments=N_NODES)
    deg = jax.ops.segment_sum(jnp.ones((src.shape[0], 1), dtype=h.dtype), dst, num_segments=N_NODES)
    h_neigh = agg / jnp.maximum(deg, 1.0)
    out = h @ Wself + h_neigh @ Wneigh + b
    if activation:
        out = jax.nn.relu(out)
    return out

def setup_inputs(seed: int = 0) -> dict:
    key = jax.random.key(seed)
    ks = jax.random.split(key, 12)
    x = jax.random.normal(ks[0], (N_NODES, 128), dtype=jnp.float32)
    edge_index = jax.random.randint(ks[1], (2, 320000), 0, N_NODES, dtype=jnp.int64)
    def glorot(k, fan_in, fan_out):
        s = jnp.sqrt(2.0 / (fan_in + fan_out))
        return jax.random.normal(k, (fan_in, fan_out), dtype=jnp.float32) * s
    return {
        "x": x,
        "edge_index": edge_index,
        "Wself1": glorot(ks[2], 128, 256), "Wneigh1": glorot(ks[3], 128, 256), "b1": jnp.zeros((256,), jnp.float32),
        "Wself2": glorot(ks[4], 256, 256), "Wneigh2": glorot(ks[5], 256, 256), "b2": jnp.zeros((256,), jnp.float32),
        "Wself3": glorot(ks[6], 256, 64),  "Wneigh3": glorot(ks[7], 256, 64),  "b3": jnp.zeros((64,), jnp.float32),
    }

def reference(x, edge_index, Wself1, Wneigh1, b1, Wself2, Wneigh2, b2, Wself3, Wneigh3, b3):
    src = edge_index[0]
    dst = edge_index[1]
    h = _sage_layer(x, src, dst, Wself1, Wneigh1, b1, activation=True)
    h = _sage_layer(h, src, dst, Wself2, Wneigh2, b2, activation=True)
    h = _sage_layer(h, src, dst, Wself3, Wneigh3, b3, activation=False)
    return h

if __name__ == "__main__":
    import jax
    _d = setup_inputs()
    print(jax.jit(kernel)(*tuple(_d.values())))

</pallas_src>

<mosaic_0001>
#map = affine_map<(d0, d1) -> (0, 0)>
#map1 = affine_map<(d0, d1) -> (0, 0, 0, 0)>
#map2 = affine_map<(d0, d1) -> (0, 0, 0)>
module attributes {stable_mosaic.version = 14 : i64} {
  func.func @body(%arg0: i32, %arg1: i32, %arg2: memref<20000x64xf32, #tpu.memory_space<hbm>>, %arg3: memref<2x16x80x256xi32, #tpu.memory_space<hbm>>, %arg4: memref<2x16x80x256xi32, #tpu.memory_space<hbm>>, %arg5: memref<640x64xf32, #tpu.memory_space<hbm>>, %arg6: memref<640x8xf32, #tpu.memory_space<hbm>>, %arg7: memref<256x8xf32, #tpu.memory_space<hbm>>, %arg8: memref<2x10000x64xf32, #tpu.memory_space<hbm>>, %arg9: memref<10000x8xf32, #tpu.memory_space<hbm>>, %arg10: memref<80x256xi32, #tpu.memory_space<vmem>>, %arg11: memref<80x256xi32, #tpu.memory_space<vmem>>, %arg12: memref<2x256x64xf32, #tpu.memory_space<vmem>>, %arg13: memref<10008x64xf32, #tpu.memory_space<vmem_shared>>, %arg14: memref<2x!tpu.dma_semaphore, #tpu.memory_space<semaphore_mem>>, %arg15: memref<2x!tpu.dma_semaphore, #tpu.memory_space<semaphore_mem>>, %arg16: memref<256x8xf32, #tpu.memory_space<vmem>>, %arg17: memref<10008x8xf32, #tpu.memory_space<vmem_shared>>, %arg18: memref<2x!tpu.dma_semaphore, #tpu.memory_space<semaphore_mem>>) attributes {dimension_semantics = [#tpu.dimension_semantics<core_parallel>, #tpu.dimension_semantics<subcore_parallel>], iteration_bounds = array<i64: 2, 16>, scalar_prefetch = 0 : i64, scratch_operands = 9 : i64, tpu.core_type = #tpu.core_type<sc_vector_subcore>, window_params = [{transform_indices = #map}, {transform_indices = #map1}, {transform_indices = #map1}, {transform_indices = #map}, {transform_indices = #map}, {transform_indices = #map}, {transform_indices = #map2}, {transform_indices = #map}]} {
    %mul3A = arith.constant 640 : i32
    %mul3A_0 = arith.muli %arg1, %mul3A : i32
    "tpu.region"() ({
      %run_scoped3A = tpu.sem_alloc : memref<!tpu.dma_semaphore, #tpu.memory_space<semaphore_mem>>
      tpu.enqueue_dma source(%arg7 : memref<256x8xf32, #tpu.memory_space<hbm>>) target(%arg16 : memref<256x8xf32, #tpu.memory_space<vmem>>) target_semaphore(%run_scoped3A : memref<!tpu.dma_semaphore, #tpu.memory_space<semaphore_mem>>)
      tpu.wait_dma2 semaphore(%run_scoped3A : memref<!tpu.dma_semaphore, #tpu.memory_space<semaphore_mem>>) src(%arg7 : memref<256x8xf32, #tpu.memory_space<hbm>>) dst(%arg16 : memref<256x8xf32, #tpu.memory_space<vmem>>)
      tpu.yield
    }) : () -> ()
    %mul3A_1 = arith.constant 1 : i32
    %mul3A_2 = arith.muli %mul3A_1, %arg0 : i32
    %add3A = arith.constant 0 : i32
    %add3A_3 = arith.addi %mul3A_2, %add3A : i32
    %lt3A = arith.constant 15 : i32
    %lt3A_4 = arith.cmpi slt, %arg1, %lt3A : i32
    %convert_element_type3A = arith.extui %lt3A_4 : i1 to i32
    %cond3A = arith.constant 0 : i32
    %cond3A_5 = arith.cmpi ne, %convert_element_type3A, %cond3A : i32
    scf.if %cond3A_5 {
      "tpu.region"() ({
        %run_scoped3A = tpu.sem_alloc : memref<!tpu.dma_semaphore, #tpu.memory_space<semaphore_mem>>
        %dma_start3A_64 = arith.constant 0 : i32
        %dma_start3A_65 = tpu.memref_slice %arg13[%mul3A_0, %dma_start3A_64] : memref<10008x64xf32, #tpu.memory_space<vmem_shared>> -> memref<640x64xf32, #tpu.memory_space<vmem_shared>>
        tpu.enqueue_dma source(%arg5 : memref<640x64xf32, #tpu.memory_space<hbm>>) target(%dma_start3A_65 : memref<640x64xf32, #tpu.memory_space<vmem_shared>>) target_semaphore(%run_scoped3A : memref<!tpu.dma_semaphore, #tpu.memory_space<semaphore_mem>>)
        %dma_wait3A_66 = arith.constant 0 : i32
        %dma_wait3A_67 = tpu.memref_slice %arg13[%mul3A_0, %dma_wait3A_66] : memref<10008x64xf32, #tpu.memory_space<vmem_shared>> -> memref<640x64xf32, #tpu.memory_space<vmem_shared>>
        tpu.wait_dma2 semaphore(%run_scoped3A : memref<!tpu.dma_semaphore, #tpu.memory_space<semaphore_mem>>) src(%arg5 : memref<640x64xf32, #tpu.memory_space<hbm>>) dst(%dma_wait3A_67 : memref<640x64xf32, #tpu.memory_space<vmem_shared>>)
        tpu.yield
      }) : () -> ()
      %eq3A_59 = arith.constant 0 : i32
      %eq3A_60 = arith.cmpi eq, %arg0, %eq3A_59 : i32
      %convert_element_type3A_61 = arith.extui %eq3A_60 : i1 to i32
      %cond3A_62 = arith.constant 0 : i32
      %cond3A_63 = arith.cmpi ne, %convert_element_type3A_61, %cond3A_62 : i32
      scf.if %cond3A_63 {
        "tpu.region"() ({
          %run_scoped3A = tpu.sem_alloc : memref<!tpu.dma_semaphore, #tpu.memory_space<semaphore_mem>>
          %dma_start3A_64 = arith.constant 0 : i32
          %dma_start3A_65 = tpu.memref_slice %arg17[%mul3A_0, %dma_start3A_64] : memref<10008x8xf32, #tpu.memory_space<vmem_shared>> -> memref<640x8xf32, #tpu.memory_space<vmem_shared>>
          tpu.enqueue_dma source(%arg6 : memref<640x8xf32, #tpu.memory_space<hbm>>) target(%dma_start3A_65 : memref<640x8xf32, #tpu.memory_space<vmem_shared>>) target_semaphore(%run_scoped3A : memref<!tpu.dma_semaphore, #tpu.memory_space<semaphore_mem>>)
          %dma_wait3A_66 = arith.constant 0 : i32
          %dma_wait3A_67 = tpu.memref_slice %arg17[%mul3A_0, %dma_wait3A_66] : memref<10008x8xf32, #tpu.memory_space<vmem_shared>> -> memref<640x8xf32, #tpu.memory_space<vmem_shared>>
          tpu.wait_dma2 semaphore(%run_scoped3A : memref<!tpu.dma_semaphore, #tpu.memory_space<semaphore_mem>>) src(%arg6 : memref<640x8xf32, #tpu.memory_space<hbm>>) dst(%dma_wait3A_67 : memref<640x8xf32, #tpu.memory_space<vmem_shared>>)
          tpu.yield
        }) : () -> ()
      } else {
      }
    } else {
    }
    %eq3A = arith.constant 15 : i32
    %eq3A_6 = arith.cmpi eq, %arg1, %eq3A : i32
    %convert_element_type3A_7 = arith.extui %eq3A_6 : i1 to i32
    %cond3A_8 = arith.constant 0 : i32
    %cond3A_9 = arith.cmpi ne, %convert_element_type3A_7, %cond3A_8 : i32
    scf.if %cond3A_9 {
      "tpu.region"() ({
        %run_scoped3A = tpu.sem_alloc : memref<!tpu.dma_semaphore, #tpu.memory_space<semaphore_mem>>
        %dma_start3A_64 = arith.constant 9600 : i32
        %dma_start3A_65 = arith.constant 0 : i32
        %dma_start3A_66 = tpu.memref_slice %arg13[%dma_start3A_64, %dma_start3A_65] : memref<10008x64xf32, #tpu.memory_space<vmem_shared>> -> memref<400x64xf32, #tpu.memory_space<vmem_shared>>
        %dma_start3A_67 = arith.constant 0 : i32
        %dma_start3A_68 = arith.constant 0 : i32
        %dma_start3A_69 = tpu.memref_slice %arg5[%dma_start3A_67, %dma_start3A_68] : memref<640x64xf32, #tpu.memory_space<hbm>> -> memref<400x64xf32, #tpu.memory_space<hbm>>
        tpu.enqueue_dma source(%dma_start3A_69 : memref<400x64xf32, #tpu.memory_space<hbm>>) target(%dma_start3A_66 : memref<400x64xf32, #tpu.memory_space<vmem_shared>>) target_semaphore(%run_scoped3A : memref<!tpu.dma_semaphore, #tpu.memory_space<semaphore_mem>>)
        %dma_wait3A_70 = arith.constant 9600 : i32
        %dma_wait3A_71 = arith.constant 0 : i32
        %dma_wait3A_72 = tpu.memref_slice %arg13[%dma_wait3A_70, %dma_wait3A_71] : memref<10008x64xf32, #tpu.memory_space<vmem_shared>> -> memref<400x64xf32, #tpu.memory_space<vmem_shared>>
        %dma_wait3A_73 = arith.constant 0 : i32
        %dma_wait3A_74 = arith.constant 0 : i32
        %dma_wait3A_75 = tpu.memref_slice %arg5[%dma_wait3A_73, %dma_wait3A_74] : memref<640x64xf32, #tpu.memory_space<hbm>> -> memref<400x64xf32, #tpu.memory_space<hbm>>
        tpu.wait_dma2 semaphore(%run_scoped3A : memref<!tpu.dma_semaphore, #tpu.memory_space<semaphore_mem>>) src(%dma_wait3A_75 : memref<400x64xf32, #tpu.memory_space<hbm>>) dst(%dma_wait3A_72 : memref<400x64xf32, #tpu.memory_space<vmem_shared>>)
        tpu.yield
      }) : () -> ()
      %eq3A_59 = arith.constant 0 : i32
      %eq3A_60 = arith.cmpi eq, %arg0, %eq3A_59 : i32
      %convert_element_type3A_61 = arith.extui %eq3A_60 : i1 to i32
      %cond3A_62 = arith.constant 0 : i32
      %cond3A_63 = arith.cmpi ne, %convert_element_type3A_61, %cond3A_62 : i32
      scf.if %cond3A_63 {
        "tpu.region"() ({
          %run_scoped3A = tpu.sem_alloc : memref<!tpu.dma_semaphore, #tpu.memory_space<semaphore_mem>>
          %dma_start3A_64 = arith.constant 9600 : i32
          %dma_start3A_65 = arith.constant 0 : i32
          %dma_start3A_66 = tpu.memref_slice %arg17[%dma_start3A_64, %dma_start3A_65] : memref<10008x8xf32, #tpu.memory_space<vmem_shared>> -> memref<400x8xf32, #tpu.memory_space<vmem_shared>>
          %dma_start3A_67 = arith.constant 0 : i32
          %dma_start3A_68 = arith.constant 0 : i32
          %dma_start3A_69 = tpu.memref_slice %arg6[%dma_start3A_67, %dma_start3A_68] : memref<640x8xf32, #tpu.memory_space<hbm>> -> memref<400x8xf32, #tpu.memory_space<hbm>>
          tpu.enqueue_dma source(%dma_start3A_69 : memref<400x8xf32, #tpu.memory_space<hbm>>) target(%dma_start3A_66 : memref<400x8xf32, #tpu.memory_space<vmem_shared>>) target_semaphore(%run_scoped3A : memref<!tpu.dma_semaphore, #tpu.memory_space<semaphore_mem>>)
          %dma_wait3A_70 = arith.constant 9600 : i32
          %dma_wait3A_71 = arith.constant 0 : i32
          %dma_wait3A_72 = tpu.memref_slice %arg17[%dma_wait3A_70, %dma_wait3A_71] : memref<10008x8xf32, #tpu.memory_space<vmem_shared>> -> memref<400x8xf32, #tpu.memory_space<vmem_shared>>
          %dma_wait3A_73 = arith.constant 0 : i32
          %dma_wait3A_74 = arith.constant 0 : i32
          %dma_wait3A_75 = tpu.memref_slice %arg6[%dma_wait3A_73, %dma_wait3A_74] : memref<640x8xf32, #tpu.memory_space<hbm>> -> memref<400x8xf32, #tpu.memory_space<hbm>>
          tpu.wait_dma2 semaphore(%run_scoped3A : memref<!tpu.dma_semaphore, #tpu.memory_space<semaphore_mem>>) src(%dma_wait3A_75 : memref<400x8xf32, #tpu.memory_space<hbm>>) dst(%dma_wait3A_72 : memref<400x8xf32, #tpu.memory_space<vmem_shared>>)
          tpu.yield
        }) : () -> ()
      } else {
      }
    } else {
    }
    "tpu.region"() ({
      %run_scoped3A = tpu.sem_alloc : memref<!tpu.dma_semaphore, #tpu.memory_space<semaphore_mem>>
      %dma_start3A_59 = arith.constant 0 : i32
      %dma_start3A_60 = arith.constant 0 : i32
      %dma_start3A_61 = tpu.memref_slice %arg3[%add3A_3, %arg1, %dma_start3A_59, %dma_start3A_60] : memref<2x16x80x256xi32, #tpu.memory_space<hbm>> -> memref<1x1x80x256xi32, #tpu.memory_space<hbm>>
      %dma_start3A_62 = tpu.memref_squeeze %dma_start3A_61 : memref<1x1x80x256xi32, #tpu.memory_space<hbm>> -> memref<80x256xi32, #tpu.memory_space<hbm>>
      %dma_start3A_63 = arith.constant 0 : i32
      %dma_start3A_64 = arith.constant 0 : i32
      %dma_start3A_65 = tpu.memref_slice %arg3[%add3A_3, %arg1, %dma_start3A_63, %dma_start3A_64] : memref<2x16x80x256xi32, #tpu.memory_space<hbm>> -> memref<1x1x80x256xi32, #tpu.memory_space<hbm>>
      %dma_start3A_66 = tpu.memref_squeeze %dma_start3A_65 : memref<1x1x80x256xi32, #tpu.memory_space<hbm>> -> memref<80x256xi32, #tpu.memory_space<hbm>>
      tpu.enqueue_dma source(%dma_start3A_66 : memref<80x256xi32, #tpu.memory_space<hbm>>) target(%arg10 : memref<80x256xi32, #tpu.memory_space<vmem>>) target_semaphore(%run_scoped3A : memref<!tpu.dma_semaphore, #tpu.memory_space<semaphore_mem>>)
      %dma_wait3A_67 = arith.constant 0 : i32
      %dma_wait3A_68 = arith.constant 0 : i32
      %dma_wait3A_69 = tpu.memref_slice %arg3[%add3A_3, %arg1, %dma_wait3A_67, %dma_wait3A_68] : memref<2x16x80x256xi32, #tpu.memory_space<hbm>> -> memref<1x1x80x256xi32, #tpu.memory_space<hbm>>
      %dma_wait3A_70 = tpu.memref_squeeze %dma_wait3A_69 : memref<1x1x80x256xi32, #tpu.memory_space<hbm>> -> memref<80x256xi32, #tpu.memory_space<hbm>>
      %dma_wait3A_71 = arith.constant 0 : i32
      %dma_wait3A_72 = arith.constant 0 : i32
      %dma_wait3A_73 = tpu.memref_slice %arg3[%add3A_3, %arg1, %dma_wait3A_71, %dma_wait3A_72] : memref<2x16x80x256xi32, #tpu.memory_space<hbm>> -> memref<1x1x80x256xi32, #tpu.memory_space<hbm>>
      %dma_wait3A_74 = tpu.memref_squeeze %dma_wait3A_73 : memref<1x1x80x256xi32, #tpu.memory_space<hbm>> -> memref<80x256xi32, #tpu.memory_space<hbm>>
      tpu.wait_dma2 semaphore(%run_scoped3A : memref<!tpu.dma_semaphore, #tpu.memory_space<semaphore_mem>>) src(%dma_wait3A_74 : memref<80x256xi32, #tpu.memory_space<hbm>>) dst(%arg10 : memref<80x256xi32, #tpu.memory_space<vmem>>)
      tpu.yield
    }) : () -> ()
    "tpu.region"() ({
      %run_scoped3A = tpu.sem_alloc : memref<!tpu.dma_semaphore, #tpu.memory_space<semaphore_mem>>
      %dma_start3A_59 = arith.constant 0 : i32
      %dma_start3A_60 = arith.constant 0 : i32
      %dma_start3A_61 = tpu.memref_slice %arg4[%add3A_3, %arg1, %dma_start3A_59, %dma_start3A_60] : memref<2x16x80x256xi32, #tpu.memory_space<hbm>> -> memref<1x1x80x256xi32, #tpu.memory_space<hbm>>
      %dma_start3A_62 = tpu.memref_squeeze %dma_start3A_61 : memref<1x1x80x256xi32, #tpu.memory_space<hbm>> -> memref<80x256xi32, #tpu.memory_space<hbm>>
      %dma_start3A_63 = arith.constant 0 : i32
      %dma_start3A_64 = arith.constant 0 : i32
      %dma_start3A_65 = tpu.memref_slice %arg4[%add3A_3, %arg1, %dma_start3A_63, %dma_start3A_64] : memref<2x16x80x256xi32, #tpu.memory_space<hbm>> -> memref<1x1x80x256xi32, #tpu.memory_space<hbm>>
      %dma_start3A_66 = tpu.memref_squeeze %dma_start3A_65 : memref<1x1x80x256xi32, #tpu.memory_space<hbm>> -> memref<80x256xi32, #tpu.memory_space<hbm>>
      tpu.enqueue_dma source(%dma_start3A_66 : memref<80x256xi32, #tpu.memory_space<hbm>>) target(%arg11 : memref<80x256xi32, #tpu.memory_space<vmem>>) target_semaphore(%run_scoped3A : memref<!tpu.dma_semaphore, #tpu.memory_space<semaphore_mem>>)
      %dma_wait3A_67 = arith.constant 0 : i32
      %dma_wait3A_68 = arith.constant 0 : i32
      %dma_wait3A_69 = tpu.memref_slice %arg4[%add3A_3, %arg1, %dma_wait3A_67, %dma_wait3A_68] : memref<2x16x80x256xi32, #tpu.memory_space<hbm>> -> memref<1x1x80x256xi32, #tpu.memory_space<hbm>>
      %dma_wait3A_70 = tpu.memref_squeeze %dma_wait3A_69 : memref<1x1x80x256xi32, #tpu.memory_space<hbm>> -> memref<80x256xi32, #tpu.memory_space<hbm>>
      %dma_wait3A_71 = arith.constant 0 : i32
      %dma_wait3A_72 = arith.constant 0 : i32
      %dma_wait3A_73 = tpu.memref_slice %arg4[%add3A_3, %arg1, %dma_wait3A_71, %dma_wait3A_72] : memref<2x16x80x256xi32, #tpu.memory_space<hbm>> -> memref<1x1x80x256xi32, #tpu.memory_space<hbm>>
      %dma_wait3A_74 = tpu.memref_squeeze %dma_wait3A_73 : memref<1x1x80x256xi32, #tpu.memory_space<hbm>> -> memref<80x256xi32, #tpu.memory_space<hbm>>
      tpu.wait_dma2 semaphore(%run_scoped3A : memref<!tpu.dma_semaphore, #tpu.memory_space<semaphore_mem>>) src(%dma_wait3A_74 : memref<80x256xi32, #tpu.memory_space<hbm>>) dst(%arg11 : memref<80x256xi32, #tpu.memory_space<vmem>>)
      tpu.yield
    }) : () -> ()
    %barrier3A = arith.constant 0 : index
    tpu.barrier barrier_id(%barrier3A)
    %dma_start3A = arith.constant 0 : i32
    %dma_start3A_10 = arith.constant 0 : i32
    %dma_start3A_11 = arith.constant 0 : i32
    %dma_start3A_12 = arith.constant 0 : i32
    %dma_start3A_13 = arith.constant 0 : i32
    %dma_start3A_14 = tpu.memref_slice %arg12[%dma_start3A_10, %dma_start3A_12, %dma_start3A_13] : memref<2x256x64xf32, #tpu.memory_space<vmem>> -> memref<1x256x64xf32, #tpu.memory_space<vmem>>
    %dma_start3A_15 = tpu.memref_squeeze %dma_start3A_14 : memref<1x256x64xf32, #tpu.memory_space<vmem>> -> memref<256x64xf32, #tpu.memory_space<vmem>>
    %dma_start3A_16 = arith.constant 0 : i32
    %dma_start3A_17 = tpu.memref_slice %arg10[%dma_start3A, %dma_start3A_16] : memref<80x256xi32, #tpu.memory_space<vmem>> -> memref<1x256xi32, #tpu.memory_space<vmem>>
    %dma_start3A_18 = tpu.memref_squeeze %dma_start3A_17 : memref<1x256xi32, #tpu.memory_space<vmem>> -> memref<256xi32, #tpu.memory_space<vmem>>
    %dma_start3A_19 = arith.constant 0 : i32
    %dma_start3A_20 = arith.constant 0 : i32
    %dma_start3A_21 = tpu.memref_slice %arg2[%dma_start3A_19, %dma_start3A_20] : memref<20000x64xf32, #tpu.memory_space<hbm>> -> memref<20000x64xf32, #tpu.memory_space<hbm>>
    %dma_start3A_22 = tpu.memref_slice %arg14[%dma_start3A_11] : memref<2x!tpu.dma_semaphore, #tpu.memory_space<semaphore_mem>> -> memref<1x!tpu.dma_semaphore, #tpu.memory_space<semaphore_mem>>
    %dma_start3A_23 = tpu.memref_squeeze %dma_start3A_22 : memref<1x!tpu.dma_semaphore, #tpu.memory_space<semaphore_mem>> -> memref<!tpu.dma_semaphore, #tpu.memory_space<semaphore_mem>>
    tpu.enqueue_indirect_dma source(%dma_start3A_21 : memref<20000x64xf32, #tpu.memory_space<hbm>>) target(%dma_start3A_15 : memref<256x64xf32, #tpu.memory_space<vmem>>) offsets(%dma_start3A_18 : memref<256xi32, #tpu.memory_space<vmem>>) semaphore(%dma_start3A_23 : memref<!tpu.dma_semaphore, #tpu.memory_space<semaphore_mem>>)
    %scan3A = arith.constant 0 : i32
    %scan3A_24 = arith.constant 0 : i32
    %scan3A_25 = arith.constant 40 : i32
    %scan3A_26 = arith.addi %scan3A_24, %scan3A_25 : i32
    %scan3A_27 = arith.constant 1 : i32
    scf.for %scan3A_59 = %scan3A_24 to %scan3A_26 step %scan3A_27  : i32 {
      %mul3A_60 = arith.constant 2 : i32
      %mul3A_61 = arith.muli %mul3A_60, %scan3A_59 : i32
      %add3A_62 = arith.constant 0 : i32
      %add3A_63 = arith.addi %mul3A_61, %add3A_62 : i32
      %dma_wait3A_64 = arith.constant 0 : i32
      %dma_wait3A_65 = arith.constant 0 : i32
      %dma_wait3A_66 = arith.constant 0 : i32
      %dma_wait3A_67 = arith.constant 0 : i32
      %dma_wait3A_68 = tpu.memref_slice %arg12[%dma_wait3A_64, %dma_wait3A_66, %dma_wait3A_67] : memref<2x256x64xf32, #tpu.memory_space<vmem>> -> memref<1x256x64xf32, #tpu.memory_space<vmem>>
      %dma_wait3A_69 = tpu.memref_squeeze %dma_wait3A_68 : memref<1x256x64xf32, #tpu.memory_space<vmem>> -> memref<256x64xf32, #tpu.memory_space<vmem>>
      %dma_wait3A_70 = arith.constant 0 : i32
      %dma_wait3A_71 = tpu.memref_slice %arg10[%add3A_63, %dma_wait3A_70] : memref<80x256xi32, #tpu.memory_space<vmem>> -> memref<1x256xi32, #tpu.memory_space<vmem>>
      %dma_wait3A_72 = tpu.memref_squeeze %dma_wait3A_71 : memref<1x256xi32, #tpu.memory_space<vmem>> -> memref<256xi32, #tpu.memory_space<vmem>>
      %dma_wait3A_73 = arith.constant 0 : i32
      %dma_wait3A_74 = arith.constant 0 : i32
      %dma_wait3A_75 = tpu.memref_slice %arg2[%dma_wait3A_73, %dma_wait3A_74] : memref<20000x64xf32, #tpu.memory_space<hbm>> -> memref<20000x64xf32, #tpu.memory_space<hbm>>
      %dma_wait3A_76 = tpu.memref_slice %arg14[%dma_wait3A_65] : memref<2x!tpu.dma_semaphore, #tpu.memory_space<semaphore_mem>> -> memref<1x!tpu.dma_semaphore, #tpu.memory_space<semaphore_mem>>
      %dma_wait3A_77 = tpu.memref_squeeze %dma_wait3A_76 : memref<1x!tpu.dma_semaphore, #tpu.memory_space<semaphore_mem>> -> memref<!tpu.dma_semaphore, #tpu.memory_space<semaphore_mem>>
      tpu.wait_indirect_dma semaphore(%dma_wait3A_77 : memref<!tpu.dma_semaphore, #tpu.memory_space<semaphore_mem>>) src(%dma_wait3A_75 : memref<20000x64xf32, #tpu.memory_space<hbm>>) dst(%dma_wait3A_69 : memref<256x64xf32, #tpu.memory_space<vmem>>)
      %dma_start3A_78 = arith.constant 0 : i32
      %dma_start3A_79 = arith.constant 0 : i32
      %dma_start3A_80 = arith.constant 0 : i32
      %dma_start3A_81 = arith.constant 0 : i32
      %dma_start3A_82 = tpu.memref_slice %arg12[%dma_start3A_78, %dma_start3A_80, %dma_start3A_81] : memref<2x256x64xf32, #tpu.memory_space<vmem>> -> memref<1x256x64xf32, #tpu.memory_space<vmem>>
      %dma_start3A_83 = tpu.memref_squeeze %dma_start3A_82 : memref<1x256x64xf32, #tpu.memory_space<vmem>> -> memref<256x64xf32, #tpu.memory_space<vmem>>
      %dma_start3A_84 = arith.constant 0 : i32
      %dma_start3A_85 = tpu.memref_slice %arg11[%add3A_63, %dma_start3A_84] : memref<80x256xi32, #tpu.memory_space<vmem>> -> memref<1x256xi32, #tpu.memory_space<vmem>>
      %dma_start3A_86 = tpu.memref_squeeze %dma_start3A_85 : memref<1x256xi32, #tpu.memory_space<vmem>> -> memref<256xi32, #tpu.memory_space<vmem>>
      %dma_start3A_87 = arith.constant 0 : i32
      %dma_start3A_88 = arith.constant 0 : i32
      %dma_start3A_89 = tpu.memref_slice %arg13[%dma_start3A_87, %dma_start3A_88] : memref<10008x64xf32, #tpu.memory_space<vmem_shared>> -> memref<10008x64xf32, #tpu.memory_space<vmem_shared>>
      %dma_start3A_90 = tpu.memref_slice %arg15[%dma_start3A_79] : memref<2x!tpu.dma_semaphore, #tpu.memory_space<semaphore_mem>> -> memref<1x!tpu.dma_semaphore, #tpu.memory_space<semaphore_mem>>
      %dma_start3A_91 = tpu.memref_squeeze %dma_start3A_90 : memref<1x!tpu.dma_semaphore, #tpu.memory_space<semaphore_mem>> -> memref<!tpu.dma_semaphore, #tpu.memory_space<semaphore_mem>>
      tpu.enqueue_indirect_dma source(%dma_start3A_83 : memref<256x64xf32, #tpu.memory_space<vmem>>) target(%dma_start3A_89 : memref<10008x64xf32, #tpu.memory_space<vmem_shared>>) offsets(%dma_start3A_86 : memref<256xi32, #tpu.memory_space<vmem>>) semaphore(%dma_start3A_91 : memref<!tpu.dma_semaphore, #tpu.memory_space<semaphore_mem>>) {add = true}
      %eq3A_92 = arith.constant 0 : i32
      %eq3A_93 = arith.cmpi eq, %arg0, %eq3A_92 : i32
      %convert_element_type3A_94 = arith.extui %eq3A_93 : i1 to i32
      %cond3A_95 = arith.constant 0 : i32
      %cond3A_96 = arith.cmpi ne, %convert_element_type3A_94, %cond3A_95 : i32
      scf.if %cond3A_96 {
        %dma_start3A_155 = arith.constant 0 : i32
        %dma_start3A_156 = arith.constant 0 : i32
        %dma_start3A_157 = tpu.memref_slice %arg11[%add3A_63, %dma_start3A_156] : memref<80x256xi32, #tpu.memory_space<vmem>> -> memref<1x256xi32, #tpu.memory_space<vmem>>
        %dma_start3A_158 = tpu.memref_squeeze %dma_start3A_157 : memref<1x256xi32, #tpu.memory_space<vmem>> -> memref<256xi32, #tpu.memory_space<vmem>>
        %dma_start3A_159 = arith.constant 0 : i32
        %dma_start3A_160 = arith.constant 0 : i32
        %dma_start3A_161 = tpu.memref_slice %arg17[%dma_start3A_159, %dma_start3A_160] : memref<10008x8xf32, #tpu.memory_space<vmem_shared>> -> memref<10008x8xf32, #tpu.memory_space<vmem_shared>>
        %dma_start3A_162 = tpu.memref_slice %arg18[%dma_start3A_155] : memref<2x!tpu.dma_semaphore, #tpu.memory_space<semaphore_mem>> -> memref<1x!tpu.dma_semaphore, #tpu.memory_space<semaphore_mem>>
        %dma_start3A_163 = tpu.memref_squeeze %dma_start3A_162 : memref<1x!tpu.dma_semaphore, #tpu.memory_space<semaphore_mem>> -> memref<!tpu.dma_semaphore, #tpu.memory_space<semaphore_mem>>
        tpu.enqueue_indirect_dma source(%arg16 : memref<256x8xf32, #tpu.memory_space<vmem>>) target(%dma_start3A_161 : memref<10008x8xf32, #tpu.memory_space<vmem_shared>>) offsets(%dma_start3A_158 : memref<256xi32, #tpu.memory_space<vmem>>) semaphore(%dma_start3A_163 : memref<!tpu.dma_semaphore, #tpu.memory_space<semaphore_mem>>) {add = true}
      } else {
      }
      %ge3A = arith.constant 1 : i32
      %ge3A_97 = arith.cmpi sge, %add3A_63, %ge3A : i32
      %convert_element_type3A_98 = arith.extui %ge3A_97 : i1 to i32
      %cond3A_99 = arith.constant 0 : i32
      %cond3A_100 = arith.cmpi ne, %convert_element_type3A_98, %cond3A_99 : i32
      scf.if %cond3A_100 {
        %sub3A = arith.constant 1 : i32
        %sub3A_155 = arith.subi %add3A_63, %sub3A : i32
        %dma_wait3A_156 = arith.constant 1 : i32
        %dma_wait3A_157 = arith.constant 1 : i32
        %dma_wait3A_158 = arith.constant 0 : i32
        %dma_wait3A_159 = arith.constant 0 : i32
        %dma_wait3A_160 = tpu.memref_slice %arg12[%dma_wait3A_156, %dma_wait3A_158, %dma_wait3A_159] : memref<2x256x64xf32, #tpu.memory_space<vmem>> -> memref<1x256x64xf32, #tpu.memory_space<vmem>>
        %dma_wait3A_161 = tpu.memref_squeeze %dma_wait3A_160 : memref<1x256x64xf32, #tpu.memory_space<vmem>> -> memref<256x64xf32, #tpu.memory_space<vmem>>
        %dma_wait3A_162 = arith.constant 0 : i32
        %dma_wait3A_163 = tpu.memref_slice %arg11[%sub3A_155, %dma_wait3A_162] : memref<80x256xi32, #tpu.memory_space<vmem>> -> memref<1x256xi32, #tpu.memory_space<vmem>>
        %dma_wait3A_164 = tpu.memref_squeeze %dma_wait3A_163 : memref<1x256xi32, #tpu.memory_space<vmem>> -> memref<256xi32, #tpu.memory_space<vmem>>
        %dma_wait3A_165 = arith.constant 0 : i32
        %dma_wait3A_166 = arith.constant 0 : i32
        %dma_wait3A_167 = tpu.memref_slice %arg13[%dma_wait3A_165, %dma_wait3A_166] : memref<10008x64xf32, #tpu.memory_space<vmem_shared>> -> memref<10008x64xf32, #tpu.memory_space<vmem_shared>>
        %dma_wait3A_168 = tpu.memref_slice %arg15[%dma_wait3A_157] : memref<2x!tpu.dma_semaphore, #tpu.memory_space<semaphore_mem>> -> memref<1x!tpu.dma_semaphore, #tpu.memory_space<semaphore_mem>>
        %dma_wait3A_169 = tpu.memref_squeeze %dma_wait3A_168 : memref<1x!tpu.dma_semaphore, #tpu.memory_space<semaphore_mem>> -> memref<!tpu.dma_semaphore, #tpu.memory_space<semaphore_mem>>
        tpu.wait_indirect_dma semaphore(%dma_wait3A_169 : memref<!tpu.dma_semaphore, #tpu.memory_space<semaphore_mem>>) src(%dma_wait3A_161 : memref<256x64xf32, #tpu.memory_space<vmem>>) dst(%dma_wait3A_167 : memref<10008x64xf32, #tpu.memory_space<vmem_shared>>)
        %eq3A_170 = arith.constant 0 : i32
        %eq3A_171 = arith.cmpi eq, %arg0, %eq3A_170 : i32
        %convert_element_type3A_172 = arith.extui %eq3A_171 : i1 to i32
        %cond3A_173 = arith.constant 0 : i32
        %cond3A_174 = arith.cmpi ne, %convert_element_type3A_172, %cond3A_173 : i32
        scf.if %cond3A_174 {
          %dma_wait3A_175 = arith.constant 1 : i32
          %dma_wait3A_176 = arith.constant 0 : i32
          %dma_wait3A_177 = tpu.memref_slice %arg11[%sub3A_155, %dma_wait3A_176] : memref<80x256xi32, #tpu.memory_space<vmem>> -> memref<1x256xi32, #tpu.memory_space<vmem>>
          %dma_wait3A_178 = tpu.memref_squeeze %dma_wait3A_177 : memref<1x256xi32, #tpu.memory_space<vmem>> -> memref<256xi32, #tpu.memory_space<vmem>>
          %dma_wait3A_179 = arith.constant 0 : i32
          %dma_wait3A_180 = arith.constant 0 : i32
          %dma_wait3A_181 = tpu.memref_slice %arg17[%dma_wait3A_179, %dma_wait3A_180] : memref<10008x8xf32, #tpu.memory_space<vmem_shared>> -> memref<10008x8xf32, #tpu.memory_space<vmem_shared>>
          %dma_wait3A_182 = tpu.memref_slice %arg18[%dma_wait3A_175] : memref<2x!tpu.dma_semaphore, #tpu.memory_space<semaphore_mem>> -> memref<1x!tpu.dma_semaphore, #tpu.memory_space<semaphore_mem>>
          %dma_wait3A_183 = tpu.memref_squeeze %dma_wait3A_182 : memref<1x!tpu.dma_semaphore, #tpu.memory_space<semaphore_mem>> -> memref<!tpu.dma_semaphore, #tpu.memory_space<semaphore_mem>>
          tpu.wait_indirect_dma semaphore(%dma_wait3A_183 : memref<!tpu.dma_semaphore, #tpu.memory_space<semaphore_mem>>) src(%arg16 : memref<256x8xf32, #tpu.memory_space<vmem>>) dst(%dma_wait3A_181 : memref<10008x8xf32, #tpu.memory_space<vmem_shared>>)
        } else {
        }
      } else {
      }
      %add3A_101 = arith.constant 1 : i32
      %add3A_102 = arith.addi %add3A_63, %add3A_101 : i32
      %lt3A_103 = arith.constant 80 : i32
      %lt3A_104 = arith.cmpi slt, %add3A_102, %lt3A_103 : i32
      %convert_element_type3A_105 = arith.extui %lt3A_104 : i1 to i32
      %cond3A_106 = arith.constant 0 : i32
      %cond3A_107 = arith.cmpi ne, %convert_element_type3A_105, %cond3A_106 : i32
      scf.if %cond3A_107 {
        %add3A_155 = arith.constant 1 : i32
        %add3A_156 = arith.addi %add3A_63, %add3A_155 : i32
        %dma_start3A_157 = arith.constant 1 : i32
        %dma_start3A_158 = arith.constant 1 : i32
        %dma_start3A_159 = arith.constant 0 : i32
        %dma_start3A_160 = arith.constant 0 : i32
        %dma_start3A_161 = tpu.memref_slice %arg12[%dma_start3A_157, %dma_start3A_159, %dma_start3A_160] : memref<2x256x64xf32, #tpu.memory_space<vmem>> -> memref<1x256x64xf32, #tpu.memory_space<vmem>>
        %dma_start3A_162 = tpu.memref_squeeze %dma_start3A_161 : memref<1x256x64xf32, #tpu.memory_space<vmem>> -> memref<256x64xf32, #tpu.memory_space<vmem>>
        %dma_start3A_163 = arith.constant 0 : i32
        %dma_start3A_164 = tpu.memref_slice %arg10[%add3A_156, %dma_start3A_163] : memref<80x256xi32, #tpu.memory_space<vmem>> -> memref<1x256xi32, #tpu.memory_space<vmem>>
        %dma_start3A_165 = tpu.memref_squeeze %dma_start3A_164 : memref<1x256xi32, #tpu.memory_space<vmem>> -> memref<256xi32, #tpu.memory_space<vmem>>
        %dma_start3A_166 = arith.constant 0 : i32
        %dma_start3A_167 = arith.constant 0 : i32
        %dma_start3A_168 = tpu.memref_slice %arg2[%dma_start3A_166, %dma_start3A_167] : memref<20000x64xf32, #tpu.memory_space<hbm>> -> memref<20000x64xf32, #tpu.memory_space<hbm>>
        %dma_start3A_169 = tpu.memref_slice %arg14[%dma_start3A_158] : memref<2x!tpu.dma_semaphore, #tpu.memory_space<semaphore_mem>> -> memref<1x!tpu.dma_semaphore, #tpu.memory_space<semaphore_mem>>
        %dma_start3A_170 = tpu.memref_squeeze %dma_start3A_169 : memref<1x!tpu.dma_semaphore, #tpu.memory_space<semaphore_mem>> -> memref<!tpu.dma_semaphore, #tpu.memory_space<semaphore_mem>>
        tpu.enqueue_indirect_dma source(%dma_start3A_168 : memref<20000x64xf32, #tpu.memory_space<hbm>>) target(%dma_start3A_162 : memref<256x64xf32, #tpu.memory_space<vmem>>) offsets(%dma_start3A_165 : memref<256xi32, #tpu.memory_space<vmem>>) semaphore(%dma_start3A_170 : memref<!tpu.dma_semaphore, #tpu.memory_space<semaphore_mem>>)
      } else {
      }
      %add3A_108 = arith.constant 1 : i32
      %add3A_109 = arith.addi %mul3A_61, %add3A_108 : i32
      %dma_wait3A_110 = arith.constant 1 : i32
      %dma_wait3A_111 = arith.constant 1 : i32
      %dma_wait3A_112 = arith.constant 0 : i32
      %dma_wait3A_113 = arith.constant 0 : i32
      %dma_wait3A_114 = tpu.memref_slice %arg12[%dma_wait3A_110, %dma_wait3A_112, %dma_wait3A_113] : memref<2x256x64xf32, #tpu.memory_space<vmem>> -> memref<1x256x64xf32, #tpu.memory_space<vmem>>
      %dma_wait3A_115 = tpu.memref_squeeze %dma_wait3A_114 : memref<1x256x64xf32, #tpu.memory_space<vmem>> -> memref<256x64xf32, #tpu.memory_space<vmem>>
      %dma_wait3A_116 = arith.constant 0 : i32
      %dma_wait3A_117 = tpu.memref_slice %arg10[%add3A_109, %dma_wait3A_116] : memref<80x256xi32, #tpu.memory_space<vmem>> -> memref<1x256xi32, #tpu.memory_space<vmem>>
      %dma_wait3A_118 = tpu.memref_squeeze %dma_wait3A_117 : memref<1x256xi32, #tpu.memory_space<vmem>> -> memref<256xi32, #tpu.memory_space<vmem>>
      %dma_wait3A_119 = arith.constant 0 : i32
      %dma_wait3A_120 = arith.constant 0 : i32
      %dma_wait3A_121 = tpu.memref_slice %arg2[%dma_wait3A_119, %dma_wait3A_120] : memref<20000x64xf32, #tpu.memory_space<hbm>> -> memref<20000x64xf32, #tpu.memory_space<hbm>>
      %dma_wait3A_122 = tpu.memref_slice %arg14[%dma_wait3A_111] : memref<2x!tpu.dma_semaphore, #tpu.memory_space<semaphore_mem>> -> memref<1x!tpu.dma_semaphore, #tpu.memory_space<semaphore_mem>>
      %dma_wait3A_123 = tpu.memref_squeeze %dma_wait3A_122 : memref<1x!tpu.dma_semaphore, #tpu.memory_space<semaphore_mem>> -> memref<!tpu.dma_semaphore, #tpu.memory_space<semaphore_mem>>
      tpu.wait_indirect_dma semaphore(%dma_wait3A_123 : memref<!tpu.dma_semaphore, #tpu.memory_space<semaphore_mem>>) src(%dma_wait3A_121 : memref<20000x64xf32, #tpu.memory_space<hbm>>) dst(%dma_wait3A_115 : memref<256x64xf32, #tpu.memory_space<vmem>>)
      %dma_start3A_124 = arith.constant 1 : i32
      %dma_start3A_125 = arith.constant 1 : i32
      %dma_start3A_126 = arith.constant 0 : i32
      %dma_start3A_127 = arith.constant 0 : i32
      %dma_start3A_128 = tpu.memref_slice %arg12[%dma_start3A_124, %dma_start3A_126, %dma_start3A_127] : memref<2x256x64xf32, #tpu.memory_space<vmem>> -> memref<1x256x64xf32, #tpu.memory_space<vmem>>
      %dma_start3A_129 = tpu.memref_squeeze %dma_start3A_128 : memref<1x256x64xf32, #tpu.memory_space<vmem>> -> memref<256x64xf32, #tpu.memory_space<vmem>>
      %dma_start3A_130 = arith.constant 0 : i32
      %dma_start3A_131 = tpu.memref_slice %arg11[%add3A_109, %dma_start3A_130] : memref<80x256xi32, #tpu.memory_space<vmem>> -> memref<1x256xi32, #tpu.memory_space<vmem>>
      %dma_start3A_132 = tpu.memref_squeeze %dma_start3A_131 : memref<1x256xi32, #tpu.memory_space<vmem>> -> memref<256xi32, #tpu.memory_space<vmem>>
      %dma_start3A_133 = arith.constant 0 : i32
      %dma_start3A_134 = arith.constant 0 : i32
      %dma_start3A_135 = tpu.memref_slice %arg13[%dma_start3A_133, %dma_start3A_134] : memref<10008x64xf32, #tpu.memory_space<vmem_shared>> -> memref<10008x64xf32, #tpu.memory_space<vmem_shared>>
      %dma_start3A_136 = tpu.memref_slice %arg15[%dma_start3A_125] : memref<2x!tpu.dma_semaphore, #tpu.memory_space<semaphore_mem>> -> memref<1x!tpu.dma_semaphore, #tpu.memory_space<semaphore_mem>>
      %dma_start3A_137 = tpu.memref_squeeze %dma_start3A_136 : memref<1x!tpu.dma_semaphore, #tpu.memory_space<semaphore_mem>> -> memref<!tpu.dma_semaphore, #tpu.memory_space<semaphore_mem>>
      tpu.enqueue_indirect_dma source(%dma_start3A_129 : memref<256x64xf32, #tpu.memory_space<vmem>>) target(%dma_start3A_135 : memref<10008x64xf32, #tpu.memory_space<vmem_shared>>) offsets(%dma_start3A_132 : memref<256xi32, #tpu.memory_space<vmem>>) semaphore(%dma_start3A_137 : memref<!tpu.dma_semaphore, #tpu.memory_space<semaphore_mem>>) {add = true}
      %eq3A_138 = arith.constant 0 : i32
      %eq3A_139 = arith.cmpi eq, %arg0, %eq3A_138 : i32
      %convert_element_type3A_140 = arith.extui %eq3A_139 : i1 to i32
      %cond3A_141 = arith.constant 0 : i32
      %cond3A_142 = arith.cmpi ne, %convert_element_type3A_140, %cond3A_141 : i32
      scf.if %cond3A_142 {
        %dma_start3A_155 = arith.constant 1 : i32
        %dma_start3A_156 = arith.constant 0 : i32
        %dma_start3A_157 = tpu.memref_slice %arg11[%add3A_109, %dma_start3A_156] : memref<80x256xi32, #tpu.memory_space<vmem>> -> memref<1x256xi32, #tpu.memory_space<vmem>>
        %dma_start3A_158 = tpu.memref_squeeze %dma_start3A_157 : memref<1x256xi32, #tpu.memory_space<vmem>> -> memref<256xi32, #tpu.memory_space<vmem>>
        %dma_start3A_159 = arith.constant 0 : i32
        %dma_start3A_160 = arith.constant 0 : i32
        %dma_start3A_161 = tpu.memref_slice %arg17[%dma_start3A_159, %dma_start3A_160] : memref<10008x8xf32, #tpu.memory_space<vmem_shared>> -> memref<10008x8xf32, #tpu.memory_space<vmem_shared>>
        %dma_start3A_162 = tpu.memref_slice %arg18[%dma_start3A_155] : memref<2x!tpu.dma_semaphore, #tpu.memory_space<semaphore_mem>> -> memref<1x!tpu.dma_semaphore, #tpu.memory_space<semaphore_mem>>
        %dma_start3A_163 = tpu.memref_squeeze %dma_start3A_162 : memref<1x!tpu.dma_semaphore, #tpu.memory_space<semaphore_mem>> -> memref<!tpu.dma_semaphore, #tpu.memory_space<semaphore_mem>>
        tpu.enqueue_indirect_dma source(%arg16 : memref<256x8xf32, #tpu.memory_space<vmem>>) target(%dma_start3A_161 : memref<10008x8xf32, #tpu.memory_space<vmem_shared>>) offsets(%dma_start3A_158 : memref<256xi32, #tpu.memory_space<vmem>>) semaphore(%dma_start3A_163 : memref<!tpu.dma_semaphore, #tpu.memory_space<semaphore_mem>>) {add = true}
      } else {
      }
      %ge3A_143 = arith.constant 1 : i32
      %ge3A_144 = arith.cmpi sge, %add3A_109, %ge3A_143 : i32
      %convert_element_type3A_145 = arith.extui %ge3A_144 : i1 to i32
      %cond3A_146 = arith.constant 0 : i32
      %cond3A_147 = arith.cmpi ne, %convert_element_type3A_145, %cond3A_146 : i32
      scf.if %cond3A_147 {
        %sub3A = arith.constant 1 : i32
        %sub3A_155 = arith.subi %add3A_109, %sub3A : i32
        %dma_wait3A_156 = arith.constant 0 : i32
        %dma_wait3A_157 = arith.constant 0 : i32
        %dma_wait3A_158 = arith.constant 0 : i32
        %dma_wait3A_159 = arith.constant 0 : i32
        %dma_wait3A_160 = tpu.memref_slice %arg12[%dma_wait3A_156, %dma_wait3A_158, %dma_wait3A_159] : memref<2x256x64xf32, #tpu.memory_space<vmem>> -> memref<1x256x64xf32, #tpu.memory_space<vmem>>
        %dma_wait3A_161 = tpu.memref_squeeze %dma_wait3A_160 : memref<1x256x64xf32, #tpu.memory_space<vmem>> -> memref<256x64xf32, #tpu.memory_space<vmem>>
        %dma_wait3A_162 = arith.constant 0 : i32
        %dma_wait3A_163 = tpu.memref_slice %arg11[%sub3A_155, %dma_wait3A_162] : memref<80x256xi32, #tpu.memory_space<vmem>> -> memref<1x256xi32, #tpu.memory_space<vmem>>
        %dma_wait3A_164 = tpu.memref_squeeze %dma_wait3A_163 : memref<1x256xi32, #tpu.memory_space<vmem>> -> memref<256xi32, #tpu.memory_space<vmem>>
        %dma_wait3A_165 = arith.constant 0 : i32
        %dma_wait3A_166 = arith.constant 0 : i32
        %dma_wait3A_167 = tpu.memref_slice %arg13[%dma_wait3A_165, %dma_wait3A_166] : memref<10008x64xf32, #tpu.memory_space<vmem_shared>> -> memref<10008x64xf32, #tpu.memory_space<vmem_shared>>
        %dma_wait3A_168 = tpu.memref_slice %arg15[%dma_wait3A_157] : memref<2x!tpu.dma_semaphore, #tpu.memory_space<semaphore_mem>> -> memref<1x!tpu.dma_semaphore, #tpu.memory_space<semaphore_mem>>
        %dma_wait3A_169 = tpu.memref_squeeze %dma_wait3A_168 : memref<1x!tpu.dma_semaphore, #tpu.memory_space<semaphore_mem>> -> memref<!tpu.dma_semaphore, #tpu.memory_space<semaphore_mem>>
        tpu.wait_indirect_dma semaphore(%dma_wait3A_169 : memref<!tpu.dma_semaphore, #tpu.memory_space<semaphore_mem>>) src(%dma_wait3A_161 : memref<256x64xf32, #tpu.memory_space<vmem>>) dst(%dma_wait3A_167 : memref<10008x64xf32, #tpu.memory_space<vmem_shared>>)
        %eq3A_170 = arith.constant 0 : i32
        %eq3A_171 = arith.cmpi eq, %arg0, %eq3A_170 : i32
        %convert_element_type3A_172 = arith.extui %eq3A_171 : i1 to i32
        %cond3A_173 = arith.constant 0 : i32
        %cond3A_174 = arith.cmpi ne, %convert_element_type3A_172, %cond3A_173 : i32
        scf.if %cond3A_174 {
          %dma_wait3A_175 = arith.constant 0 : i32
          %dma_wait3A_176 = arith.constant 0 : i32
          %dma_wait3A_177 = tpu.memref_slice %arg11[%sub3A_155, %dma_wait3A_176] : memref<80x256xi32, #tpu.memory_space<vmem>> -> memref<1x256xi32, #tpu.memory_space<vmem>>
          %dma_wait3A_178 = tpu.memref_squeeze %dma_wait3A_177 : memref<1x256xi32, #tpu.memory_space<vmem>> -> memref<256xi32, #tpu.memory_space<vmem>>
          %dma_wait3A_179 = arith.constant 0 : i32
          %dma_wait3A_180 = arith.constant 0 : i32
          %dma_wait3A_181 = tpu.memref_slice %arg17[%dma_wait3A_179, %dma_wait3A_180] : memref<10008x8xf32, #tpu.memory_space<vmem_shared>> -> memref<10008x8xf32, #tpu.memory_space<vmem_shared>>
          %dma_wait3A_182 = tpu.memref_slice %arg18[%dma_wait3A_175] : memref<2x!tpu.dma_semaphore, #tpu.memory_space<semaphore_mem>> -> memref<1x!tpu.dma_semaphore, #tpu.memory_space<semaphore_mem>>
          %dma_wait3A_183 = tpu.memref_squeeze %dma_wait3A_182 : memref<1x!tpu.dma_semaphore, #tpu.memory_space<semaphore_mem>> -> memref<!tpu.dma_semaphore, #tpu.memory_space<semaphore_mem>>
          tpu.wait_indirect_dma semaphore(%dma_wait3A_183 : memref<!tpu.dma_semaphore, #tpu.memory_space<semaphore_mem>>) src(%arg16 : memref<256x8xf32, #tpu.memory_space<vmem>>) dst(%dma_wait3A_181 : memref<10008x8xf32, #tpu.memory_space<vmem_shared>>)
        } else {
        }
      } else {
      }
      %add3A_148 = arith.constant 1 : i32
      %add3A_149 = arith.addi %add3A_109, %add3A_148 : i32
      %lt3A_150 = arith.constant 80 : i32
      %lt3A_151 = arith.cmpi slt, %add3A_149, %lt3A_150 : i32
      %convert_element_type3A_152 = arith.extui %lt3A_151 : i1 to i32
      %cond3A_153 = arith.constant 0 : i32
      %cond3A_154 = arith.cmpi ne, %convert_element_type3A_152, %cond3A_153 : i32
      scf.if %cond3A_154 {
        %add3A_155 = arith.constant 1 : i32
        %add3A_156 = arith.addi %add3A_109, %add3A_155 : i32
        %dma_start3A_157 = arith.constant 0 : i32
        %dma_start3A_158 = arith.constant 0 : i32
        %dma_start3A_159 = arith.constant 0 : i32
        %dma_start3A_160 = arith.constant 0 : i32
        %dma_start3A_161 = tpu.memref_slice %arg12[%dma_start3A_157, %dma_start3A_159, %dma_start3A_160] : memref<2x256x64xf32, #tpu.memory_space<vmem>> -> memref<1x256x64xf32, #tpu.memory_space<vmem>>
        %dma_start3A_162 = tpu.memref_squeeze %dma_start3A_161 : memref<1x256x64xf32, #tpu.memory_space<vmem>> -> memref<256x64xf32, #tpu.memory_space<vmem>>
        %dma_start3A_163 = arith.constant 0 : i32
        %dma_start3A_164 = tpu.memref_slice %arg10[%add3A_156, %dma_start3A_163] : memref<80x256xi32, #tpu.memory_space<vmem>> -> memref<1x256xi32, #tpu.memory_space<vmem>>
        %dma_start3A_165 = tpu.memref_squeeze %dma_start3A_164 : memref<1x256xi32, #tpu.memory_space<vmem>> -> memref<256xi32, #tpu.memory_space<vmem>>
        %dma_start3A_166 = arith.constant 0 : i32
        %dma_start3A_167 = arith.constant 0 : i32
        %dma_start3A_168 = tpu.memref_slice %arg2[%dma_start3A_166, %dma_start3A_167] : memref<20000x64xf32, #tpu.memory_space<hbm>> -> memref<20000x64xf32, #tpu.memory_space<hbm>>
        %dma_start3A_169 = tpu.memref_slice %arg14[%dma_start3A_158] : memref<2x!tpu.dma_semaphore, #tpu.memory_space<semaphore_mem>> -> memref<1x!tpu.dma_semaphore, #tpu.memory_space<semaphore_mem>>
        %dma_start3A_170 = tpu.memref_squeeze %dma_start3A_169 : memref<1x!tpu.dma_semaphore, #tpu.memory_space<semaphore_mem>> -> memref<!tpu.dma_semaphore, #tpu.memory_space<semaphore_mem>>
        tpu.enqueue_indirect_dma source(%dma_start3A_168 : memref<20000x64xf32, #tpu.memory_space<hbm>>) target(%dma_start3A_162 : memref<256x64xf32, #tpu.memory_space<vmem>>) offsets(%dma_start3A_165 : memref<256xi32, #tpu.memory_space<vmem>>) semaphore(%dma_start3A_170 : memref<!tpu.dma_semaphore, #tpu.memory_space<semaphore_mem>>)
      } else {
      }
    }
    %scan3A_28 = arith.constant 40 : i32
    %dma_wait3A = arith.constant 1 : i32
    %dma_wait3A_29 = arith.constant 79 : i32
    %dma_wait3A_30 = arith.constant 1 : i32
    %dma_wait3A_31 = arith.constant 0 : i32
    %dma_wait3A_32 = arith.constant 0 : i32
    %dma_wait3A_33 = tpu.memref_slice %arg12[%dma_wait3A, %dma_wait3A_31, %dma_wait3A_32] : memref<2x256x64xf32, #tpu.memory_space<vmem>> -> memref<1x256x64xf32, #tpu.memory_space<vmem>>
    %dma_wait3A_34 = tpu.memref_squeeze %dma_wait3A_33 : memref<1x256x64xf32, #tpu.memory_space<vmem>> -> memref<256x64xf32, #tpu.memory_space<vmem>>
    %dma_wait3A_35 = arith.constant 0 : i32
    %dma_wait3A_36 = tpu.memref_slice %arg11[%dma_wait3A_29, %dma_wait3A_35] : memref<80x256xi32, #tpu.memory_space<vmem>> -> memref<1x256xi32, #tpu.memory_space<vmem>>
    %dma_wait3A_37 = tpu.memref_squeeze %dma_wait3A_36 : memref<1x256xi32, #tpu.memory_space<vmem>> -> memref<256xi32, #tpu.memory_space<vmem>>
    %dma_wait3A_38 = arith.constant 0 : i32
    %dma_wait3A_39 = arith.constant 0 : i32
    %dma_wait3A_40 = tpu.memref_slice %arg13[%dma_wait3A_38, %dma_wait3A_39] : memref<10008x64xf32, #tpu.memory_space<vmem_shared>> -> memref<10008x64xf32, #tpu.memory_space<vmem_shared>>
    %dma_wait3A_41 = tpu.memref_slice %arg15[%dma_wait3A_30] : memref<2x!tpu.dma_semaphore, #tpu.memory_space<semaphore_mem>> -> memref<1x!tpu.dma_semaphore, #tpu.memory_space<semaphore_mem>>
    %dma_wait3A_42 = tpu.memref_squeeze %dma_wait3A_41 : memref<1x!tpu.dma_semaphore, #tpu.memory_space<semaphore_mem>> -> memref<!tpu.dma_semaphore, #tpu.memory_space<semaphore_mem>>
    tpu.wait_indirect_dma semaphore(%dma_wait3A_42 : memref<!tpu.dma_semaphore, #tpu.memory_space<semaphore_mem>>) src(%dma_wait3A_34 : memref<256x64xf32, #tpu.memory_space<vmem>>) dst(%dma_wait3A_40 : memref<10008x64xf32, #tpu.memory_space<vmem_shared>>)
    %eq3A_43 = arith.constant 0 : i32
    %eq3A_44 = arith.cmpi eq, %arg0, %eq3A_43 : i32
    %convert_element_type3A_45 = arith.extui %eq3A_44 : i1 to i32
    %cond3A_46 = arith.constant 0 : i32
    %cond3A_47 = arith.cmpi ne, %convert_element_type3A_45, %cond3A_46 : i32
    scf.if %cond3A_47 {
      %dma_wait3A_59 = arith.constant 79 : i32
      %dma_wait3A_60 = arith.constant 1 : i32
      %dma_wait3A_61 = arith.constant 0 : i32
      %dma_wait3A_62 = tpu.memref_slice %arg11[%dma_wait3A_59, %dma_wait3A_61] : memref<80x256xi32, #tpu.memory_space<vmem>> -> memref<1x256xi32, #tpu.memory_space<vmem>>
      %dma_wait3A_63 = tpu.memref_squeeze %dma_wait3A_62 : memref<1x256xi32, #tpu.memory_space<vmem>> -> memref<256xi32, #tpu.memory_space<vmem>>
      %dma_wait3A_64 = arith.constant 0 : i32
      %dma_wait3A_65 = arith.constant 0 : i32
      %dma_wait3A_66 = tpu.memref_slice %arg17[%dma_wait3A_64, %dma_wait3A_65] : memref<10008x8xf32, #tpu.memory_space<vmem_shared>> -> memref<10008x8xf32, #tpu.memory_space<vmem_shared>>
      %dma_wait3A_67 = tpu.memref_slice %arg18[%dma_wait3A_60] : memref<2x!tpu.dma_semaphore, #tpu.memory_space<semaphore_mem>> -> memref<1x!tpu.dma_semaphore, #tpu.memory_space<semaphore_mem>>
      %dma_wait3A_68 = tpu.memref_squeeze %dma_wait3A_67 : memref<1x!tpu.dma_semaphore, #tpu.memory_space<semaphore_mem>> -> memref<!tpu.dma_semaphore, #tpu.memory_space<semaphore_mem>>
      tpu.wait_indirect_dma semaphore(%dma_wait3A_68 : memref<!tpu.dma_semaphore, #tpu.memory_space<semaphore_mem>>) src(%arg16 : memref<256x8xf32, #tpu.memory_space<vmem>>) dst(%dma_wait3A_66 : memref<10008x8xf32, #tpu.memory_space<vmem_shared>>)
    } else {
    }
    %barrier3A_48 = arith.constant 0 : index
    tpu.barrier barrier_id(%barrier3A_48)
    %lt3A_49 = arith.constant 15 : i32
    %lt3A_50 = arith.cmpi slt, %arg1, %lt3A_49 : i32
    %convert_element_type3A_51 = arith.extui %lt3A_50 : i1 to i32
    %cond3A_52 = arith.constant 0 : i32
    %cond3A_53 = arith.cmpi ne, %convert_element_type3A_51, %cond3A_52 : i32
    scf.if %cond3A_53 {
      "tpu.region"() ({
        %run_scoped3A = tpu.sem_alloc : memref<!tpu.dma_semaphore, #tpu.memory_space<semaphore_mem>>
        %dma_start3A_64 = arith.constant 0 : i32
        %dma_start3A_65 = tpu.memref_slice %arg8[%add3A_3, %mul3A_0, %dma_start3A_64] : memref<2x10000x64xf32, #tpu.memory_space<hbm>> -> memref<1x640x64xf32, #tpu.memory_space<hbm>>
        %dma_start3A_66 = tpu.memref_squeeze %dma_start3A_65 : memref<1x640x64xf32, #tpu.memory_space<hbm>> -> memref<640x64xf32, #tpu.memory_space<hbm>>
        %dma_start3A_67 = arith.constant 0 : i32
        %dma_start3A_68 = tpu.memref_slice %arg13[%mul3A_0, %dma_start3A_67] : memref<10008x64xf32, #tpu.memory_space<vmem_shared>> -> memref<640x64xf32, #tpu.memory_space<vmem_shared>>
        tpu.enqueue_dma source(%dma_start3A_68 : memref<640x64xf32, #tpu.memory_space<vmem_shared>>) target(%dma_start3A_66 : memref<640x64xf32, #tpu.memory_space<hbm>>) target_semaphore(%run_scoped3A : memref<!tpu.dma_semaphore, #tpu.memory_space<semaphore_mem>>)
        %dma_wait3A_69 = arith.constant 0 : i32
        %dma_wait3A_70 = tpu.memref_slice %arg8[%add3A_3, %mul3A_0, %dma_wait3A_69] : memref<2x10000x64xf32, #tpu.memory_space<hbm>> -> memref<1x640x64xf32, #tpu.memory_space<hbm>>
        %dma_wait3A_71 = tpu.memref_squeeze %dma_wait3A_70 : memref<1x640x64xf32, #tpu.memory_space<hbm>> -> memref<640x64xf32, #tpu.memory_space<hbm>>
        %dma_wait3A_72 = arith.constant 0 : i32
        %dma_wait3A_73 = tpu.memref_slice %arg13[%mul3A_0, %dma_wait3A_72] : memref<10008x64xf32, #tpu.memory_space<vmem_shared>> -> memref<640x64xf32, #tpu.memory_space<vmem_shared>>
        tpu.wait_dma2 semaphore(%run_scoped3A : memref<!tpu.dma_semaphore, #tpu.memory_space<semaphore_mem>>) src(%dma_wait3A_73 : memref<640x64xf32, #tpu.memory_space<vmem_shared>>) dst(%dma_wait3A_71 : memref<640x64xf32, #tpu.memory_space<hbm>>)
        tpu.yield
      }) : () -> ()
      %eq3A_59 = arith.constant 0 : i32
      %eq3A_60 = arith.cmpi eq, %arg0, %eq3A_59 : i32
      %convert_element_type3A_61 = arith.extui %eq3A_60 : i1 to i32
      %cond3A_62 = arith.constant 0 : i32
      %cond3A_63 = arith.cmpi ne, %convert_element_type3A_61, %cond3A_62 : i32
      scf.if %cond3A_63 {
        "tpu.region"() ({
          %run_scoped3A = tpu.sem_alloc : memref<!tpu.dma_semaphore, #tpu.memory_space<semaphore_mem>>
          %dma_start3A_64 = arith.constant 0 : i32
          %dma_start3A_65 = tpu.memref_slice %arg9[%mul3A_0, %dma_start3A_64] : memref<10000x8xf32, #tpu.memory_space<hbm>> -> memref<640x8xf32, #tpu.memory_space<hbm>>
          %dma_start3A_66 = arith.constant 0 : i32
          %dma_start3A_67 = tpu.memref_slice %arg17[%mul3A_0, %dma_start3A_66] : memref<10008x8xf32, #tpu.memory_space<vmem_shared>> -> memref<640x8xf32, #tpu.memory_space<vmem_shared>>
          tpu.enqueue_dma source(%dma_start3A_67 : memref<640x8xf32, #tpu.memory_space<vmem_shared>>) target(%dma_start3A_65 : memref<640x8xf32, #tpu.memory_space<hbm>>) target_semaphore(%run_scoped3A : memref<!tpu.dma_semaphore, #tpu.memory_space<semaphore_mem>>)
          %dma_wait3A_68 = arith.constant 0 : i32
          %dma_wait3A_69 = tpu.memref_slice %arg9[%mul3A_0, %dma_wait3A_68] : memref<10000x8xf32, #tpu.memory_space<hbm>> -> memref<640x8xf32, #tpu.memory_space<hbm>>
          %dma_wait3A_70 = arith.constant 0 : i32
          %dma_wait3A_71 = tpu.memref_slice %arg17[%mul3A_0, %dma_wait3A_70] : memref<10008x8xf32, #tpu.memory_space<vmem_shared>> -> memref<640x8xf32, #tpu.memory_space<vmem_shared>>
          tpu.wait_dma2 semaphore(%run_scoped3A : memref<!tpu.dma_semaphore, #tpu.memory_space<semaphore_mem>>) src(%dma_wait3A_71 : memref<640x8xf32, #tpu.memory_space<vmem_shared>>) dst(%dma_wait3A_69 : memref<640x8xf32, #tpu.memory_space<hbm>>)
          tpu.yield
        }) : () -> ()
      } else {
      }
    } else {
    }
    %eq3A_54 = arith.constant 15 : i32
    %eq3A_55 = arith.cmpi eq, %arg1, %eq3A_54 : i32
    %convert_element_type3A_56 = arith.extui %eq3A_55 : i1 to i32
    %cond3A_57 = arith.constant 0 : i32
    %cond3A_58 = arith.cmpi ne, %convert_element_type3A_56, %cond3A_57 : i32
    scf.if %cond3A_58 {
      "tpu.region"() ({
        %run_scoped3A = tpu.sem_alloc : memref<!tpu.dma_semaphore, #tpu.memory_space<semaphore_mem>>
        %dma_start3A_64 = arith.constant 9600 : i32
        %dma_start3A_65 = arith.constant 0 : i32
        %dma_start3A_66 = tpu.memref_slice %arg8[%add3A_3, %dma_start3A_64, %dma_start3A_65] : memref<2x10000x64xf32, #tpu.memory_space<hbm>> -> memref<1x400x64xf32, #tpu.memory_space<hbm>>
        %dma_start3A_67 = tpu.memref_squeeze %dma_start3A_66 : memref<1x400x64xf32, #tpu.memory_space<hbm>> -> memref<400x64xf32, #tpu.memory_space<hbm>>
        %dma_start3A_68 = arith.constant 9600 : i32
        %dma_start3A_69 = arith.constant 0 : i32
        %dma_start3A_70 = tpu.memref_slice %arg13[%dma_start3A_68, %dma_start3A_69] : memref<10008x64xf32, #tpu.memory_space<vmem_shared>> -> memref<400x64xf32, #tpu.memory_space<vmem_shared>>
        tpu.enqueue_dma source(%dma_start3A_70 : memref<400x64xf32, #tpu.memory_space<vmem_shared>>) target(%dma_start3A_67 : memref<400x64xf32, #tpu.memory_space<hbm>>) target_semaphore(%run_scoped3A : memref<!tpu.dma_semaphore, #tpu.memory_space<semaphore_mem>>)
        %dma_wait3A_71 = arith.constant 9600 : i32
        %dma_wait3A_72 = arith.constant 0 : i32
        %dma_wait3A_73 = tpu.memref_slice %arg8[%add3A_3, %dma_wait3A_71, %dma_wait3A_72] : memref<2x10000x64xf32, #tpu.memory_space<hbm>> -> memref<1x400x64xf32, #tpu.memory_space<hbm>>
        %dma_wait3A_74 = tpu.memref_squeeze %dma_wait3A_73 : memref<1x400x64xf32, #tpu.memory_space<hbm>> -> memref<400x64xf32, #tpu.memory_space<hbm>>
        %dma_wait3A_75 = arith.constant 9600 : i32
        %dma_wait3A_76 = arith.constant 0 : i32
        %dma_wait3A_77 = tpu.memref_slice %arg13[%dma_wait3A_75, %dma_wait3A_76] : memref<10008x64xf32, #tpu.memory_space<vmem_shared>> -> memref<400x64xf32, #tpu.memory_space<vmem_shared>>
        tpu.wait_dma2 semaphore(%run_scoped3A : memref<!tpu.dma_semaphore, #tpu.memory_space<semaphore_mem>>) src(%dma_wait3A_77 : memref<400x64xf32, #tpu.memory_space<vmem_shared>>) dst(%dma_wait3A_74 : memref<400x64xf32, #tpu.memory_space<hbm>>)
        tpu.yield
      }) : () -> ()
      %eq3A_59 = arith.constant 0 : i32
      %eq3A_60 = arith.cmpi eq, %arg0, %eq3A_59 : i32
      %convert_element_type3A_61 = arith.extui %eq3A_60 : i1 to i32
      %cond3A_62 = arith.constant 0 : i32
      %cond3A_63 = arith.cmpi ne, %convert_element_type3A_61, %cond3A_62 : i32
      scf.if %cond3A_63 {
        "tpu.region"() ({
          %run_scoped3A = tpu.sem_alloc : memref<!tpu.dma_semaphore, #tpu.memory_space<semaphore_mem>>
          %dma_start3A_64 = arith.constant 9600 : i32
          %dma_start3A_65 = arith.constant 0 : i32
          %dma_start3A_66 = tpu.memref_slice %arg9[%dma_start3A_64, %dma_start3A_65] : memref<10000x8xf32, #tpu.memory_space<hbm>> -> memref<400x8xf32, #tpu.memory_space<hbm>>
          %dma_start3A_67 = arith.constant 9600 : i32
          %dma_start3A_68 = arith.constant 0 : i32
          %dma_start3A_69 = tpu.memref_slice %arg17[%dma_start3A_67, %dma_start3A_68] : memref<10008x8xf32, #tpu.memory_space<vmem_shared>> -> memref<400x8xf32, #tpu.memory_space<vmem_shared>>
          tpu.enqueue_dma source(%dma_start3A_69 : memref<400x8xf32, #tpu.memory_space<vmem_shared>>) target(%dma_start3A_66 : memref<400x8xf32, #tpu.memory_space<hbm>>) target_semaphore(%run_scoped3A : memref<!tpu.dma_semaphore, #tpu.memory_space<semaphore_mem>>)
          %dma_wait3A_70 = arith.constant 9600 : i32
          %dma_wait3A_71 = arith.constant 0 : i32
          %dma_wait3A_72 = tpu.memref_slice %arg9[%dma_wait3A_70, %dma_wait3A_71] : memref<10000x8xf32, #tpu.memory_space<hbm>> -> memref<400x8xf32, #tpu.memory_space<hbm>>
          %dma_wait3A_73 = arith.constant 9600 : i32
          %dma_wait3A_74 = arith.constant 0 : i32
          %dma_wait3A_75 = tpu.memref_slice %arg17[%dma_wait3A_73, %dma_wait3A_74] : memref<10008x8xf32, #tpu.memory_space<vmem_shared>> -> memref<400x8xf32, #tpu.memory_space<vmem_shared>>
          tpu.wait_dma2 semaphore(%run_scoped3A : memref<!tpu.dma_semaphore, #tpu.memory_space<semaphore_mem>>) src(%dma_wait3A_75 : memref<400x8xf32, #tpu.memory_space<vmem_shared>>) dst(%dma_wait3A_72 : memref<400x8xf32, #tpu.memory_space<hbm>>)
          tpu.yield
        }) : () -> ()
      } else {
      }
    } else {
    }
    return
  }
}

#map = affine_map<(d0, d1) -> (0, 0)>
#map1 = affine_map<(d0, d1) -> (0, 0, 0, 0)>
#map2 = affine_map<(d0, d1) -> (0, 0, 0)>
module attributes {stable_mosaic.version = 14 : i64} {
  func.func @body(%arg0: i32, %arg1: i32, %arg2: memref<10000x64xf32, #tpu.memory_space<hbm>>, %arg3: memref<2x16x40x256xi32, #tpu.memory_space<hbm>>, %arg4: memref<2x16x40x256xi32, #tpu.memory_space<hbm>>, %arg5: memref<640x64xf32, #tpu.memory_space<hbm>>, %arg6: memref<640x8xf32, #tpu.memory_space<hbm>>, %arg7: memref<256x8xf32, #tpu.memory_space<hbm>>, %arg8: memref<2x10000x64xf32, #tpu.memory_space<hbm>>, %arg9: memref<40x256xi32, #tpu.memory_space<vmem>>, %arg10: memref<40x256xi32, #tpu.memory_space<vmem>>, %arg11: memref<2x256x64xf32, #tpu.memory_space<vmem>>, %arg12: memref<10008x64xf32, #tpu.memory_space<vmem_shared>>, %arg13: memref<2x!tpu.dma_semaphore, #tpu.memory_space<semaphore_mem>>, %arg14: memref<2x!tpu.dma_semaphore, #tpu.memory_space<semaphore_mem>>) attributes {dimension_semantics = [#tpu.dimension_semantics<core_parallel>, #tpu.dimension_semantics<subcore_parallel>], iteration_bounds = array<i64: 2, 16>, scalar_prefetch = 0 : i64, scratch_operands = 6 : i64, tpu.core_type = #tpu.core_type<sc_vector_subcore>, window_params = [{transform_indices = #map}, {transform_indices = #map1}, {transform_indices = #map1}, {transform_indices = #map}, {transform_indices = #map}, {transform_indices = #map}, {transform_indices = #map2}]} {
    %mul3A = arith.constant 640 : i32
    %mul3A_0 = arith.muli %arg1, %mul3A : i32
    %mul3A_1 = arith.constant 1 : i32
    %mul3A_2 = arith.muli %mul3A_1, %arg0 : i32
    %add3A = arith.constant 0 : i32
    %add3A_3 = arith.addi %mul3A_2, %add3A : i32
    %lt3A = arith.constant 15 : i32
    %lt3A_4 = arith.cmpi slt, %arg1, %lt3A : i32
    %convert_element_type3A = arith.extui %lt3A_4 : i1 to i32
    %cond3A = arith.constant 0 : i32
    %cond3A_5 = arith.cmpi ne, %convert_element_type3A, %cond3A : i32
    scf.if %cond3A_5 {
      "tpu.region"() ({
        %run_scoped3A = tpu.sem_alloc : memref<!tpu.dma_semaphore, #tpu.memory_space<semaphore_mem>>
        %dma_start3A_54 = arith.constant 0 : i32
        %dma_start3A_55 = tpu.memref_slice %arg12[%mul3A_0, %dma_start3A_54] : memref<10008x64xf32, #tpu.memory_space<vmem_shared>> -> memref<640x64xf32, #tpu.memory_space<vmem_shared>>
        tpu.enqueue_dma source(%arg5 : memref<640x64xf32, #tpu.memory_space<hbm>>) target(%dma_start3A_55 : memref<640x64xf32, #tpu.memory_space<vmem_shared>>) target_semaphore(%run_scoped3A : memref<!tpu.dma_semaphore, #tpu.memory_space<semaphore_mem>>)
        %dma_wait3A_56 = arith.constant 0 : i32
        %dma_wait3A_57 = tpu.memref_slice %arg12[%mul3A_0, %dma_wait3A_56] : memref<10008x64xf32, #tpu.memory_space<vmem_shared>> -> memref<640x64xf32, #tpu.memory_space<vmem_shared>>
        tpu.wait_dma2 semaphore(%run_scoped3A : memref<!tpu.dma_semaphore, #tpu.memory_space<semaphore_mem>>) src(%arg5 : memref<640x64xf32, #tpu.memory_space<hbm>>) dst(%dma_wait3A_57 : memref<640x64xf32, #tpu.memory_space<vmem_shared>>)
        tpu.yield
      }) : () -> ()
    } else {
    }
    %eq3A = arith.constant 15 : i32
    %eq3A_6 = arith.cmpi eq, %arg1, %eq3A : i32
    %convert_element_type3A_7 = arith.extui %eq3A_6 : i1 to i32
    %cond3A_8 = arith.constant 0 : i32
    %cond3A_9 = arith.cmpi ne, %convert_element_type3A_7, %cond3A_8 : i32
    scf.if %cond3A_9 {
      "tpu.region"() ({
        %run_scoped3A = tpu.sem_alloc : memref<!tpu.dma_semaphore, #tpu.memory_space<semaphore_mem>>
        %dma_start3A_54 = arith.constant 9600 : i32
        %dma_start3A_55 = arith.constant 0 : i32
        %dma_start3A_56 = tpu.memref_slice %arg12[%dma_start3A_54, %dma_start3A_55] : memref<10008x64xf32, #tpu.memory_space<vmem_shared>> -> memref<400x64xf32, #tpu.memory_space<vmem_shared>>
        %dma_start3A_57 = arith.constant 0 : i32
        %dma_start3A_58 = arith.constant 0 : i32
        %dma_start3A_59 = tpu.memref_slice %arg5[%dma_start3A_57, %dma_start3A_58] : memref<640x64xf32, #tpu.memory_space<hbm>> -> memref<400x64xf32, #tpu.memory_space<hbm>>
        tpu.enqueue_dma source(%dma_start3A_59 : memref<400x64xf32, #tpu.memory_space<hbm>>) target(%dma_start3A_56 : memref<400x64xf32, #tpu.memory_space<vmem_shared>>) target_semaphore(%run_scoped3A : memref<!tpu.dma_semaphore, #tpu.memory_space<semaphore_mem>>)
        %dma_wait3A_60 = arith.constant 9600 : i32
        %dma_wait3A_61 = arith.constant 0 : i32
        %dma_wait3A_62 = tpu.memref_slice %arg12[%dma_wait3A_60, %dma_wait3A_61] : memref<10008x64xf32, #tpu.memory_space<vmem_shared>> -> memref<400x64xf32, #tpu.memory_space<vmem_shared>>
        %dma_wait3A_63 = arith.constant 0 : i32
        %dma_wait3A_64 = arith.constant 0 : i32
        %dma_wait3A_65 = tpu.memref_slice %arg5[%dma_wait3A_63, %dma_wait3A_64] : memref<640x64xf32, #tpu.memory_space<hbm>> -> memref<400x64xf32, #tpu.memory_space<hbm>>
        tpu.wait_dma2 semaphore(%run_scoped3A : memref<!tpu.dma_semaphore, #tpu.memory_space<semaphore_mem>>) src(%dma_wait3A_65 : memref<400x64xf32, #tpu.memory_space<hbm>>) dst(%dma_wait3A_62 : memref<400x64xf32, #tpu.memory_space<vmem_shared>>)
        tpu.yield
      }) : () -> ()
    } else {
    }
    "tpu.region"() ({
      %run_scoped3A = tpu.sem_alloc : memref<!tpu.dma_semaphore, #tpu.memory_space<semaphore_mem>>
      %dma_start3A_54 = arith.constant 0 : i32
      %dma_start3A_55 = arith.constant 0 : i32
      %dma_start3A_56 = tpu.memref_slice %arg3[%add3A_3, %arg1, %dma_start3A_54, %dma_start3A_55] : memref<2x16x40x256xi32, #tpu.memory_space<hbm>> -> memref<1x1x40x256xi32, #tpu.memory_space<hbm>>
      %dma_start3A_57 = tpu.memref_squeeze %dma_start3A_56 : memref<1x1x40x256xi32, #tpu.memory_space<hbm>> -> memref<40x256xi32, #tpu.memory_space<hbm>>
      %dma_start3A_58 = arith.constant 0 : i32
      %dma_start3A_59 = arith.constant 0 : i32
      %dma_start3A_60 = tpu.memref_slice %arg3[%add3A_3, %arg1, %dma_start3A_58, %dma_start3A_59] : memref<2x16x40x256xi32, #tpu.memory_space<hbm>> -> memref<1x1x40x256xi32, #tpu.memory_space<hbm>>
      %dma_start3A_61 = tpu.memref_squeeze %dma_start3A_60 : memref<1x1x40x256xi32, #tpu.memory_space<hbm>> -> memref<40x256xi32, #tpu.memory_space<hbm>>
      tpu.enqueue_dma source(%dma_start3A_61 : memref<40x256xi32, #tpu.memory_space<hbm>>) target(%arg9 : memref<40x256xi32, #tpu.memory_space<vmem>>) target_semaphore(%run_scoped3A : memref<!tpu.dma_semaphore, #tpu.memory_space<semaphore_mem>>)
      %dma_wait3A_62 = arith.constant 0 : i32
      %dma_wait3A_63 = arith.constant 0 : i32
      %dma_wait3A_64 = tpu.memref_slice %arg3[%add3A_3, %arg1, %dma_wait3A_62, %dma_wait3A_63] : memref<2x16x40x256xi32, #tpu.memory_space<hbm>> -> memref<1x1x40x256xi32, #tpu.memory_space<hbm>>
      %dma_wait3A_65 = tpu.memref_squeeze %dma_wait3A_64 : memref<1x1x40x256xi32, #tpu.memory_space<hbm>> -> memref<40x256xi32, #tpu.memory_space<hbm>>
      %dma_wait3A_66 = arith.constant 0 : i32
      %dma_wait3A_67 = arith.constant 0 : i32
      %dma_wait3A_68 = tpu.memref_slice %arg3[%add3A_3, %arg1, %dma_wait3A_66, %dma_wait3A_67] : memref<2x16x40x256xi32, #tpu.memory_space<hbm>> -> memref<1x1x40x256xi32, #tpu.memory_space<hbm>>
      %dma_wait3A_69 = tpu.memref_squeeze %dma_wait3A_68 : memref<1x1x40x256xi32, #tpu.memory_space<hbm>> -> memref<40x256xi32, #tpu.memory_space<hbm>>
      tpu.wait_dma2 semaphore(%run_scoped3A : memref<!tpu.dma_semaphore, #tpu.memory_space<semaphore_mem>>) src(%dma_wait3A_69 : memref<40x256xi32, #tpu.memory_space<hbm>>) dst(%arg9 : memref<40x256xi32, #tpu.memory_space<vmem>>)
      tpu.yield
    }) : () -> ()
    "tpu.region"() ({
      %run_scoped3A = tpu.sem_alloc : memref<!tpu.dma_semaphore, #tpu.memory_space<semaphore_mem>>
      %dma_start3A_54 = arith.constant 0 : i32
      %dma_start3A_55 = arith.constant 0 : i32
      %dma_start3A_56 = tpu.memref_slice %arg4[%add3A_3, %arg1, %dma_start3A_54, %dma_start3A_55] : memref<2x16x40x256xi32, #tpu.memory_space<hbm>> -> memref<1x1x40x256xi32, #tpu.memory_space<hbm>>
      %dma_start3A_57 = tpu.memref_squeeze %dma_start3A_56 : memref<1x1x40x256xi32, #tpu.memory_space<hbm>> -> memref<40x256xi32, #tpu.memory_space<hbm>>
      %dma_start3A_58 = arith.constant 0 : i32
      %dma_start3A_59 = arith.constant 0 : i32
      %dma_start3A_60 = tpu.memref_slice %arg4[%add3A_3, %arg1, %dma_start3A_58, %dma_start3A_59] : memref<2x16x40x256xi32, #tpu.memory_space<hbm>> -> memref<1x1x40x256xi32, #tpu.memory_space<hbm>>
      %dma_start3A_61 = tpu.memref_squeeze %dma_start3A_60 : memref<1x1x40x256xi32, #tpu.memory_space<hbm>> -> memref<40x256xi32, #tpu.memory_space<hbm>>
      tpu.enqueue_dma source(%dma_start3A_61 : memref<40x256xi32, #tpu.memory_space<hbm>>) target(%arg10 : memref<40x256xi32, #tpu.memory_space<vmem>>) target_semaphore(%run_scoped3A : memref<!tpu.dma_semaphore, #tpu.memory_space<semaphore_mem>>)
      %dma_wait3A_62 = arith.constant 0 : i32
      %dma_wait3A_63 = arith.constant 0 : i32
      %dma_wait3A_64 = tpu.memref_slice %arg4[%add3A_3, %arg1, %dma_wait3A_62, %dma_wait3A_63] : memref<2x16x40x256xi32, #tpu.memory_space<hbm>> -> memref<1x1x40x256xi32, #tpu.memory_space<hbm>>
      %dma_wait3A_65 = tpu.memref_squeeze %dma_wait3A_64 : memref<1x1x40x256xi32, #tpu.memory_space<hbm>> -> memref<40x256xi32, #tpu.memory_space<hbm>>
      %dma_wait3A_66 = arith.constant 0 : i32
      %dma_wait3A_67 = arith.constant 0 : i32
      %dma_wait3A_68 = tpu.memref_slice %arg4[%add3A_3, %arg1, %dma_wait3A_66, %dma_wait3A_67] : memref<2x16x40x256xi32, #tpu.memory_space<hbm>> -> memref<1x1x40x256xi32, #tpu.memory_space<hbm>>
      %dma_wait3A_69 = tpu.memref_squeeze %dma_wait3A_68 : memref<1x1x40x256xi32, #tpu.memory_space<hbm>> -> memref<40x256xi32, #tpu.memory_space<hbm>>
      tpu.wait_dma2 semaphore(%run_scoped3A : memref<!tpu.dma_semaphore, #tpu.memory_space<semaphore_mem>>) src(%dma_wait3A_69 : memref<40x256xi32, #tpu.memory_space<hbm>>) dst(%arg10 : memref<40x256xi32, #tpu.memory_space<vmem>>)
      tpu.yield
    }) : () -> ()
    %barrier3A = arith.constant 0 : index
    tpu.barrier barrier_id(%barrier3A)
    %dma_start3A = arith.constant 0 : i32
    %dma_start3A_10 = arith.constant 0 : i32
    %dma_start3A_11 = arith.constant 0 : i32
    %dma_start3A_12 = arith.constant 0 : i32
    %dma_start3A_13 = arith.constant 0 : i32
    %dma_start3A_14 = tpu.memref_slice %arg11[%dma_start3A_10, %dma_start3A_12, %dma_start3A_13] : memref<2x256x64xf32, #tpu.memory_space<vmem>> -> memref<1x256x64xf32, #tpu.memory_space<vmem>>
    %dma_start3A_15 = tpu.memref_squeeze %dma_start3A_14 : memref<1x256x64xf32, #tpu.memory_space<vmem>> -> memref<256x64xf32, #tpu.memory_space<vmem>>
    %dma_start3A_16 = arith.constant 0 : i32
    %dma_start3A_17 = tpu.memref_slice %arg9[%dma_start3A, %dma_start3A_16] : memref<40x256xi32, #tpu.memory_space<vmem>> -> memref<1x256xi32, #tpu.memory_space<vmem>>
    %dma_start3A_18 = tpu.memref_squeeze %dma_start3A_17 : memref<1x256xi32, #tpu.memory_space<vmem>> -> memref<256xi32, #tpu.memory_space<vmem>>
    %dma_start3A_19 = arith.constant 0 : i32
    %dma_start3A_20 = arith.constant 0 : i32
    %dma_start3A_21 = tpu.memref_slice %arg2[%dma_start3A_19, %dma_start3A_20] : memref<10000x64xf32, #tpu.memory_space<hbm>> -> memref<10000x64xf32, #tpu.memory_space<hbm>>
    %dma_start3A_22 = tpu.memref_slice %arg13[%dma_start3A_11] : memref<2x!tpu.dma_semaphore, #tpu.memory_space<semaphore_mem>> -> memref<1x!tpu.dma_semaphore, #tpu.memory_space<semaphore_mem>>
    %dma_start3A_23 = tpu.memref_squeeze %dma_start3A_22 : memref<1x!tpu.dma_semaphore, #tpu.memory_space<semaphore_mem>> -> memref<!tpu.dma_semaphore, #tpu.memory_space<semaphore_mem>>
    tpu.enqueue_indirect_dma source(%dma_start3A_21 : memref<10000x64xf32, #tpu.memory_space<hbm>>) target(%dma_start3A_15 : memref<256x64xf32, #tpu.memory_space<vmem>>) offsets(%dma_start3A_18 : memref<256xi32, #tpu.memory_space<vmem>>) semaphore(%dma_start3A_23 : memref<!tpu.dma_semaphore, #tpu.memory_space<semaphore_mem>>)
    %scan3A = arith.constant 0 : i32
    %scan3A_24 = arith.constant 0 : i32
    %scan3A_25 = arith.constant 20 : i32
    %scan3A_26 = arith.addi %scan3A_24, %scan3A_25 : i32
    %scan3A_27 = arith.constant 1 : i32
    scf.for %scan3A_54 = %scan3A_24 to %scan3A_26 step %scan3A_27  : i32 {
      %mul3A_55 = arith.constant 2 : i32
      %mul3A_56 = arith.muli %mul3A_55, %scan3A_54 : i32
      %add3A_57 = arith.constant 0 : i32
      %add3A_58 = arith.addi %mul3A_56, %add3A_57 : i32
      %dma_wait3A_59 = arith.constant 0 : i32
      %dma_wait3A_60 = arith.constant 0 : i32
      %dma_wait3A_61 = arith.constant 0 : i32
      %dma_wait3A_62 = arith.constant 0 : i32
      %dma_wait3A_63 = tpu.memref_slice %arg11[%dma_wait3A_59, %dma_wait3A_61, %dma_wait3A_62] : memref<2x256x64xf32, #tpu.memory_space<vmem>> -> memref<1x256x64xf32, #tpu.memory_space<vmem>>
      %dma_wait3A_64 = tpu.memref_squeeze %dma_wait3A_63 : memref<1x256x64xf32, #tpu.memory_space<vmem>> -> memref<256x64xf32, #tpu.memory_space<vmem>>
      %dma_wait3A_65 = arith.constant 0 : i32
      %dma_wait3A_66 = tpu.memref_slice %arg9[%add3A_58, %dma_wait3A_65] : memref<40x256xi32, #tpu.memory_space<vmem>> -> memref<1x256xi32, #tpu.memory_space<vmem>>
      %dma_wait3A_67 = tpu.memref_squeeze %dma_wait3A_66 : memref<1x256xi32, #tpu.memory_space<vmem>> -> memref<256xi32, #tpu.memory_space<vmem>>
      %dma_wait3A_68 = arith.constant 0 : i32
      %dma_wait3A_69 = arith.constant 0 : i32
      %dma_wait3A_70 = tpu.memref_slice %arg2[%dma_wait3A_68, %dma_wait3A_69] : memref<10000x64xf32, #tpu.memory_space<hbm>> -> memref<10000x64xf32, #tpu.memory_space<hbm>>
      %dma_wait3A_71 = tpu.memref_slice %arg13[%dma_wait3A_60] : memref<2x!tpu.dma_semaphore, #tpu.memory_space<semaphore_mem>> -> memref<1x!tpu.dma_semaphore, #tpu.memory_space<semaphore_mem>>
      %dma_wait3A_72 = tpu.memref_squeeze %dma_wait3A_71 : memref<1x!tpu.dma_semaphore, #tpu.memory_space<semaphore_mem>> -> memref<!tpu.dma_semaphore, #tpu.memory_space<semaphore_mem>>
      tpu.wait_indirect_dma semaphore(%dma_wait3A_72 : memref<!tpu.dma_semaphore, #tpu.memory_space<semaphore_mem>>) src(%dma_wait3A_70 : memref<10000x64xf32, #tpu.memory_space<hbm>>) dst(%dma_wait3A_64 : memref<256x64xf32, #tpu.memory_space<vmem>>)
      %dma_start3A_73 = arith.constant 0 : i32
      %dma_start3A_74 = arith.constant 0 : i32
      %dma_start3A_75 = arith.constant 0 : i32
      %dma_start3A_76 = arith.constant 0 : i32
      %dma_start3A_77 = tpu.memref_slice %arg11[%dma_start3A_73, %dma_start3A_75, %dma_start3A_76] : memref<2x256x64xf32, #tpu.memory_space<vmem>> -> memref<1x256x64xf32, #tpu.memory_space<vmem>>
      %dma_start3A_78 = tpu.memref_squeeze %dma_start3A_77 : memref<1x256x64xf32, #tpu.memory_space<vmem>> -> memref<256x64xf32, #tpu.memory_space<vmem>>
      %dma_start3A_79 = arith.constant 0 : i32
      %dma_start3A_80 = tpu.memref_slice %arg10[%add3A_58, %dma_start3A_79] : memref<40x256xi32, #tpu.memory_space<vmem>> -> memref<1x256xi32, #tpu.memory_space<vmem>>
      %dma_start3A_81 = tpu.memref_squeeze %dma_start3A_80 : memref<1x256xi32, #tpu.memory_space<vmem>> -> memref<256xi32, #tpu.memory_space<vmem>>
      %dma_start3A_82 = arith.constant 0 : i32
      %dma_start3A_83 = arith.constant 0 : i32
      %dma_start3A_84 = tpu.memref_slice %arg12[%dma_start3A_82, %dma_start3A_83] : memref<10008x64xf32, #tpu.memory_space<vmem_shared>> -> memref<10008x64xf32, #tpu.memory_space<vmem_shared>>
      %dma_start3A_85 = tpu.memref_slice %arg14[%dma_start3A_74] : memref<2x!tpu.dma_semaphore, #tpu.memory_space<semaphore_mem>> -> memref<1x!tpu.dma_semaphore, #tpu.memory_space<semaphore_mem>>
      %dma_start3A_86 = tpu.memref_squeeze %dma_start3A_85 : memref<1x!tpu.dma_semaphore, #tpu.memory_space<semaphore_mem>> -> memref<!tpu.dma_semaphore, #tpu.memory_space<semaphore_mem>>
      tpu.enqueue_indirect_dma source(%dma_start3A_78 : memref<256x64xf32, #tpu.memory_space<vmem>>) target(%dma_start3A_84 : memref<10008x64xf32, #tpu.memory_space<vmem_shared>>) offsets(%dma_start3A_81 : memref<256xi32, #tpu.memory_space<vmem>>) semaphore(%dma_start3A_86 : memref<!tpu.dma_semaphore, #tpu.memory_space<semaphore_mem>>) {add = true}
      %ge3A = arith.constant 1 : i32
      %ge3A_87 = arith.cmpi sge, %add3A_58, %ge3A : i32
      %convert_element_type3A_88 = arith.extui %ge3A_87 : i1 to i32
      %cond3A_89 = arith.constant 0 : i32
      %cond3A_90 = arith.cmpi ne, %convert_element_type3A_88, %cond3A_89 : i32
      scf.if %cond3A_90 {
        %sub3A = arith.constant 1 : i32
        %sub3A_140 = arith.subi %add3A_58, %sub3A : i32
        %dma_wait3A_141 = arith.constant 1 : i32
        %dma_wait3A_142 = arith.constant 1 : i32
        %dma_wait3A_143 = arith.constant 0 : i32
        %dma_wait3A_144 = arith.constant 0 : i32
        %dma_wait3A_145 = tpu.memref_slice %arg11[%dma_wait3A_141, %dma_wait3A_143, %dma_wait3A_144] : memref<2x256x64xf32, #tpu.memory_space<vmem>> -> memref<1x256x64xf32, #tpu.memory_space<vmem>>
        %dma_wait3A_146 = tpu.memref_squeeze %dma_wait3A_145 : memref<1x256x64xf32, #tpu.memory_space<vmem>> -> memref<256x64xf32, #tpu.memory_space<vmem>>
        %dma_wait3A_147 = arith.constant 0 : i32
        %dma_wait3A_148 = tpu.memref_slice %arg10[%sub3A_140, %dma_wait3A_147] : memref<40x256xi32, #tpu.memory_space<vmem>> -> memref<1x256xi32, #tpu.memory_space<vmem>>
        %dma_wait3A_149 = tpu.memref_squeeze %dma_wait3A_148 : memref<1x256xi32, #tpu.memory_space<vmem>> -> memref<256xi32, #tpu.memory_space<vmem>>
        %dma_wait3A_150 = arith.constant 0 : i32
        %dma_wait3A_151 = arith.constant 0 : i32
        %dma_wait3A_152 = tpu.memref_slice %arg12[%dma_wait3A_150, %dma_wait3A_151] : memref<10008x64xf32, #tpu.memory_space<vmem_shared>> -> memref<10008x64xf32, #tpu.memory_space<vmem_shared>>
        %dma_wait3A_153 = tpu.memref_slice %arg14[%dma_wait3A_142] : memref<2x!tpu.dma_semaphore, #tpu.memory_space<semaphore_mem>> -> memref<1x!tpu.dma_semaphore, #tpu.memory_space<semaphore_mem>>
        %dma_wait3A_154 = tpu.memref_squeeze %dma_wait3A_153 : memref<1x!tpu.dma_semaphore, #tpu.memory_space<semaphore_mem>> -> memref<!tpu.dma_semaphore, #tpu.memory_space<semaphore_mem>>
        tpu.wait_indirect_dma semaphore(%dma_wait3A_154 : memref<!tpu.dma_semaphore, #tpu.memory_space<semaphore_mem>>) src(%dma_wait3A_146 : memref<256x64xf32, #tpu.memory_space<vmem>>) dst(%dma_wait3A_152 : memref<10008x64xf32, #tpu.memory_space<vmem_shared>>)
      } else {
      }
      %add3A_91 = arith.constant 1 : i32
      %add3A_92 = arith.addi %add3A_58, %add3A_91 : i32
      %lt3A_93 = arith.constant 40 : i32
      %lt3A_94 = arith.cmpi slt, %add3A_92, %lt3A_93 : i32
      %convert_element_type3A_95 = arith.extui %lt3A_94 : i1 to i32
      %cond3A_96 = arith.constant 0 : i32
      %cond3A_97 = arith.cmpi ne, %convert_element_type3A_95, %cond3A_96 : i32
      scf.if %cond3A_97 {
        %add3A_140 = arith.constant 1 : i32
        %add3A_141 = arith.addi %add3A_58, %add3A_140 : i32
        %dma_start3A_142 = arith.constant 1 : i32
        %dma_start3A_143 = arith.constant 1 : i32
        %dma_start3A_144 = arith.constant 0 : i32
        %dma_start3A_145 = arith.constant 0 : i32
        %dma_start3A_146 = tpu.memref_slice %arg11[%dma_start3A_142, %dma_start3A_144, %dma_start3A_145] : memref<2x256x64xf32, #tpu.memory_space<vmem>> -> memref<1x256x64xf32, #tpu.memory_space<vmem>>
        %dma_start3A_147 = tpu.memref_squeeze %dma_start3A_146 : memref<1x256x64xf32, #tpu.memory_space<vmem>> -> memref<256x64xf32, #tpu.memory_space<vmem>>
        %dma_start3A_148 = arith.constant 0 : i32
        %dma_start3A_149 = tpu.memref_slice %arg9[%add3A_141, %dma_start3A_148] : memref<40x256xi32, #tpu.memory_space<vmem>> -> memref<1x256xi32, #tpu.memory_space<vmem>>
        %dma_start3A_150 = tpu.memref_squeeze %dma_start3A_149 : memref<1x256xi32, #tpu.memory_space<vmem>> -> memref<256xi32, #tpu.memory_space<vmem>>
        %dma_start3A_151 = arith.constant 0 : i32
        %dma_start3A_152 = arith.constant 0 : i32
        %dma_start3A_153 = tpu.memref_slice %arg2[%dma_start3A_151, %dma_start3A_152] : memref<10000x64xf32, #tpu.memory_space<hbm>> -> memref<10000x64xf32, #tpu.memory_space<hbm>>
        %dma_start3A_154 = tpu.memref_slice %arg13[%dma_start3A_143] : memref<2x!tpu.dma_semaphore, #tpu.memory_space<semaphore_mem>> -> memref<1x!tpu.dma_semaphore, #tpu.memory_space<semaphore_mem>>
        %dma_start3A_155 = tpu.memref_squeeze %dma_start3A_154 : memref<1x!tpu.dma_semaphore, #tpu.memory_space<semaphore_mem>> -> memref<!tpu.dma_semaphore, #tpu.memory_space<semaphore_mem>>
        tpu.enqueue_indirect_dma source(%dma_start3A_153 : memref<10000x64xf32, #tpu.memory_space<hbm>>) target(%dma_start3A_147 : memref<256x64xf32, #tpu.memory_space<vmem>>) offsets(%dma_start3A_150 : memref<256xi32, #tpu.memory_space<vmem>>) semaphore(%dma_start3A_155 : memref<!tpu.dma_semaphore, #tpu.memory_space<semaphore_mem>>)
      } else {
      }
      %add3A_98 = arith.constant 1 : i32
      %add3A_99 = arith.addi %mul3A_56, %add3A_98 : i32
      %dma_wait3A_100 = arith.constant 1 : i32
      %dma_wait3A_101 = arith.constant 1 : i32
      %dma_wait3A_102 = arith.constant 0 : i32
      %dma_wait3A_103 = arith.constant 0 : i32
      %dma_wait3A_104 = tpu.memref_slice %arg11[%dma_wait3A_100, %dma_wait3A_102, %dma_wait3A_103] : memref<2x256x64xf32, #tpu.memory_space<vmem>> -> memref<1x256x64xf32, #tpu.memory_space<vmem>>
      %dma_wait3A_105 = tpu.memref_squeeze %dma_wait3A_104 : memref<1x256x64xf32, #tpu.memory_space<vmem>> -> memref<256x64xf32, #tpu.memory_space<vmem>>
      %dma_wait3A_106 = arith.constant 0 : i32
      %dma_wait3A_107 = tpu.memref_slice %arg9[%add3A_99, %dma_wait3A_106] : memref<40x256xi32, #tpu.memory_space<vmem>> -> memref<1x256xi32, #tpu.memory_space<vmem>>
      %dma_wait3A_108 = tpu.memref_squeeze %dma_wait3A_107 : memref<1x256xi32, #tpu.memory_space<vmem>> -> memref<256xi32, #tpu.memory_space<vmem>>
      %dma_wait3A_109 = arith.constant 0 : i32
      %dma_wait3A_110 = arith.constant 0 : i32
      %dma_wait3A_111 = tpu.memref_slice %arg2[%dma_wait3A_109, %dma_wait3A_110] : memref<10000x64xf32, #tpu.memory_space<hbm>> -> memref<10000x64xf32, #tpu.memory_space<hbm>>
      %dma_wait3A_112 = tpu.memref_slice %arg13[%dma_wait3A_101] : memref<2x!tpu.dma_semaphore, #tpu.memory_space<semaphore_mem>> -> memref<1x!tpu.dma_semaphore, #tpu.memory_space<semaphore_mem>>
      %dma_wait3A_113 = tpu.memref_squeeze %dma_wait3A_112 : memref<1x!tpu.dma_semaphore, #tpu.memory_space<semaphore_mem>> -> memref<!tpu.dma_semaphore, #tpu.memory_space<semaphore_mem>>
      tpu.wait_indirect_dma semaphore(%dma_wait3A_113 : memref<!tpu.dma_semaphore, #tpu.memory_space<semaphore_mem>>) src(%dma_wait3A_111 : memref<10000x64xf32, #tpu.memory_space<hbm>>) dst(%dma_wait3A_105 : memref<256x64xf32, #tpu.memory_space<vmem>>)
      %dma_start3A_114 = arith.constant 1 : i32
      %dma_start3A_115 = arith.constant 1 : i32
      %dma_start3A_116 = arith.constant 0 : i32
      %dma_start3A_117 = arith.constant 0 : i32
      %dma_start3A_118 = tpu.memref_slice %arg11[%dma_start3A_114, %dma_start3A_116, %dma_start3A_117] : memref<2x256x64xf32, #tpu.memory_space<vmem>> -> memref<1x256x64xf32, #tpu.memory_space<vmem>>
      %dma_start3A_119 = tpu.memref_squeeze %dma_start3A_118 : memref<1x256x64xf32, #tpu.memory_space<vmem>> -> memref<256x64xf32, #tpu.memory_space<vmem>>
      %dma_start3A_120 = arith.constant 0 : i32
      %dma_start3A_121 = tpu.memref_slice %arg10[%add3A_99, %dma_start3A_120] : memref<40x256xi32, #tpu.memory_space<vmem>> -> memref<1x256xi32, #tpu.memory_space<vmem>>
      %dma_start3A_122 = tpu.memref_squeeze %dma_start3A_121 : memref<1x256xi32, #tpu.memory_space<vmem>> -> memref<256xi32, #tpu.memory_space<vmem>>
      %dma_start3A_123 = arith.constant 0 : i32
      %dma_start3A_124 = arith.constant 0 : i32
      %dma_start3A_125 = tpu.memref_slice %arg12[%dma_start3A_123, %dma_start3A_124] : memref<10008x64xf32, #tpu.memory_space<vmem_shared>> -> memref<10008x64xf32, #tpu.memory_space<vmem_shared>>
      %dma_start3A_126 = tpu.memref_slice %arg14[%dma_start3A_115] : memref<2x!tpu.dma_semaphore, #tpu.memory_space<semaphore_mem>> -> memref<1x!tpu.dma_semaphore, #tpu.memory_space<semaphore_mem>>
      %dma_start3A_127 = tpu.memref_squeeze %dma_start3A_126 : memref<1x!tpu.dma_semaphore, #tpu.memory_space<semaphore_mem>> -> memref<!tpu.dma_semaphore, #tpu.memory_space<semaphore_mem>>
      tpu.enqueue_indirect_dma source(%dma_start3A_119 : memref<256x64xf32, #tpu.memory_space<vmem>>) target(%dma_start3A_125 : memref<10008x64xf32, #tpu.memory_space<vmem_shared>>) offsets(%dma_start3A_122 : memref<256xi32, #tpu.memory_space<vmem>>) semaphore(%dma_start3A_127 : memref<!tpu.dma_semaphore, #tpu.memory_space<semaphore_mem>>) {add = true}
      %ge3A_128 = arith.constant 1 : i32
      %ge3A_129 = arith.cmpi sge, %add3A_99, %ge3A_128 : i32
      %convert_element_type3A_130 = arith.extui %ge3A_129 : i1 to i32
      %cond3A_131 = arith.constant 0 : i32
      %cond3A_132 = arith.cmpi ne, %convert_element_type3A_130, %cond3A_131 : i32
      scf.if %cond3A_132 {
        %sub3A = arith.constant 1 : i32
        %sub3A_140 = arith.subi %add3A_99, %sub3A : i32
        %dma_wait3A_141 = arith.constant 0 : i32
        %dma_wait3A_142 = arith.constant 0 : i32
        %dma_wait3A_143 = arith.constant 0 : i32
        %dma_wait3A_144 = arith.constant 0 : i32
        %dma_wait3A_145 = tpu.memref_slice %arg11[%dma_wait3A_141, %dma_wait3A_143, %dma_wait3A_144] : memref<2x256x64xf32, #tpu.memory_space<vmem>> -> memref<1x256x64xf32, #tpu.memory_space<vmem>>
        %dma_wait3A_146 = tpu.memref_squeeze %dma_wait3A_145 : memref<1x256x64xf32, #tpu.memory_space<vmem>> -> memref<256x64xf32, #tpu.memory_space<vmem>>
        %dma_wait3A_147 = arith.constant 0 : i32
        %dma_wait3A_148 = tpu.memref_slice %arg10[%sub3A_140, %dma_wait3A_147] : memref<40x256xi32, #tpu.memory_space<vmem>> -> memref<1x256xi32, #tpu.memory_space<vmem>>
        %dma_wait3A_149 = tpu.memref_squeeze %dma_wait3A_148 : memref<1x256xi32, #tpu.memory_space<vmem>> -> memref<256xi32, #tpu.memory_space<vmem>>
        %dma_wait3A_150 = arith.constant 0 : i32
        %dma_wait3A_151 = arith.constant 0 : i32
        %dma_wait3A_152 = tpu.memref_slice %arg12[%dma_wait3A_150, %dma_wait3A_151] : memref<10008x64xf32, #tpu.memory_space<vmem_shared>> -> memref<10008x64xf32, #tpu.memory_space<vmem_shared>>
        %dma_wait3A_153 = tpu.memref_slice %arg14[%dma_wait3A_142] : memref<2x!tpu.dma_semaphore, #tpu.memory_space<semaphore_mem>> -> memref<1x!tpu.dma_semaphore, #tpu.memory_space<semaphore_mem>>
        %dma_wait3A_154 = tpu.memref_squeeze %dma_wait3A_153 : memref<1x!tpu.dma_semaphore, #tpu.memory_space<semaphore_mem>> -> memref<!tpu.dma_semaphore, #tpu.memory_space<semaphore_mem>>
        tpu.wait_indirect_dma semaphore(%dma_wait3A_154 : memref<!tpu.dma_semaphore, #tpu.memory_space<semaphore_mem>>) src(%dma_wait3A_146 : memref<256x64xf32, #tpu.memory_space<vmem>>) dst(%dma_wait3A_152 : memref<10008x64xf32, #tpu.memory_space<vmem_shared>>)
      } else {
      }
      %add3A_133 = arith.constant 1 : i32
      %add3A_134 = arith.addi %add3A_99, %add3A_133 : i32
      %lt3A_135 = arith.constant 40 : i32
      %lt3A_136 = arith.cmpi slt, %add3A_134, %lt3A_135 : i32
      %convert_element_type3A_137 = arith.extui %lt3A_136 : i1 to i32
      %cond3A_138 = arith.constant 0 : i32
      %cond3A_139 = arith.cmpi ne, %convert_element_type3A_137, %cond3A_138 : i32
      scf.if %cond3A_139 {
        %add3A_140 = arith.constant 1 : i32
        %add3A_141 = arith.addi %add3A_99, %add3A_140 : i32
        %dma_start3A_142 = arith.constant 0 : i32
        %dma_start3A_143 = arith.constant 0 : i32
        %dma_start3A_144 = arith.constant 0 : i32
        %dma_start3A_145 = arith.constant 0 : i32
        %dma_start3A_146 = tpu.memref_slice %arg11[%dma_start3A_142, %dma_start3A_144, %dma_start3A_145] : memref<2x256x64xf32, #tpu.memory_space<vmem>> -> memref<1x256x64xf32, #tpu.memory_space<vmem>>
        %dma_start3A_147 = tpu.memref_squeeze %dma_start3A_146 : memref<1x256x64xf32, #tpu.memory_space<vmem>> -> memref<256x64xf32, #tpu.memory_space<vmem>>
        %dma_start3A_148 = arith.constant 0 : i32
        %dma_start3A_149 = tpu.memref_slice %arg9[%add3A_141, %dma_start3A_148] : memref<40x256xi32, #tpu.memory_space<vmem>> -> memref<1x256xi32, #tpu.memory_space<vmem>>
        %dma_start3A_150 = tpu.memref_squeeze %dma_start3A_149 : memref<1x256xi32, #tpu.memory_space<vmem>> -> memref<256xi32, #tpu.memory_space<vmem>>
        %dma_start3A_151 = arith.constant 0 : i32
        %dma_start3A_152 = arith.constant 0 : i32
        %dma_start3A_153 = tpu.memref_slice %arg2[%dma_start3A_151, %dma_start3A_152] : memref<10000x64xf32, #tpu.memory_space<hbm>> -> memref<10000x64xf32, #tpu.memory_space<hbm>>
        %dma_start3A_154 = tpu.memref_slice %arg13[%dma_start3A_143] : memref<2x!tpu.dma_semaphore, #tpu.memory_space<semaphore_mem>> -> memref<1x!tpu.dma_semaphore, #tpu.memory_space<semaphore_mem>>
        %dma_start3A_155 = tpu.memref_squeeze %dma_start3A_154 : memref<1x!tpu.dma_semaphore, #tpu.memory_space<semaphore_mem>> -> memref<!tpu.dma_semaphore, #tpu.memory_space<semaphore_mem>>
        tpu.enqueue_indirect_dma source(%dma_start3A_153 : memref<10000x64xf32, #tpu.memory_space<hbm>>) target(%dma_start3A_147 : memref<256x64xf32, #tpu.memory_space<vmem>>) offsets(%dma_start3A_150 : memref<256xi32, #tpu.memory_space<vmem>>) semaphore(%dma_start3A_155 : memref<!tpu.dma_semaphore, #tpu.memory_space<semaphore_mem>>)
      } else {
      }
    }
    %scan3A_28 = arith.constant 20 : i32
    %dma_wait3A = arith.constant 1 : i32
    %dma_wait3A_29 = arith.constant 39 : i32
    %dma_wait3A_30 = arith.constant 1 : i32
    %dma_wait3A_31 = arith.constant 0 : i32
    %dma_wait3A_32 = arith.constant 0 : i32
    %dma_wait3A_33 = tpu.memref_slice %arg11[%dma_wait3A, %dma_wait3A_31, %dma_wait3A_32] : memref<2x256x64xf32, #tpu.memory_space<vmem>> -> memref<1x256x64xf32, #tpu.memory_space<vmem>>
    %dma_wait3A_34 = tpu.memref_squeeze %dma_wait3A_33 : memref<1x256x64xf32, #tpu.memory_space<vmem>> -> memref<256x64xf32, #tpu.memory_space<vmem>>
    %dma_wait3A_35 = arith.constant 0 : i32
    %dma_wait3A_36 = tpu.memref_slice %arg10[%dma_wait3A_29, %dma_wait3A_35] : memref<40x256xi32, #tpu.memory_space<vmem>> -> memref<1x256xi32, #tpu.memory_space<vmem>>
    %dma_wait3A_37 = tpu.memref_squeeze %dma_wait3A_36 : memref<1x256xi32, #tpu.memory_space<vmem>> -> memref<256xi32, #tpu.memory_space<vmem>>
    %dma_wait3A_38 = arith.constant 0 : i32
    %dma_wait3A_39 = arith.constant 0 : i32
    %dma_wait3A_40 = tpu.memref_slice %arg12[%dma_wait3A_38, %dma_wait3A_39] : memref<10008x64xf32, #tpu.memory_space<vmem_shared>> -> memref<10008x64xf32, #tpu.memory_space<vmem_shared>>
    %dma_wait3A_41 = tpu.memref_slice %arg14[%dma_wait3A_30] : memref<2x!tpu.dma_semaphore, #tpu.memory_space<semaphore_mem>> -> memref<1x!tpu.dma_semaphore, #tpu.memory_space<semaphore_mem>>
    %dma_wait3A_42 = tpu.memref_squeeze %dma_wait3A_41 : memref<1x!tpu.dma_semaphore, #tpu.memory_space<semaphore_mem>> -> memref<!tpu.dma_semaphore, #tpu.memory_space<semaphore_mem>>
    tpu.wait_indirect_dma semaphore(%dma_wait3A_42 : memref<!tpu.dma_semaphore, #tpu.memory_space<semaphore_mem>>) src(%dma_wait3A_34 : memref<256x64xf32, #tpu.memory_space<vmem>>) dst(%dma_wait3A_40 : memref<10008x64xf32, #tpu.memory_space<vmem_shared>>)
    %barrier3A_43 = arith.constant 0 : index
    tpu.barrier barrier_id(%barrier3A_43)
    %lt3A_44 = arith.constant 15 : i32
    %lt3A_45 = arith.cmpi slt, %arg1, %lt3A_44 : i32
    %convert_element_type3A_46 = arith.extui %lt3A_45 : i1 to i32
    %cond3A_47 = arith.constant 0 : i32
    %cond3A_48 = arith.cmpi ne, %convert_element_type3A_46, %cond3A_47 : i32
    scf.if %cond3A_48 {
      "tpu.region"() ({
        %run_scoped3A = tpu.sem_alloc : memref<!tpu.dma_semaphore, #tpu.memory_space<semaphore_mem>>
        %dma_start3A_54 = arith.constant 0 : i32
        %dma_start3A_55 = tpu.memref_slice %arg8[%add3A_3, %mul3A_0, %dma_start3A_54] : memref<2x10000x64xf32, #tpu.memory_space<hbm>> -> memref<1x640x64xf32, #tpu.memory_space<hbm>>
        %dma_start3A_56 = tpu.memref_squeeze %dma_start3A_55 : memref<1x640x64xf32, #tpu.memory_space<hbm>> -> memref<640x64xf32, #tpu.memory_space<hbm>>
        %dma_start3A_57 = arith.constant 0 : i32
        %dma_start3A_58 = tpu.memref_slice %arg12[%mul3A_0, %dma_start3A_57] : memref<10008x64xf32, #tpu.memory_space<vmem_shared>> -> memref<640x64xf32, #tpu.memory_space<vmem_shared>>
        tpu.enqueue_dma source(%dma_start3A_58 : memref<640x64xf32, #tpu.memory_space<vmem_shared>>) target(%dma_start3A_56 : memref<640x64xf32, #tpu.memory_space<hbm>>) target_semaphore(%run_scoped3A : memref<!tpu.dma_semaphore, #tpu.memory_space<semaphore_mem>>)
        %dma_wait3A_59 = arith.constant 0 : i32
        %dma_wait3A_60 = tpu.memref_slice %arg8[%add3A_3, %mul3A_0, %dma_wait3A_59] : memref<2x10000x64xf32, #tpu.memory_space<hbm>> -> memref<1x640x64xf32, #tpu.memory_space<hbm>>
        %dma_wait3A_61 = tpu.memref_squeeze %dma_wait3A_60 : memref<1x640x64xf32, #tpu.memory_space<hbm>> -> memref<640x64xf32, #tpu.memory_space<hbm>>
        %dma_wait3A_62 = arith.constant 0 : i32
        %dma_wait3A_63 = tpu.memref_slice %arg12[%mul3A_0, %dma_wait3A_62] : memref<10008x64xf32, #tpu.memory_space<vmem_shared>> -> memref<640x64xf32, #tpu.memory_space<vmem_shared>>
        tpu.wait_dma2 semaphore(%run_scoped3A : memref<!tpu.dma_semaphore, #tpu.memory_space<semaphore_mem>>) src(%dma_wait3A_63 : memref<640x64xf32, #tpu.memory_space<vmem_shared>>) dst(%dma_wait3A_61 : memref<640x64xf32, #tpu.memory_space<hbm>>)
        tpu.yield
      }) : () -> ()
    } else {
    }
    %eq3A_49 = arith.constant 15 : i32
    %eq3A_50 = arith.cmpi eq, %arg1, %eq3A_49 : i32
    %convert_element_type3A_51 = arith.extui %eq3A_50 : i1 to i32
    %cond3A_52 = arith.constant 0 : i32
    %cond3A_53 = arith.cmpi ne, %convert_element_type3A_51, %cond3A_52 : i32
    scf.if %cond3A_53 {
      "tpu.region"() ({
        %run_scoped3A = tpu.sem_alloc : memref<!tpu.dma_semaphore, #tpu.memory_space<semaphore_mem>>
        %dma_start3A_54 = arith.constant 9600 : i32
        %dma_start3A_55 = arith.constant 0 : i32
        %dma_start3A_56 = tpu.memref_slice %arg8[%add3A_3, %dma_start3A_54, %dma_start3A_55] : memref<2x10000x64xf32, #tpu.memory_space<hbm>> -> memref<1x400x64xf32, #tpu.memory_space<hbm>>
        %dma_start3A_57 = tpu.memref_squeeze %dma_start3A_56 : memref<1x400x64xf32, #tpu.memory_space<hbm>> -> memref<400x64xf32, #tpu.memory_space<hbm>>
        %dma_start3A_58 = arith.constant 9600 : i32
        %dma_start3A_59 = arith.constant 0 : i32
        %dma_start3A_60 = tpu.memref_slice %arg12[%dma_start3A_58, %dma_start3A_59] : memref<10008x64xf32, #tpu.memory_space<vmem_shared>> -> memref<400x64xf32, #tpu.memory_space<vmem_shared>>
        tpu.enqueue_dma source(%dma_start3A_60 : memref<400x64xf32, #tpu.memory_space<vmem_shared>>) target(%dma_start3A_57 : memref<400x64xf32, #tpu.memory_space<hbm>>) target_semaphore(%run_scoped3A : memref<!tpu.dma_semaphore, #tpu.memory_space<semaphore_mem>>)
        %dma_wait3A_61 = arith.constant 9600 : i32
        %dma_wait3A_62 = arith.constant 0 : i32
        %dma_wait3A_63 = tpu.memref_slice %arg8[%add3A_3, %dma_wait3A_61, %dma_wait3A_62] : memref<2x10000x64xf32, #tpu.memory_space<hbm>> -> memref<1x400x64xf32, #tpu.memory_space<hbm>>
        %dma_wait3A_64 = tpu.memref_squeeze %dma_wait3A_63 : memref<1x400x64xf32, #tpu.memory_space<hbm>> -> memref<400x64xf32, #tpu.memory_space<hbm>>
        %dma_wait3A_65 = arith.constant 9600 : i32
        %dma_wait3A_66 = arith.constant 0 : i32
        %dma_wait3A_67 = tpu.memref_slice %arg12[%dma_wait3A_65, %dma_wait3A_66] : memref<10008x64xf32, #tpu.memory_space<vmem_shared>> -> memref<400x64xf32, #tpu.memory_space<vmem_shared>>
        tpu.wait_dma2 semaphore(%run_scoped3A : memref<!tpu.dma_semaphore, #tpu.memory_space<semaphore_mem>>) src(%dma_wait3A_67 : memref<400x64xf32, #tpu.memory_space<vmem_shared>>) dst(%dma_wait3A_64 : memref<400x64xf32, #tpu.memory_space<hbm>>)
        tpu.yield
      }) : () -> ()
    } else {
    }
    return
  }
}

#map = affine_map<(d0, d1) -> (0, 0)>
#map1 = affine_map<(d0, d1) -> (0, 0, 0, 0)>
#map2 = affine_map<(d0, d1) -> (0, 0, 0)>
module attributes {stable_mosaic.version = 14 : i64} {
  func.func @body(%arg0: i32, %arg1: i32, %arg2: memref<40000x64xf32, #tpu.memory_space<hbm>>, %arg3: memref<4x16x80x256xi32, #tpu.memory_space<hbm>>, %arg4: memref<4x16x80x256xi32, #tpu.memory_space<hbm>>, %arg5: memref<640x64xf32, #tpu.memory_space<hbm>>, %arg6: memref<640x8xf32, #tpu.memory_space<hbm>>, %arg7: memref<256x8xf32, #tpu.memory_space<hbm>>, %arg8: memref<4x10000x64xf32, #tpu.memory_space<hbm>>, %arg9: memref<80x256xi32, #tpu.memory_space<vmem>>, %arg10: memref<80x256xi32, #tpu.memory_space<vmem>>, %arg11: memref<2x256x64xf32, #tpu.memory_space<vmem>>, %arg12: memref<10008x64xf32, #tpu.memory_space<vmem_shared>>, %arg13: memref<2x!tpu.dma_semaphore, #tpu.memory_space<semaphore_mem>>, %arg14: memref<2x!tpu.dma_semaphore, #tpu.memory_space<semaphore_mem>>) attributes {dimension_semantics = [#tpu.dimension_semantics<core_parallel>, #tpu.dimension_semantics<subcore_parallel>], iteration_bounds = array<i64: 2, 16>, scalar_prefetch = 0 : i64, scratch_operands = 6 : i64, tpu.core_type = #tpu.core_type<sc_vector_subcore>, window_params = [{transform_indices = #map}, {transform_indices = #map1}, {transform_indices = #map1}, {transform_indices = #map}, {transform_indices = #map}, {transform_indices = #map}, {transform_indices = #map2}]} {
    %mul3A = arith.constant 640 : i32
    %mul3A_0 = arith.muli %arg1, %mul3A : i32
    %mul3A_1 = arith.constant 2 : i32
    %mul3A_2 = arith.muli %mul3A_1, %arg0 : i32
    %add3A = arith.constant 0 : i32
    %add3A_3 = arith.addi %mul3A_2, %add3A : i32
    %lt3A = arith.constant 15 : i32
    %lt3A_4 = arith.cmpi slt, %arg1, %lt3A : i32
    %convert_element_type3A = arith.extui %lt3A_4 : i1 to i32
    %cond3A = arith.constant 0 : i32
    %cond3A_5 = arith.cmpi ne, %convert_element_type3A, %cond3A : i32
    scf.if %cond3A_5 {
      "tpu.region"() ({
        %run_scoped3A = tpu.sem_alloc : memref<!tpu.dma_semaphore, #tpu.memory_space<semaphore_mem>>
        %dma_start3A_116 = arith.constant 0 : i32
        %dma_start3A_117 = tpu.memref_slice %arg12[%mul3A_0, %dma_start3A_116] : memref<10008x64xf32, #tpu.memory_space<vmem_shared>> -> memref<640x64xf32, #tpu.memory_space<vmem_shared>>
        tpu.enqueue_dma source(%arg5 : memref<640x64xf32, #tpu.memory_space<hbm>>) target(%dma_start3A_117 : memref<640x64xf32, #tpu.memory_space<vmem_shared>>) target_semaphore(%run_scoped3A : memref<!tpu.dma_semaphore, #tpu.memory_space<semaphore_mem>>)
        %dma_wait3A_118 = arith.constant 0 : i32
        %dma_wait3A_119 = tpu.memref_slice %arg12[%mul3A_0, %dma_wait3A_118] : memref<10008x64xf32, #tpu.memory_space<vmem_shared>> -> memref<640x64xf32, #tpu.memory_space<vmem_shared>>
        tpu.wait_dma2 semaphore(%run_scoped3A : memref<!tpu.dma_semaphore, #tpu.memory_space<semaphore_mem>>) src(%arg5 : memref<640x64xf32, #tpu.memory_space<hbm>>) dst(%dma_wait3A_119 : memref<640x64xf32, #tpu.memory_space<vmem_shared>>)
        tpu.yield
      }) : () -> ()
    } else {
    }
    %eq3A = arith.constant 15 : i32
    %eq3A_6 = arith.cmpi eq, %arg1, %eq3A : i32
    %convert_element_type3A_7 = arith.extui %eq3A_6 : i1 to i32
    %cond3A_8 = arith.constant 0 : i32
    %cond3A_9 = arith.cmpi ne, %convert_element_type3A_7, %cond3A_8 : i32
    scf.if %cond3A_9 {
      "tpu.region"() ({
        %run_scoped3A = tpu.sem_alloc : memref<!tpu.dma_semaphore, #tpu.memory_space<semaphore_mem>>
        %dma_start3A_116 = arith.constant 9600 : i32
        %dma_start3A_117 = arith.constant 0 : i32
        %dma_start3A_118 = tpu.memref_slice %arg12[%dma_start3A_116, %dma_start3A_117] : memref<10008x64xf32, #tpu.memory_space<vmem_shared>> -> memref<400x64xf32, #tpu.memory_space<vmem_shared>>
        %dma_start3A_119 = arith.constant 0 : i32
        %dma_start3A_120 = arith.constant 0 : i32
        %dma_start3A_121 = tpu.memref_slice %arg5[%dma_start3A_119, %dma_start3A_120] : memref<640x64xf32, #tpu.memory_space<hbm>> -> memref<400x64xf32, #tpu.memory_space<hbm>>
        tpu.enqueue_dma source(%dma_start3A_121 : memref<400x64xf32, #tpu.memory_space<hbm>>) target(%dma_start3A_118 : memref<400x64xf32, #tpu.memory_space<vmem_shared>>) target_semaphore(%run_scoped3A : memref<!tpu.dma_semaphore, #tpu.memory_space<semaphore_mem>>)
        %dma_wait3A_122 = arith.constant 9600 : i32
        %dma_wait3A_123 = arith.constant 0 : i32
        %dma_wait3A_124 = tpu.memref_slice %arg12[%dma_wait3A_122, %dma_wait3A_123] : memref<10008x64xf32, #tpu.memory_space<vmem_shared>> -> memref<400x64xf32, #tpu.memory_space<vmem_shared>>
        %dma_wait3A_125 = arith.constant 0 : i32
        %dma_wait3A_126 = arith.constant 0 : i32
        %dma_wait3A_127 = tpu.memref_slice %arg5[%dma_wait3A_125, %dma_wait3A_126] : memref<640x64xf32, #tpu.memory_space<hbm>> -> memref<400x64xf32, #tpu.memory_space<hbm>>
        tpu.wait_dma2 semaphore(%run_scoped3A : memref<!tpu.dma_semaphore, #tpu.memory_space<semaphore_mem>>) src(%dma_wait3A_127 : memref<400x64xf32, #tpu.memory_space<hbm>>) dst(%dma_wait3A_124 : memref<400x64xf32, #tpu.memory_space<vmem_shared>>)
        tpu.yield
      }) : () -> ()
    } else {
    }
    "tpu.region"() ({
      %run_scoped3A = tpu.sem_alloc : memref<!tpu.dma_semaphore, #tpu.memory_space<semaphore_mem>>
      %dma_start3A_116 = arith.constant 0 : i32
      %dma_start3A_117 = arith.constant 0 : i32
      %dma_start3A_118 = tpu.memref_slice %arg3[%add3A_3, %arg1, %dma_start3A_116, %dma_start3A_117] : memref<4x16x80x256xi32, #tpu.memory_space<hbm>> -> memref<1x1x80x256xi32, #tpu.memory_space<hbm>>
      %dma_start3A_119 = tpu.memref_squeeze %dma_start3A_118 : memref<1x1x80x256xi32, #tpu.memory_space<hbm>> -> memref<80x256xi32, #tpu.memory_space<hbm>>
      %dma_start3A_120 = arith.constant 0 : i32
      %dma_start3A_121 = arith.constant 0 : i32
      %dma_start3A_122 = tpu.memref_slice %arg3[%add3A_3, %arg1, %dma_start3A_120, %dma_start3A_121] : memref<4x16x80x256xi32, #tpu.memory_space<hbm>> -> memref<1x1x80x256xi32, #tpu.memory_space<hbm>>
      %dma_start3A_123 = tpu.memref_squeeze %dma_start3A_122 : memref<1x1x80x256xi32, #tpu.memory_space<hbm>> -> memref<80x256xi32, #tpu.memory_space<hbm>>
      tpu.enqueue_dma source(%dma_start3A_123 : memref<80x256xi32, #tpu.memory_space<hbm>>) target(%arg9 : memref<80x256xi32, #tpu.memory_space<vmem>>) target_semaphore(%run_scoped3A : memref<!tpu.dma_semaphore, #tpu.memory_space<semaphore_mem>>)
      %dma_wait3A_124 = arith.constant 0 : i32
      %dma_wait3A_125 = arith.constant 0 : i32
      %dma_wait3A_126 = tpu.memref_slice %arg3[%add3A_3, %arg1, %dma_wait3A_124, %dma_wait3A_125] : memref<4x16x80x256xi32, #tpu.memory_space<hbm>> -> memref<1x1x80x256xi32, #tpu.memory_space<hbm>>
      %dma_wait3A_127 = tpu.memref_squeeze %dma_wait3A_126 : memref<1x1x80x256xi32, #tpu.memory_space<hbm>> -> memref<80x256xi32, #tpu.memory_space<hbm>>
      %dma_wait3A_128 = arith.constant 0 : i32
      %dma_wait3A_129 = arith.constant 0 : i32
      %dma_wait3A_130 = tpu.memref_slice %arg3[%add3A_3, %arg1, %dma_wait3A_128, %dma_wait3A_129] : memref<4x16x80x256xi32, #tpu.memory_space<hbm>> -> memref<1x1x80x256xi32, #tpu.memory_space<hbm>>
      %dma_wait3A_131 = tpu.memref_squeeze %dma_wait3A_130 : memref<1x1x80x256xi32, #tpu.memory_space<hbm>> -> memref<80x256xi32, #tpu.memory_space<hbm>>
      tpu.wait_dma2 semaphore(%run_scoped3A : memref<!tpu.dma_semaphore, #tpu.memory_space<semaphore_mem>>) src(%dma_wait3A_131 : memref<80x256xi32, #tpu.memory_space<hbm>>) dst(%arg9 : memref<80x256xi32, #tpu.memory_space<vmem>>)
      tpu.yield
    }) : () -> ()
    "tpu.region"() ({
      %run_scoped3A = tpu.sem_alloc : memref<!tpu.dma_semaphore, #tpu.memory_space<semaphore_mem>>
      %dma_start3A_116 = arith.constant 0 : i32
      %dma_start3A_117 = arith.constant 0 : i32
      %dma_start3A_118 = tpu.memref_slice %arg4[%add3A_3, %arg1, %dma_start3A_116, %dma_start3A_117] : memref<4x16x80x256xi32, #tpu.memory_space<hbm>> -> memref<1x1x80x256xi32, #tpu.memory_space<hbm>>
      %dma_start3A_119 = tpu.memref_squeeze %dma_start3A_118 : memref<1x1x80x256xi32, #tpu.memory_space<hbm>> -> memref<80x256xi32, #tpu.memory_space<hbm>>
      %dma_start3A_120 = arith.constant 0 : i32
      %dma_start3A_121 = arith.constant 0 : i32
      %dma_start3A_122 = tpu.memref_slice %arg4[%add3A_3, %arg1, %dma_start3A_120, %dma_start3A_121] : memref<4x16x80x256xi32, #tpu.memory_space<hbm>> -> memref<1x1x80x256xi32, #tpu.memory_space<hbm>>
      %dma_start3A_123 = tpu.memref_squeeze %dma_start3A_122 : memref<1x1x80x256xi32, #tpu.memory_space<hbm>> -> memref<80x256xi32, #tpu.memory_space<hbm>>
      tpu.enqueue_dma source(%dma_start3A_123 : memref<80x256xi32, #tpu.memory_space<hbm>>) target(%arg10 : memref<80x256xi32, #tpu.memory_space<vmem>>) target_semaphore(%run_scoped3A : memref<!tpu.dma_semaphore, #tpu.memory_space<semaphore_mem>>)
      %dma_wait3A_124 = arith.constant 0 : i32
      %dma_wait3A_125 = arith.constant 0 : i32
      %dma_wait3A_126 = tpu.memref_slice %arg4[%add3A_3, %arg1, %dma_wait3A_124, %dma_wait3A_125] : memref<4x16x80x256xi32, #tpu.memory_space<hbm>> -> memref<1x1x80x256xi32, #tpu.memory_space<hbm>>
      %dma_wait3A_127 = tpu.memref_squeeze %dma_wait3A_126 : memref<1x1x80x256xi32, #tpu.memory_space<hbm>> -> memref<80x256xi32, #tpu.memory_space<hbm>>
      %dma_wait3A_128 = arith.constant 0 : i32
      %dma_wait3A_129 = arith.constant 0 : i32
      %dma_wait3A_130 = tpu.memref_slice %arg4[%add3A_3, %arg1, %dma_wait3A_128, %dma_wait3A_129] : memref<4x16x80x256xi32, #tpu.memory_space<hbm>> -> memref<1x1x80x256xi32, #tpu.memory_space<hbm>>
      %dma_wait3A_131 = tpu.memref_squeeze %dma_wait3A_130 : memref<1x1x80x256xi32, #tpu.memory_space<hbm>> -> memref<80x256xi32, #tpu.memory_space<hbm>>
      tpu.wait_dma2 semaphore(%run_scoped3A : memref<!tpu.dma_semaphore, #tpu.memory_space<semaphore_mem>>) src(%dma_wait3A_131 : memref<80x256xi32, #tpu.memory_space<hbm>>) dst(%arg10 : memref<80x256xi32, #tpu.memory_space<vmem>>)
      tpu.yield
    }) : () -> ()
    %barrier3A = arith.constant 0 : index
    tpu.barrier barrier_id(%barrier3A)
    %dma_start3A = arith.constant 0 : i32
    %dma_start3A_10 = arith.constant 0 : i32
    %dma_start3A_11 = arith.constant 0 : i32
    %dma_start3A_12 = arith.constant 0 : i32
    %dma_start3A_13 = arith.constant 0 : i32
    %dma_start3A_14 = tpu.memref_slice %arg11[%dma_start3A_10, %dma_start3A_12, %dma_start3A_13] : memref<2x256x64xf32, #tpu.memory_space<vmem>> -> memref<1x256x64xf32, #tpu.memory_space<vmem>>
    %dma_start3A_15 = tpu.memref_squeeze %dma_start3A_14 : memref<1x256x64xf32, #tpu.memory_space<vmem>> -> memref<256x64xf32, #tpu.memory_space<vmem>>
    %dma_start3A_16 = arith.constant 0 : i32
    %dma_start3A_17 = tpu.memref_slice %arg9[%dma_start3A, %dma_start3A_16] : memref<80x256xi32, #tpu.memory_space<vmem>> -> memref<1x256xi32, #tpu.memory_space<vmem>>
    %dma_start3A_18 = tpu.memref_squeeze %dma_start3A_17 : memref<1x256xi32, #tpu.memory_space<vmem>> -> memref<256xi32, #tpu.memory_space<vmem>>
    %dma_start3A_19 = arith.constant 0 : i32
    %dma_start3A_20 = arith.constant 0 : i32
    %dma_start3A_21 = tpu.memref_slice %arg2[%dma_start3A_19, %dma_start3A_20] : memref<40000x64xf32, #tpu.memory_space<hbm>> -> memref<40000x64xf32, #tpu.memory_space<hbm>>
    %dma_start3A_22 = tpu.memref_slice %arg13[%dma_start3A_11] : memref<2x!tpu.dma_semaphore, #tpu.memory_space<semaphore_mem>> -> memref<1x!tpu.dma_semaphore, #tpu.memory_space<semaphore_mem>>
    %dma_start3A_23 = tpu.memref_squeeze %dma_start3A_22 : memref<1x!tpu.dma_semaphore, #tpu.memory_space<semaphore_mem>> -> memref<!tpu.dma_semaphore, #tpu.memory_space<semaphore_mem>>
    tpu.enqueue_indirect_dma source(%dma_start3A_21 : memref<40000x64xf32, #tpu.memory_space<hbm>>) target(%dma_start3A_15 : memref<256x64xf32, #tpu.memory_space<vmem>>) offsets(%dma_start3A_18 : memref<256xi32, #tpu.memory_space<vmem>>) semaphore(%dma_start3A_23 : memref<!tpu.dma_semaphore, #tpu.memory_space<semaphore_mem>>)
    %scan3A = arith.constant 0 : i32
    %scan3A_24 = arith.constant 0 : i32
    %scan3A_25 = arith.constant 40 : i32
    %scan3A_26 = arith.addi %scan3A_24, %scan3A_25 : i32
    %scan3A_27 = arith.constant 1 : i32
    scf.for %scan3A_116 = %scan3A_24 to %scan3A_26 step %scan3A_27  : i32 {
      %mul3A_117 = arith.constant 2 : i32
      %mul3A_118 = arith.muli %mul3A_117, %scan3A_116 : i32
      %add3A_119 = arith.constant 0 : i32
      %add3A_120 = arith.addi %mul3A_118, %add3A_119 : i32
      %dma_wait3A_121 = arith.constant 0 : i32
      %dma_wait3A_122 = arith.constant 0 : i32
      %dma_wait3A_123 = arith.constant 0 : i32
      %dma_wait3A_124 = arith.constant 0 : i32
      %dma_wait3A_125 = tpu.memref_slice %arg11[%dma_wait3A_121, %dma_wait3A_123, %dma_wait3A_124] : memref<2x256x64xf32, #tpu.memory_space<vmem>> -> memref<1x256x64xf32, #tpu.memory_space<vmem>>
      %dma_wait3A_126 = tpu.memref_squeeze %dma_wait3A_125 : memref<1x256x64xf32, #tpu.memory_space<vmem>> -> memref<256x64xf32, #tpu.memory_space<vmem>>
      %dma_wait3A_127 = arith.constant 0 : i32
      %dma_wait3A_128 = tpu.memref_slice %arg9[%add3A_120, %dma_wait3A_127] : memref<80x256xi32, #tpu.memory_space<vmem>> -> memref<1x256xi32, #tpu.memory_space<vmem>>
      %dma_wait3A_129 = tpu.memref_squeeze %dma_wait3A_128 : memref<1x256xi32, #tpu.memory_space<vmem>> -> memref<256xi32, #tpu.memory_space<vmem>>
      %dma_wait3A_130 = arith.constant 0 : i32
      %dma_wait3A_131 = arith.constant 0 : i32
      %dma_wait3A_132 = tpu.memref_slice %arg2[%dma_wait3A_130, %dma_wait3A_131] : memref<40000x64xf32, #tpu.memory_space<hbm>> -> memref<40000x64xf32, #tpu.memory_space<hbm>>
      %dma_wait3A_133 = tpu.memref_slice %arg13[%dma_wait3A_122] : memref<2x!tpu.dma_semaphore, #tpu.memory_space<semaphore_mem>> -> memref<1x!tpu.dma_semaphore, #tpu.memory_space<semaphore_mem>>
      %dma_wait3A_134 = tpu.memref_squeeze %dma_wait3A_133 : memref<1x!tpu.dma_semaphore, #tpu.memory_space<semaphore_mem>> -> memref<!tpu.dma_semaphore, #tpu.memory_space<semaphore_mem>>
      tpu.wait_indirect_dma semaphore(%dma_wait3A_134 : memref<!tpu.dma_semaphore, #tpu.memory_space<semaphore_mem>>) src(%dma_wait3A_132 : memref<40000x64xf32, #tpu.memory_space<hbm>>) dst(%dma_wait3A_126 : memref<256x64xf32, #tpu.memory_space<vmem>>)
      %dma_start3A_135 = arith.constant 0 : i32
      %dma_start3A_136 = arith.constant 0 : i32
      %dma_start3A_137 = arith.constant 0 : i32
      %dma_start3A_138 = arith.constant 0 : i32
      %dma_start3A_139 = tpu.memref_slice %arg11[%dma_start3A_135, %dma_start3A_137, %dma_start3A_138] : memref<2x256x64xf32, #tpu.memory_space<vmem>> -> memref<1x256x64xf32, #tpu.memory_space<vmem>>
      %dma_start3A_140 = tpu.memref_squeeze %dma_start3A_139 : memref<1x256x64xf32, #tpu.memory_space<vmem>> -> memref<256x64xf32, #tpu.memory_space<vmem>>
      %dma_start3A_141 = arith.constant 0 : i32
      %dma_start3A_142 = tpu.memref_slice %arg10[%add3A_120, %dma_start3A_141] : memref<80x256xi32, #tpu.memory_space<vmem>> -> memref<1x256xi32, #tpu.memory_space<vmem>>
      %dma_start3A_143 = tpu.memref_squeeze %dma_start3A_142 : memref<1x256xi32, #tpu.memory_space<vmem>> -> memref<256xi32, #tpu.memory_space<vmem>>
      %dma_start3A_144 = arith.constant 0 : i32
      %dma_start3A_145 = arith.constant 0 : i32
      %dma_start3A_146 = tpu.memref_slice %arg12[%dma_start3A_144, %dma_start3A_145] : memref<10008x64xf32, #tpu.memory_space<vmem_shared>> -> memref<10008x64xf32, #tpu.memory_space<vmem_shared>>
      %dma_start3A_147 = tpu.memref_slice %arg14[%dma_start3A_136] : memref<2x!tpu.dma_semaphore, #tpu.memory_space<semaphore_mem>> -> memref<1x!tpu.dma_semaphore, #tpu.memory_space<semaphore_mem>>
      %dma_start3A_148 = tpu.memref_squeeze %dma_start3A_147 : memref<1x!tpu.dma_semaphore, #tpu.memory_space<semaphore_mem>> -> memref<!tpu.dma_semaphore, #tpu.memory_space<semaphore_mem>>
      tpu.enqueue_indirect_dma source(%dma_start3A_140 : memref<256x64xf32, #tpu.memory_space<vmem>>) target(%dma_start3A_146 : memref<10008x64xf32, #tpu.memory_space<vmem_shared>>) offsets(%dma_start3A_143 : memref<256xi32, #tpu.memory_space<vmem>>) semaphore(%dma_start3A_148 : memref<!tpu.dma_semaphore, #tpu.memory_space<semaphore_mem>>) {add = true}
      %ge3A = arith.constant 1 : i32
      %ge3A_149 = arith.cmpi sge, %add3A_120, %ge3A : i32
      %convert_element_type3A_150 = arith.extui %ge3A_149 : i1 to i32
      %cond3A_151 = arith.constant 0 : i32
      %cond3A_152 = arith.cmpi ne, %convert_element_type3A_150, %cond3A_151 : i32
      scf.if %cond3A_152 {
        %sub3A = arith.constant 1 : i32
        %sub3A_202 = arith.subi %add3A_120, %sub3A : i32
        %dma_wait3A_203 = arith.constant 1 : i32
        %dma_wait3A_204 = arith.constant 1 : i32
        %dma_wait3A_205 = arith.constant 0 : i32
        %dma_wait3A_206 = arith.constant 0 : i32
        %dma_wait3A_207 = tpu.memref_slice %arg11[%dma_wait3A_203, %dma_wait3A_205, %dma_wait3A_206] : memref<2x256x64xf32, #tpu.memory_space<vmem>> -> memref<1x256x64xf32, #tpu.memory_space<vmem>>
        %dma_wait3A_208 = tpu.memref_squeeze %dma_wait3A_207 : memref<1x256x64xf32, #tpu.memory_space<vmem>> -> memref<256x64xf32, #tpu.memory_space<vmem>>
        %dma_wait3A_209 = arith.constant 0 : i32
        %dma_wait3A_210 = tpu.memref_slice %arg10[%sub3A_202, %dma_wait3A_209] : memref<80x256xi32, #tpu.memory_space<vmem>> -> memref<1x256xi32, #tpu.memory_space<vmem>>
        %dma_wait3A_211 = tpu.memref_squeeze %dma_wait3A_210 : memref<1x256xi32, #tpu.memory_space<vmem>> -> memref<256xi32, #tpu.memory_space<vmem>>
        %dma_wait3A_212 = arith.constant 0 : i32
        %dma_wait3A_213 = arith.constant 0 : i32
        %dma_wait3A_214 = tpu.memref_slice %arg12[%dma_wait3A_212, %dma_wait3A_213] : memref<10008x64xf32, #tpu.memory_space<vmem_shared>> -> memref<10008x64xf32, #tpu.memory_space<vmem_shared>>
        %dma_wait3A_215 = tpu.memref_slice %arg14[%dma_wait3A_204] : memref<2x!tpu.dma_semaphore, #tpu.memory_space<semaphore_mem>> -> memref<1x!tpu.dma_semaphore, #tpu.memory_space<semaphore_mem>>
        %dma_wait3A_216 = tpu.memref_squeeze %dma_wait3A_215 : memref<1x!tpu.dma_semaphore, #tpu.memory_space<semaphore_mem>> -> memref<!tpu.dma_semaphore, #tpu.memory_space<semaphore_mem>>
        tpu.wait_indirect_dma semaphore(%dma_wait3A_216 : memref<!tpu.dma_semaphore, #tpu.memory_space<semaphore_mem>>) src(%dma_wait3A_208 : memref<256x64xf32, #tpu.memory_space<vmem>>) dst(%dma_wait3A_214 : memref<10008x64xf32, #tpu.memory_space<vmem_shared>>)
      } else {
      }
      %add3A_153 = arith.constant 1 : i32
      %add3A_154 = arith.addi %add3A_120, %add3A_153 : i32
      %lt3A_155 = arith.constant 80 : i32
      %lt3A_156 = arith.cmpi slt, %add3A_154, %lt3A_155 : i32
      %convert_element_type3A_157 = arith.extui %lt3A_156 : i1 to i32
      %cond3A_158 = arith.constant 0 : i32
      %cond3A_159 = arith.cmpi ne, %convert_element_type3A_157, %cond3A_158 : i32
      scf.if %cond3A_159 {
        %add3A_202 = arith.constant 1 : i32
        %add3A_203 = arith.addi %add3A_120, %add3A_202 : i32
        %dma_start3A_204 = arith.constant 1 : i32
        %dma_start3A_205 = arith.constant 1 : i32
        %dma_start3A_206 = arith.constant 0 : i32
        %dma_start3A_207 = arith.constant 0 : i32
        %dma_start3A_208 = tpu.memref_slice %arg11[%dma_start3A_204, %dma_start3A_206, %dma_start3A_207] : memref<2x256x64xf32, #tpu.memory_space<vmem>> -> memref<1x256x64xf32, #tpu.memory_space<vmem>>
        %dma_start3A_209 = tpu.memref_squeeze %dma_start3A_208 : memref<1x256x64xf32, #tpu.memory_space<vmem>> -> memref<256x64xf32, #tpu.memory_space<vmem>>
        %dma_start3A_210 = arith.constant 0 : i32
        %dma_start3A_211 = tpu.memref_slice %arg9[%add3A_203, %dma_start3A_210] : memref<80x256xi32, #tpu.memory_space<vmem>> -> memref<1x256xi32, #tpu.memory_space<vmem>>
        %dma_start3A_212 = tpu.memref_squeeze %dma_start3A_211 : memref<1x256xi32, #tpu.memory_space<vmem>> -> memref<256xi32, #tpu.memory_space<vmem>>
        %dma_start3A_213 = arith.constant 0 : i32
        %dma_start3A_214 = arith.constant 0 : i32
        %dma_start3A_215 = tpu.memref_slice %arg2[%dma_start3A_213, %dma_start3A_214] : memref<40000x64xf32, #tpu.memory_space<hbm>> -> memref<40000x64xf32, #tpu.memory_space<hbm>>
        %dma_start3A_216 = tpu.memref_slice %arg13[%dma_start3A_205] : memref<2x!tpu.dma_semaphore, #tpu.memory_space<semaphore_mem>> -> memref<1x!tpu.dma_semaphore, #tpu.memory_space<semaphore_mem>>
        %dma_start3A_217 = tpu.memref_squeeze %dma_start3A_216 : memref<1x!tpu.dma_semaphore, #tpu.memory_space<semaphore_mem>> -> memref<!tpu.dma_semaphore, #tpu.memory_space<semaphore_mem>>
        tpu.enqueue_indirect_dma source(%dma_start3A_215 : memref<40000x64xf32, #tpu.memory_space<hbm>>) target(%dma_start3A_209 : memref<256x64xf32, #tpu.memory_space<vmem>>) offsets(%dma_start3A_212 : memref<256xi32, #tpu.memory_space<vmem>>) semaphore(%dma_start3A_217 : memref<!tpu.dma_semaphore, #tpu.memory_space<semaphore_mem>>)
      } else {
      }
      %add3A_160 = arith.constant 1 : i32
      %add3A_161 = arith.addi %mul3A_118, %add3A_160 : i32
      %dma_wait3A_162 = arith.constant 1 : i32
      %dma_wait3A_163 = arith.constant 1 : i32
      %dma_wait3A_164 = arith.constant 0 : i32
      %dma_wait3A_165 = arith.constant 0 : i32
      %dma_wait3A_166 = tpu.memref_slice %arg11[%dma_wait3A_162, %dma_wait3A_164, %dma_wait3A_165] : memref<2x256x64xf32, #tpu.memory_space<vmem>> -> memref<1x256x64xf32, #tpu.memory_space<vmem>>
      %dma_wait3A_167 = tpu.memref_squeeze %dma_wait3A_166 : memref<1x256x64xf32, #tpu.memory_space<vmem>> -> memref<256x64xf32, #tpu.memory_space<vmem>>
      %dma_wait3A_168 = arith.constant 0 : i32
      %dma_wait3A_169 = tpu.memref_slice %arg9[%add3A_161, %dma_wait3A_168] : memref<80x256xi32, #tpu.memory_space<vmem>> -> memref<1x256xi32, #tpu.memory_space<vmem>>
      %dma_wait3A_170 = tpu.memref_squeeze %dma_wait3A_169 : memref<1x256xi32, #tpu.memory_space<vmem>> -> memref<256xi32, #tpu.memory_space<vmem>>
      %dma_wait3A_171 = arith.constant 0 : i32
      %dma_wait3A_172 = arith.constant 0 : i32
      %dma_wait3A_173 = tpu.memref_slice %arg2[%dma_wait3A_171, %dma_wait3A_172] : memref<40000x64xf32, #tpu.memory_space<hbm>> -> memref<40000x64xf32, #tpu.memory_space<hbm>>
      %dma_wait3A_174 = tpu.memref_slice %arg13[%dma_wait3A_163] : memref<2x!tpu.dma_semaphore, #tpu.memory_space<semaphore_mem>> -> memref<1x!tpu.dma_semaphore, #tpu.memory_space<semaphore_mem>>
      %dma_wait3A_175 = tpu.memref_squeeze %dma_wait3A_174 : memref<1x!tpu.dma_semaphore, #tpu.memory_space<semaphore_mem>> -> memref<!tpu.dma_semaphore, #tpu.memory_space<semaphore_mem>>
      tpu.wait_indirect_dma semaphore(%dma_wait3A_175 : memref<!tpu.dma_semaphore, #tpu.memory_space<semaphore_mem>>) src(%dma_wait3A_173 : memref<40000x64xf32, #tpu.memory_space<hbm>>) dst(%dma_wait3A_167 : memref<256x64xf32, #tpu.memory_space<vmem>>)
      %dma_start3A_176 = arith.constant 1 : i32
      %dma_start3A_177 = arith.constant 1 : i32
      %dma_start3A_178 = arith.constant 0 : i32
      %dma_start3A_179 = arith.constant 0 : i32
      %dma_start3A_180 = tpu.memref_slice %arg11[%dma_start3A_176, %dma_start3A_178, %dma_start3A_179] : memref<2x256x64xf32, #tpu.memory_space<vmem>> -> memref<1x256x64xf32, #tpu.memory_space<vmem>>
      %dma_start3A_181 = tpu.memref_squeeze %dma_start3A_180 : memref<1x256x64xf32, #tpu.memory_space<vmem>> -> memref<256x64xf32, #tpu.memory_space<vmem>>
      %dma_start3A_182 = arith.constant 0 : i32
      %dma_start3A_183 = tpu.memref_slice %arg10[%add3A_161, %dma_start3A_182] : memref<80x256xi32, #tpu.memory_space<vmem>> -> memref<1x256xi32, #tpu.memory_space<vmem>>
      %dma_start3A_184 = tpu.memref_squeeze %dma_start3A_183 : memref<1x256xi32, #tpu.memory_space<vmem>> -> memref<256xi32, #tpu.memory_space<vmem>>
      %dma_start3A_185 = arith.constant 0 : i32
      %dma_start3A_186 = arith.constant 0 : i32
      %dma_start3A_187 = tpu.memref_slice %arg12[%dma_start3A_185, %dma_start3A_186] : memref<10008x64xf32, #tpu.memory_space<vmem_shared>> -> memref<10008x64xf32, #tpu.memory_space<vmem_shared>>
      %dma_start3A_188 = tpu.memref_slice %arg14[%dma_start3A_177] : memref<2x!tpu.dma_semaphore, #tpu.memory_space<semaphore_mem>> -> memref<1x!tpu.dma_semaphore, #tpu.memory_space<semaphore_mem>>
      %dma_start3A_189 = tpu.memref_squeeze %dma_start3A_188 : memref<1x!tpu.dma_semaphore, #tpu.memory_space<semaphore_mem>> -> memref<!tpu.dma_semaphore, #tpu.memory_space<semaphore_mem>>
      tpu.enqueue_indirect_dma source(%dma_start3A_181 : memref<256x64xf32, #tpu.memory_space<vmem>>) target(%dma_start3A_187 : memref<10008x64xf32, #tpu.memory_space<vmem_shared>>) offsets(%dma_start3A_184 : memref<256xi32, #tpu.memory_space<vmem>>) semaphore(%dma_start3A_189 : memref<!tpu.dma_semaphore, #tpu.memory_space<semaphore_mem>>) {add = true}
      %ge3A_190 = arith.constant 1 : i32
      %ge3A_191 = arith.cmpi sge, %add3A_161, %ge3A_190 : i32
      %convert_element_type3A_192 = arith.extui %ge3A_191 : i1 to i32
      %cond3A_193 = arith.constant 0 : i32
      %cond3A_194 = arith.cmpi ne, %convert_element_type3A_192, %cond3A_193 : i32
      scf.if %cond3A_194 {
        %sub3A = arith.constant 1 : i32
        %sub3A_202 = arith.subi %add3A_161, %sub3A : i32
        %dma_wait3A_203 = arith.constant 0 : i32
        %dma_wait3A_204 = arith.constant 0 : i32
        %dma_wait3A_205 = arith.constant 0 : i32
        %dma_wait3A_206 = arith.constant 0 : i32
        %dma_wait3A_207 = tpu.memref_slice %arg11[%dma_wait3A_203, %dma_wait3A_205, %dma_wait3A_206] : memref<2x256x64xf32, #tpu.memory_space<vmem>> -> memref<1x256x64xf32, #tpu.memory_space<vmem>>
        %dma_wait3A_208 = tpu.memref_squeeze %dma_wait3A_207 : memref<1x256x64xf32, #tpu.memory_space<vmem>> -> memref<256x64xf32, #tpu.memory_space<vmem>>
        %dma_wait3A_209 = arith.constant 0 : i32
        %dma_wait3A_210 = tpu.memref_slice %arg10[%sub3A_202, %dma_wait3A_209] : memref<80x256xi32, #tpu.memory_space<vmem>> -> memref<1x256xi32, #tpu.memory_space<vmem>>
        %dma_wait3A_211 = tpu.memref_squeeze %dma_wait3A_210 : memref<1x256xi32, #tpu.memory_space<vmem>> -> memref<256xi32, #tpu.memory_space<vmem>>
        %dma_wait3A_212 = arith.constant 0 : i32
        %dma_wait3A_213 = arith.constant 0 : i32
        %dma_wait3A_214 = tpu.memref_slice %arg12[%dma_wait3A_212, %dma_wait3A_213] : memref<10008x64xf32, #tpu.memory_space<vmem_shared>> -> memref<10008x64xf32, #tpu.memory_space<vmem_shared>>
        %dma_wait3A_215 = tpu.memref_slice %arg14[%dma_wait3A_204] : memref<2x!tpu.dma_semaphore, #tpu.memory_space<semaphore_mem>> -> memref<1x!tpu.dma_semaphore, #tpu.memory_space<semaphore_mem>>
        %dma_wait3A_216 = tpu.memref_squeeze %dma_wait3A_215 : memref<1x!tpu.dma_semaphore, #tpu.memory_space<semaphore_mem>> -> memref<!tpu.dma_semaphore, #tpu.memory_space<semaphore_mem>>
        tpu.wait_indirect_dma semaphore(%dma_wait3A_216 : memref<!tpu.dma_semaphore, #tpu.memory_space<semaphore_mem>>) src(%dma_wait3A_208 : memref<256x64xf32, #tpu.memory_space<vmem>>) dst(%dma_wait3A_214 : memref<10008x64xf32, #tpu.memory_space<vmem_shared>>)
      } else {
      }
      %add3A_195 = arith.constant 1 : i32
      %add3A_196 = arith.addi %add3A_161, %add3A_195 : i32
      %lt3A_197 = arith.constant 80 : i32
      %lt3A_198 = arith.cmpi slt, %add3A_196, %lt3A_197 : i32
      %convert_element_type3A_199 = arith.extui %lt3A_198 : i1 to i32
      %cond3A_200 = arith.constant 0 : i32
      %cond3A_201 = arith.cmpi ne, %convert_element_type3A_199, %cond3A_200 : i32
      scf.if %cond3A_201 {
        %add3A_202 = arith.constant 1 : i32
        %add3A_203 = arith.addi %add3A_161, %add3A_202 : i32
        %dma_start3A_204 = arith.constant 0 : i32
        %dma_start3A_205 = arith.constant 0 : i32
        %dma_start3A_206 = arith.constant 0 : i32
        %dma_start3A_207 = arith.constant 0 : i32
        %dma_start3A_208 = tpu.memref_slice %arg11[%dma_start3A_204, %dma_start3A_206, %dma_start3A_207] : memref<2x256x64xf32, #tpu.memory_space<vmem>> -> memref<1x256x64xf32, #tpu.memory_space<vmem>>
        %dma_start3A_209 = tpu.memref_squeeze %dma_start3A_208 : memref<1x256x64xf32, #tpu.memory_space<vmem>> -> memref<256x64xf32, #tpu.memory_space<vmem>>
        %dma_start3A_210 = arith.constant 0 : i32
        %dma_start3A_211 = tpu.memref_slice %arg9[%add3A_203, %dma_start3A_210] : memref<80x256xi32, #tpu.memory_space<vmem>> -> memref<1x256xi32, #tpu.memory_space<vmem>>
        %dma_start3A_212 = tpu.memref_squeeze %dma_start3A_211 : memref<1x256xi32, #tpu.memory_space<vmem>> -> memref<256xi32, #tpu.memory_space<vmem>>
        %dma_start3A_213 = arith.constant 0 : i32
        %dma_start3A_214 = arith.constant 0 : i32
        %dma_start3A_215 = tpu.memref_slice %arg2[%dma_start3A_213, %dma_start3A_214] : memref<40000x64xf32, #tpu.memory_space<hbm>> -> memref<40000x64xf32, #tpu.memory_space<hbm>>
        %dma_start3A_216 = tpu.memref_slice %arg13[%dma_start3A_205] : memref<2x!tpu.dma_semaphore, #tpu.memory_space<semaphore_mem>> -> memref<1x!tpu.dma_semaphore, #tpu.memory_space<semaphore_mem>>
        %dma_start3A_217 = tpu.memref_squeeze %dma_start3A_216 : memref<1x!tpu.dma_semaphore, #tpu.memory_space<semaphore_mem>> -> memref<!tpu.dma_semaphore, #tpu.memory_space<semaphore_mem>>
        tpu.enqueue_indirect_dma source(%dma_start3A_215 : memref<40000x64xf32, #tpu.memory_space<hbm>>) target(%dma_start3A_209 : memref<256x64xf32, #tpu.memory_space<vmem>>) offsets(%dma_start3A_212 : memref<256xi32, #tpu.memory_space<vmem>>) semaphore(%dma_start3A_217 : memref<!tpu.dma_semaphore, #tpu.memory_space<semaphore_mem>>)
      } else {
      }
    }
    %scan3A_28 = arith.constant 40 : i32
    %dma_wait3A = arith.constant 1 : i32
    %dma_wait3A_29 = arith.constant 79 : i32
    %dma_wait3A_30 = arith.constant 1 : i32
    %dma_wait3A_31 = arith.constant 0 : i32
    %dma_wait3A_32 = arith.constant 0 : i32
    %dma_wait3A_33 = tpu.memref_slice %arg11[%dma_wait3A, %dma_wait3A_31, %dma_wait3A_32] : memref<2x256x64xf32, #tpu.memory_space<vmem>> -> memref<1x256x64xf32, #tpu.memory_space<vmem>>
    %dma_wait3A_34 = tpu.memref_squeeze %dma_wait3A_33 : memref<1x256x64xf32, #tpu.memory_space<vmem>> -> memref<256x64xf32, #tpu.memory_space<vmem>>
    %dma_wait3A_35 = arith.constant 0 : i32
    %dma_wait3A_36 = tpu.memref_slice %arg10[%dma_wait3A_29, %dma_wait3A_35] : memref<80x256xi32, #tpu.memory_space<vmem>> -> memref<1x256xi32, #tpu.memory_space<vmem>>
    %dma_wait3A_37 = tpu.memref_squeeze %dma_wait3A_36 : memref<1x256xi32, #tpu.memory_space<vmem>> -> memref<256xi32, #tpu.memory_space<vmem>>
    %dma_wait3A_38 = arith.constant 0 : i32
    %dma_wait3A_39 = arith.constant 0 : i32
    %dma_wait3A_40 = tpu.memref_slice %arg12[%dma_wait3A_38, %dma_wait3A_39] : memref<10008x64xf32, #tpu.memory_space<vmem_shared>> -> memref<10008x64xf32, #tpu.memory_space<vmem_shared>>
    %dma_wait3A_41 = tpu.memref_slice %arg14[%dma_wait3A_30] : memref<2x!tpu.dma_semaphore, #tpu.memory_space<semaphore_mem>> -> memref<1x!tpu.dma_semaphore, #tpu.memory_space<semaphore_mem>>
    %dma_wait3A_42 = tpu.memref_squeeze %dma_wait3A_41 : memref<1x!tpu.dma_semaphore, #tpu.memory_space<semaphore_mem>> -> memref<!tpu.dma_semaphore, #tpu.memory_space<semaphore_mem>>
    tpu.wait_indirect_dma semaphore(%dma_wait3A_42 : memref<!tpu.dma_semaphore, #tpu.memory_space<semaphore_mem>>) src(%dma_wait3A_34 : memref<256x64xf32, #tpu.memory_space<vmem>>) dst(%dma_wait3A_40 : memref<10008x64xf32, #tpu.memory_space<vmem_shared>>)
    %barrier3A_43 = arith.constant 0 : index
    tpu.barrier barrier_id(%barrier3A_43)
    %lt3A_44 = arith.constant 15 : i32
    %lt3A_45 = arith.cmpi slt, %arg1, %lt3A_44 : i32
    %convert_element_type3A_46 = arith.extui %lt3A_45 : i1 to i32
    %cond3A_47 = arith.constant 0 : i32
    %cond3A_48 = arith.cmpi ne, %convert_element_type3A_46, %cond3A_47 : i32
    scf.if %cond3A_48 {
      "tpu.region"() ({
        %run_scoped3A = tpu.sem_alloc : memref<!tpu.dma_semaphore, #tpu.memory_space<semaphore_mem>>
        %dma_start3A_116 = arith.constant 0 : i32
        %dma_start3A_117 = tpu.memref_slice %arg8[%add3A_3, %mul3A_0, %dma_start3A_116] : memref<4x10000x64xf32, #tpu.memory_space<hbm>> -> memref<1x640x64xf32, #tpu.memory_space<hbm>>
        %dma_start3A_118 = tpu.memref_squeeze %dma_start3A_117 : memref<1x640x64xf32, #tpu.memory_space<hbm>> -> memref<640x64xf32, #tpu.memory_space<hbm>>
        %dma_start3A_119 = arith.constant 0 : i32
        %dma_start3A_120 = tpu.memref_slice %arg12[%mul3A_0, %dma_start3A_119] : memref<10008x64xf32, #tpu.memory_space<vmem_shared>> -> memref<640x64xf32, #tpu.memory_space<vmem_shared>>
        tpu.enqueue_dma source(%dma_start3A_120 : memref<640x64xf32, #tpu.memory_space<vmem_shared>>) target(%dma_start3A_118 : memref<640x64xf32, #tpu.memory_space<hbm>>) target_semaphore(%run_scoped3A : memref<!tpu.dma_semaphore, #tpu.memory_space<semaphore_mem>>)
        %dma_wait3A_121 = arith.constant 0 : i32
        %dma_wait3A_122 = tpu.memref_slice %arg8[%add3A_3, %mul3A_0, %dma_wait3A_121] : memref<4x10000x64xf32, #tpu.memory_space<hbm>> -> memref<1x640x64xf32, #tpu.memory_space<hbm>>
        %dma_wait3A_123 = tpu.memref_squeeze %dma_wait3A_122 : memref<1x640x64xf32, #tpu.memory_space<hbm>> -> memref<640x64xf32, #tpu.memory_space<hbm>>
        %dma_wait3A_124 = arith.constant 0 : i32
        %dma_wait3A_125 = tpu.memref_slice %arg12[%mul3A_0, %dma_wait3A_124] : memref<10008x64xf32, #tpu.memory_space<vmem_shared>> -> memref<640x64xf32, #tpu.memory_space<vmem_shared>>
        tpu.wait_dma2 semaphore(%run_scoped3A : memref<!tpu.dma_semaphore, #tpu.memory_space<semaphore_mem>>) src(%dma_wait3A_125 : memref<640x64xf32, #tpu.memory_space<vmem_shared>>) dst(%dma_wait3A_123 : memref<640x64xf32, #tpu.memory_space<hbm>>)
        tpu.yield
      }) : () -> ()
    } else {
    }
    %eq3A_49 = arith.constant 15 : i32
    %eq3A_50 = arith.cmpi eq, %arg1, %eq3A_49 : i32
    %convert_element_type3A_51 = arith.extui %eq3A_50 : i1 to i32
    %cond3A_52 = arith.constant 0 : i32
    %cond3A_53 = arith.cmpi ne, %convert_element_type3A_51, %cond3A_52 : i32
    scf.if %cond3A_53 {
      "tpu.region"() ({
        %run_scoped3A = tpu.sem_alloc : memref<!tpu.dma_semaphore, #tpu.memory_space<semaphore_mem>>
        %dma_start3A_116 = arith.constant 9600 : i32
        %dma_start3A_117 = arith.constant 0 : i32
        %dma_start3A_118 = tpu.memref_slice %arg8[%add3A_3, %dma_start3A_116, %dma_start3A_117] : memref<4x10000x64xf32, #tpu.memory_space<hbm>> -> memref<1x400x64xf32, #tpu.memory_space<hbm>>
        %dma_start3A_119 = tpu.memref_squeeze %dma_start3A_118 : memref<1x400x64xf32, #tpu.memory_space<hbm>> -> memref<400x64xf32, #tpu.memory_space<hbm>>
        %dma_start3A_120 = arith.constant 9600 : i32
        %dma_start3A_121 = arith.constant 0 : i32
        %dma_start3A_122 = tpu.memref_slice %arg12[%dma_start3A_120, %dma_start3A_121] : memref<10008x64xf32, #tpu.memory_space<vmem_shared>> -> memref<400x64xf32, #tpu.memory_space<vmem_shared>>
        tpu.enqueue_dma source(%dma_start3A_122 : memref<400x64xf32, #tpu.memory_space<vmem_shared>>) target(%dma_start3A_119 : memref<400x64xf32, #tpu.memory_space<hbm>>) target_semaphore(%run_scoped3A : memref<!tpu.dma_semaphore, #tpu.memory_space<semaphore_mem>>)
        %dma_wait3A_123 = arith.constant 9600 : i32
        %dma_wait3A_124 = arith.constant 0 : i32
        %dma_wait3A_125 = tpu.memref_slice %arg8[%add3A_3, %dma_wait3A_123, %dma_wait3A_124] : memref<4x10000x64xf32, #tpu.memory_space<hbm>> -> memref<1x400x64xf32, #tpu.memory_space<hbm>>
        %dma_wait3A_126 = tpu.memref_squeeze %dma_wait3A_125 : memref<1x400x64xf32, #tpu.memory_space<hbm>> -> memref<400x64xf32, #tpu.memory_space<hbm>>
        %dma_wait3A_127 = arith.constant 9600 : i32
        %dma_wait3A_128 = arith.constant 0 : i32
        %dma_wait3A_129 = tpu.memref_slice %arg12[%dma_wait3A_127, %dma_wait3A_128] : memref<10008x64xf32, #tpu.memory_space<vmem_shared>> -> memref<400x64xf32, #tpu.memory_space<vmem_shared>>
        tpu.wait_dma2 semaphore(%run_scoped3A : memref<!tpu.dma_semaphore, #tpu.memory_space<semaphore_mem>>) src(%dma_wait3A_129 : memref<400x64xf32, #tpu.memory_space<vmem_shared>>) dst(%dma_wait3A_126 : memref<400x64xf32, #tpu.memory_space<hbm>>)
        tpu.yield
      }) : () -> ()
    } else {
    }
    %mul3A_54 = arith.constant 2 : i32
    %mul3A_55 = arith.muli %mul3A_54, %arg0 : i32
    %add3A_56 = arith.constant 1 : i32
    %add3A_57 = arith.addi %mul3A_55, %add3A_56 : i32
    %lt3A_58 = arith.constant 15 : i32
    %lt3A_59 = arith.cmpi slt, %arg1, %lt3A_58 : i32
    %convert_element_type3A_60 = arith.extui %lt3A_59 : i1 to i32
    %cond3A_61 = arith.constant 0 : i32
    %cond3A_62 = arith.cmpi ne, %convert_element_type3A_60, %cond3A_61 : i32
    scf.if %cond3A_62 {
      "tpu.region"() ({
        %run_scoped3A = tpu.sem_alloc : memref<!tpu.dma_semaphore, #tpu.memory_space<semaphore_mem>>
        %dma_start3A_116 = arith.constant 0 : i32
        %dma_start3A_117 = tpu.memref_slice %arg12[%mul3A_0, %dma_start3A_116] : memref<10008x64xf32, #tpu.memory_space<vmem_shared>> -> memref<640x64xf32, #tpu.memory_space<vmem_shared>>
        tpu.enqueue_dma source(%arg5 : memref<640x64xf32, #tpu.memory_space<hbm>>) target(%dma_start3A_117 : memref<640x64xf32, #tpu.memory_space<vmem_shared>>) target_semaphore(%run_scoped3A : memref<!tpu.dma_semaphore, #tpu.memory_space<semaphore_mem>>)
        %dma_wait3A_118 = arith.constant 0 : i32
        %dma_wait3A_119 = tpu.memref_slice %arg12[%mul3A_0, %dma_wait3A_118] : memref<10008x64xf32, #tpu.memory_space<vmem_shared>> -> memref<640x64xf32, #tpu.memory_space<vmem_shared>>
        tpu.wait_dma2 semaphore(%run_scoped3A : memref<!tpu.dma_semaphore, #tpu.memory_space<semaphore_mem>>) src(%arg5 : memref<640x64xf32, #tpu.memory_space<hbm>>) dst(%dma_wait3A_119 : memref<640x64xf32, #tpu.memory_space<vmem_shared>>)
        tpu.yield
      }) : () -> ()
    } else {
    }
    %eq3A_63 = arith.constant 15 : i32
    %eq3A_64 = arith.cmpi eq, %arg1, %eq3A_63 : i32
    %convert_element_type3A_65 = arith.extui %eq3A_64 : i1 to i32
    %cond3A_66 = arith.constant 0 : i32
    %cond3A_67 = arith.cmpi ne, %convert_element_type3A_65, %cond3A_66 : i32
    scf.if %cond3A_67 {
      "tpu.region"() ({
        %run_scoped3A = tpu.sem_alloc : memref<!tpu.dma_semaphore, #tpu.memory_space<semaphore_mem>>
        %dma_start3A_116 = arith.constant 9600 : i32
        %dma_start3A_117 = arith.constant 0 : i32
        %dma_start3A_118 = tpu.memref_slice %arg12[%dma_start3A_116, %dma_start3A_117] : memref<10008x64xf32, #tpu.memory_space<vmem_shared>> -> memref<400x64xf32, #tpu.memory_space<vmem_shared>>
        %dma_start3A_119 = arith.constant 0 : i32
        %dma_start3A_120 = arith.constant 0 : i32
        %dma_start3A_121 = tpu.memref_slice %arg5[%dma_start3A_119, %dma_start3A_120] : memref<640x64xf32, #tpu.memory_space<hbm>> -> memref<400x64xf32, #tpu.memory_space<hbm>>
        tpu.enqueue_dma source(%dma_start3A_121 : memref<400x64xf32, #tpu.memory_space<hbm>>) target(%dma_start3A_118 : memref<400x64xf32, #tpu.memory_space<vmem_shared>>) target_semaphore(%run_scoped3A : memref<!tpu.dma_semaphore, #tpu.memory_space<semaphore_mem>>)
        %dma_wait3A_122 = arith.constant 9600 : i32
        %dma_wait3A_123 = arith.constant 0 : i32
        %dma_wait3A_124 = tpu.memref_slice %arg12[%dma_wait3A_122, %dma_wait3A_123] : memref<10008x64xf32, #tpu.memory_space<vmem_shared>> -> memref<400x64xf32, #tpu.memory_space<vmem_shared>>
        %dma_wait3A_125 = arith.constant 0 : i32
        %dma_wait3A_126 = arith.constant 0 : i32
        %dma_wait3A_127 = tpu.memref_slice %arg5[%dma_wait3A_125, %dma_wait3A_126] : memref<640x64xf32, #tpu.memory_space<hbm>> -> memref<400x64xf32, #tpu.memory_space<hbm>>
        tpu.wait_dma2 semaphore(%run_scoped3A : memref<!tpu.dma_semaphore, #tpu.memory_space<semaphore_mem>>) src(%dma_wait3A_127 : memref<400x64xf32, #tpu.memory_space<hbm>>) dst(%dma_wait3A_124 : memref<400x64xf32, #tpu.memory_space<vmem_shared>>)
        tpu.yield
      }) : () -> ()
    } else {
    }
    "tpu.region"() ({
      %run_scoped3A = tpu.sem_alloc : memref<!tpu.dma_semaphore, #tpu.memory_space<semaphore_mem>>
      %dma_start3A_116 = arith.constant 0 : i32
      %dma_start3A_117 = arith.constant 0 : i32
      %dma_start3A_118 = tpu.memref_slice %arg3[%add3A_57, %arg1, %dma_start3A_116, %dma_start3A_117] : memref<4x16x80x256xi32, #tpu.memory_space<hbm>> -> memref<1x1x80x256xi32, #tpu.memory_space<hbm>>
      %dma_start3A_119 = tpu.memref_squeeze %dma_start3A_118 : memref<1x1x80x256xi32, #tpu.memory_space<hbm>> -> memref<80x256xi32, #tpu.memory_space<hbm>>
      %dma_start3A_120 = arith.constant 0 : i32
      %dma_start3A_121 = arith.constant 0 : i32
      %dma_start3A_122 = tpu.memref_slice %arg3[%add3A_57, %arg1, %dma_start3A_120, %dma_start3A_121] : memref<4x16x80x256xi32, #tpu.memory_space<hbm>> -> memref<1x1x80x256xi32, #tpu.memory_space<hbm>>
      %dma_start3A_123 = tpu.memref_squeeze %dma_start3A_122 : memref<1x1x80x256xi32, #tpu.memory_space<hbm>> -> memref<80x256xi32, #tpu.memory_space<hbm>>
      tpu.enqueue_dma source(%dma_start3A_123 : memref<80x256xi32, #tpu.memory_space<hbm>>) target(%arg9 : memref<80x256xi32, #tpu.memory_space<vmem>>) target_semaphore(%run_scoped3A : memref<!tpu.dma_semaphore, #tpu.memory_space<semaphore_mem>>)
      %dma_wait3A_124 = arith.constant 0 : i32
      %dma_wait3A_125 = arith.constant 0 : i32
      %dma_wait3A_126 = tpu.memref_slice %arg3[%add3A_57, %arg1, %dma_wait3A_124, %dma_wait3A_125] : memref<4x16x80x256xi32, #tpu.memory_space<hbm>> -> memref<1x1x80x256xi32, #tpu.memory_space<hbm>>
      %dma_wait3A_127 = tpu.memref_squeeze %dma_wait3A_126 : memref<1x1x80x256xi32, #tpu.memory_space<hbm>> -> memref<80x256xi32, #tpu.memory_space<hbm>>
      %dma_wait3A_128 = arith.constant 0 : i32
      %dma_wait3A_129 = arith.constant 0 : i32
      %dma_wait3A_130 = tpu.memref_slice %arg3[%add3A_57, %arg1, %dma_wait3A_128, %dma_wait3A_129] : memref<4x16x80x256xi32, #tpu.memory_space<hbm>> -> memref<1x1x80x256xi32, #tpu.memory_space<hbm>>
      %dma_wait3A_131 = tpu.memref_squeeze %dma_wait3A_130 : memref<1x1x80x256xi32, #tpu.memory_space<hbm>> -> memref<80x256xi32, #tpu.memory_space<hbm>>
      tpu.wait_dma2 semaphore(%run_scoped3A : memref<!tpu.dma_semaphore, #tpu.memory_space<semaphore_mem>>) src(%dma_wait3A_131 : memref<80x256xi32, #tpu.memory_space<hbm>>) dst(%arg9 : memref<80x256xi32, #tpu.memory_space<vmem>>)
      tpu.yield
    }) : () -> ()
    "tpu.region"() ({
      %run_scoped3A = tpu.sem_alloc : memref<!tpu.dma_semaphore, #tpu.memory_space<semaphore_mem>>
      %dma_start3A_116 = arith.constant 0 : i32
      %dma_start3A_117 = arith.constant 0 : i32
      %dma_start3A_118 = tpu.memref_slice %arg4[%add3A_57, %arg1, %dma_start3A_116, %dma_start3A_117] : memref<4x16x80x256xi32, #tpu.memory_space<hbm>> -> memref<1x1x80x256xi32, #tpu.memory_space<hbm>>
      %dma_start3A_119 = tpu.memref_squeeze %dma_start3A_118 : memref<1x1x80x256xi32, #tpu.memory_space<hbm>> -> memref<80x256xi32, #tpu.memory_space<hbm>>
      %dma_start3A_120 = arith.constant 0 : i32
      %dma_start3A_121 = arith.constant 0 : i32
      %dma_start3A_122 = tpu.memref_slice %arg4[%add3A_57, %arg1, %dma_start3A_120, %dma_start3A_121] : memref<4x16x80x256xi32, #tpu.memory_space<hbm>> -> memref<1x1x80x256xi32, #tpu.memory_space<hbm>>
      %dma_start3A_123 = tpu.memref_squeeze %dma_start3A_122 : memref<1x1x80x256xi32, #tpu.memory_space<hbm>> -> memref<80x256xi32, #tpu.memory_space<hbm>>
      tpu.enqueue_dma source(%dma_start3A_123 : memref<80x256xi32, #tpu.memory_space<hbm>>) target(%arg10 : memref<80x256xi32, #tpu.memory_space<vmem>>) target_semaphore(%run_scoped3A : memref<!tpu.dma_semaphore, #tpu.memory_space<semaphore_mem>>)
      %dma_wait3A_124 = arith.constant 0 : i32
      %dma_wait3A_125 = arith.constant 0 : i32
      %dma_wait3A_126 = tpu.memref_slice %arg4[%add3A_57, %arg1, %dma_wait3A_124, %dma_wait3A_125] : memref<4x16x80x256xi32, #tpu.memory_space<hbm>> -> memref<1x1x80x256xi32, #tpu.memory_space<hbm>>
      %dma_wait3A_127 = tpu.memref_squeeze %dma_wait3A_126 : memref<1x1x80x256xi32, #tpu.memory_space<hbm>> -> memref<80x256xi32, #tpu.memory_space<hbm>>
      %dma_wait3A_128 = arith.constant 0 : i32
      %dma_wait3A_129 = arith.constant 0 : i32
      %dma_wait3A_130 = tpu.memref_slice %arg4[%add3A_57, %arg1, %dma_wait3A_128, %dma_wait3A_129] : memref<4x16x80x256xi32, #tpu.memory_space<hbm>> -> memref<1x1x80x256xi32, #tpu.memory_space<hbm>>
      %dma_wait3A_131 = tpu.memref_squeeze %dma_wait3A_130 : memref<1x1x80x256xi32, #tpu.memory_space<hbm>> -> memref<80x256xi32, #tpu.memory_space<hbm>>
      tpu.wait_dma2 semaphore(%run_scoped3A : memref<!tpu.dma_semaphore, #tpu.memory_space<semaphore_mem>>) src(%dma_wait3A_131 : memref<80x256xi32, #tpu.memory_space<hbm>>) dst(%arg10 : memref<80x256xi32, #tpu.memory_space<vmem>>)
      tpu.yield
    }) : () -> ()
    %barrier3A_68 = arith.constant 0 : index
    tpu.barrier barrier_id(%barrier3A_68)
    %dma_start3A_69 = arith.constant 0 : i32
    %dma_start3A_70 = arith.constant 0 : i32
    %dma_start3A_71 = arith.constant 0 : i32
    %dma_start3A_72 = arith.constant 0 : i32
    %dma_start3A_73 = arith.constant 0 : i32
    %dma_start3A_74 = tpu.memref_slice %arg11[%dma_start3A_70, %dma_start3A_72, %dma_start3A_73] : memref<2x256x64xf32, #tpu.memory_space<vmem>> -> memref<1x256x64xf32, #tpu.memory_space<vmem>>
    %dma_start3A_75 = tpu.memref_squeeze %dma_start3A_74 : memref<1x256x64xf32, #tpu.memory_space<vmem>> -> memref<256x64xf32, #tpu.memory_space<vmem>>
    %dma_start3A_76 = arith.constant 0 : i32
    %dma_start3A_77 = tpu.memref_slice %arg9[%dma_start3A_69, %dma_start3A_76] : memref<80x256xi32, #tpu.memory_space<vmem>> -> memref<1x256xi32, #tpu.memory_space<vmem>>
    %dma_start3A_78 = tpu.memref_squeeze %dma_start3A_77 : memref<1x256xi32, #tpu.memory_space<vmem>> -> memref<256xi32, #tpu.memory_space<vmem>>
    %dma_start3A_79 = arith.constant 0 : i32
    %dma_start3A_80 = arith.constant 0 : i32
    %dma_start3A_81 = tpu.memref_slice %arg2[%dma_start3A_79, %dma_start3A_80] : memref<40000x64xf32, #tpu.memory_space<hbm>> -> memref<40000x64xf32, #tpu.memory_space<hbm>>
    %dma_start3A_82 = tpu.memref_slice %arg13[%dma_start3A_71] : memref<2x!tpu.dma_semaphore, #tpu.memory_space<semaphore_mem>> -> memref<1x!tpu.dma_semaphore, #tpu.memory_space<semaphore_mem>>
    %dma_start3A_83 = tpu.memref_squeeze %dma_start3A_82 : memref<1x!tpu.dma_semaphore, #tpu.memory_space<semaphore_mem>> -> memref<!tpu.dma_semaphore, #tpu.memory_space<semaphore_mem>>
    tpu.enqueue_indirect_dma source(%dma_start3A_81 : memref<40000x64xf32, #tpu.memory_space<hbm>>) target(%dma_start3A_75 : memref<256x64xf32, #tpu.memory_space<vmem>>) offsets(%dma_start3A_78 : memref<256xi32, #tpu.memory_space<vmem>>) semaphore(%dma_start3A_83 : memref<!tpu.dma_semaphore, #tpu.memory_space<semaphore_mem>>)
    %scan3A_84 = arith.constant 0 : i32
    %scan3A_85 = arith.constant 0 : i32
    %scan3A_86 = arith.constant 40 : i32
    %scan3A_87 = arith.addi %scan3A_85, %scan3A_86 : i32
    %scan3A_88 = arith.constant 1 : i32
    scf.for %scan3A_116 = %scan3A_85 to %scan3A_87 step %scan3A_88  : i32 {
      %mul3A_117 = arith.constant 2 : i32
      %mul3A_118 = arith.muli %mul3A_117, %scan3A_116 : i32
      %add3A_119 = arith.constant 0 : i32
      %add3A_120 = arith.addi %mul3A_118, %add3A_119 : i32
      %dma_wait3A_121 = arith.constant 0 : i32
      %dma_wait3A_122 = arith.constant 0 : i32
      %dma_wait3A_123 = arith.constant 0 : i32
      %dma_wait3A_124 = arith.constant 0 : i32
      %dma_wait3A_125 = tpu.memref_slice %arg11[%dma_wait3A_121, %dma_wait3A_123, %dma_wait3A_124] : memref<2x256x64xf32, #tpu.memory_space<vmem>> -> memref<1x256x64xf32, #tpu.memory_space<vmem>>
      %dma_wait3A_126 = tpu.memref_squeeze %dma_wait3A_125 : memref<1x256x64xf32, #tpu.memory_space<vmem>> -> memref<256x64xf32, #tpu.memory_space<vmem>>
      %dma_wait3A_127 = arith.constant 0 : i32
      %dma_wait3A_128 = tpu.memref_slice %arg9[%add3A_120, %dma_wait3A_127] : memref<80x256xi32, #tpu.memory_space<vmem>> -> memref<1x256xi32, #tpu.memory_space<vmem>>
      %dma_wait3A_129 = tpu.memref_squeeze %dma_wait3A_128 : memref<1x256xi32, #tpu.memory_space<vmem>> -> memref<256xi32, #tpu.memory_space<vmem>>
      %dma_wait3A_130 = arith.constant 0 : i32
      %dma_wait3A_131 = arith.constant 0 : i32
      %dma_wait3A_132 = tpu.memref_slice %arg2[%dma_wait3A_130, %dma_wait3A_131] : memref<40000x64xf32, #tpu.memory_space<hbm>> -> memref<40000x64xf32, #tpu.memory_space<hbm>>
      %dma_wait3A_133 = tpu.memref_slice %arg13[%dma_wait3A_122] : memref<2x!tpu.dma_semaphore, #tpu.memory_space<semaphore_mem>> -> memref<1x!tpu.dma_semaphore, #tpu.memory_space<semaphore_mem>>
      %dma_wait3A_134 = tpu.memref_squeeze %dma_wait3A_133 : memref<1x!tpu.dma_semaphore, #tpu.memory_space<semaphore_mem>> -> memref<!tpu.dma_semaphore, #tpu.memory_space<semaphore_mem>>
      tpu.wait_indirect_dma semaphore(%dma_wait3A_134 : memref<!tpu.dma_semaphore, #tpu.memory_space<semaphore_mem>>) src(%dma_wait3A_132 : memref<40000x64xf32, #tpu.memory_space<hbm>>) dst(%dma_wait3A_126 : memref<256x64xf32, #tpu.memory_space<vmem>>)
      %dma_start3A_135 = arith.constant 0 : i32
      %dma_start3A_136 = arith.constant 0 : i32
      %dma_start3A_137 = arith.constant 0 : i32
      %dma_start3A_138 = arith.constant 0 : i32
      %dma_start3A_139 = tpu.memref_slice %arg11[%dma_start3A_135, %dma_start3A_137, %dma_start3A_138] : memref<2x256x64xf32, #tpu.memory_space<vmem>> -> memref<1x256x64xf32, #tpu.memory_space<vmem>>
      %dma_start3A_140 = tpu.memref_squeeze %dma_start3A_139 : memref<1x256x64xf32, #tpu.memory_space<vmem>> -> memref<256x64xf32, #tpu.memory_space<vmem>>
      %dma_start3A_141 = arith.constant 0 : i32
      %dma_start3A_142 = tpu.memref_slice %arg10[%add3A_120, %dma_start3A_141] : memref<80x256xi32, #tpu.memory_space<vmem>> -> memref<1x256xi32, #tpu.memory_space<vmem>>
      %dma_start3A_143 = tpu.memref_squeeze %dma_start3A_142 : memref<1x256xi32, #tpu.memory_space<vmem>> -> memref<256xi32, #tpu.memory_space<vmem>>
      %dma_start3A_144 = arith.constant 0 : i32
      %dma_start3A_145 = arith.constant 0 : i32
      %dma_start3A_146 = tpu.memref_slice %arg12[%dma_start3A_144, %dma_start3A_145] : memref<10008x64xf32, #tpu.memory_space<vmem_shared>> -> memref<10008x64xf32, #tpu.memory_space<vmem_shared>>
      %dma_start3A_147 = tpu.memref_slice %arg14[%dma_start3A_136] : memref<2x!tpu.dma_semaphore, #tpu.memory_space<semaphore_mem>> -> memref<1x!tpu.dma_semaphore, #tpu.memory_space<semaphore_mem>>
      %dma_start3A_148 = tpu.memref_squeeze %dma_start3A_147 : memref<1x!tpu.dma_semaphore, #tpu.memory_space<semaphore_mem>> -> memref<!tpu.dma_semaphore, #tpu.memory_space<semaphore_mem>>
      tpu.enqueue_indirect_dma source(%dma_start3A_140 : memref<256x64xf32, #tpu.memory_space<vmem>>) target(%dma_start3A_146 : memref<10008x64xf32, #tpu.memory_space<vmem_shared>>) offsets(%dma_start3A_143 : memref<256xi32, #tpu.memory_space<vmem>>) semaphore(%dma_start3A_148 : memref<!tpu.dma_semaphore, #tpu.memory_space<semaphore_mem>>) {add = true}
      %ge3A = arith.constant 1 : i32
      %ge3A_149 = arith.cmpi sge, %add3A_120, %ge3A : i32
      %convert_element_type3A_150 = arith.extui %ge3A_149 : i1 to i32
      %cond3A_151 = arith.constant 0 : i32
      %cond3A_152 = arith.cmpi ne, %convert_element_type3A_150, %cond3A_151 : i32
      scf.if %cond3A_152 {
        %sub3A = arith.constant 1 : i32
        %sub3A_202 = arith.subi %add3A_120, %sub3A : i32
        %dma_wait3A_203 = arith.constant 1 : i32
        %dma_wait3A_204 = arith.constant 1 : i32
        %dma_wait3A_205 = arith.constant 0 : i32
        %dma_wait3A_206 = arith.constant 0 : i32
        %dma_wait3A_207 = tpu.memref_slice %arg11[%dma_wait3A_203, %dma_wait3A_205, %dma_wait3A_206] : memref<2x256x64xf32, #tpu.memory_space<vmem>> -> memref<1x256x64xf32, #tpu.memory_space<vmem>>
        %dma_wait3A_208 = tpu.memref_squeeze %dma_wait3A_207 : memref<1x256x64xf32, #tpu.memory_space<vmem>> -> memref<256x64xf32, #tpu.memory_space<vmem>>
        %dma_wait3A_209 = arith.constant 0 : i32
        %dma_wait3A_210 = tpu.memref_slice %arg10[%sub3A_202, %dma_wait3A_209] : memref<80x256xi32, #tpu.memory_space<vmem>> -> memref<1x256xi32, #tpu.memory_space<vmem>>
        %dma_wait3A_211 = tpu.memref_squeeze %dma_wait3A_210 : memref<1x256xi32, #tpu.memory_space<vmem>> -> memref<256xi32, #tpu.memory_space<vmem>>
        %dma_wait3A_212 = arith.constant 0 : i32
        %dma_wait3A_213 = arith.constant 0 : i32
        %dma_wait3A_214 = tpu.memref_slice %arg12[%dma_wait3A_212, %dma_wait3A_213] : memref<10008x64xf32, #tpu.memory_space<vmem_shared>> -> memref<10008x64xf32, #tpu.memory_space<vmem_shared>>
        %dma_wait3A_215 = tpu.memref_slice %arg14[%dma_wait3A_204] : memref<2x!tpu.dma_semaphore, #tpu.memory_space<semaphore_mem>> -> memref<1x!tpu.dma_semaphore, #tpu.memory_space<semaphore_mem>>
        %dma_wait3A_216 = tpu.memref_squeeze %dma_wait3A_215 : memref<1x!tpu.dma_semaphore, #tpu.memory_space<semaphore_mem>> -> memref<!tpu.dma_semaphore, #tpu.memory_space<semaphore_mem>>
        tpu.wait_indirect_dma semaphore(%dma_wait3A_216 : memref<!tpu.dma_semaphore, #tpu.memory_space<semaphore_mem>>) src(%dma_wait3A_208 : memref<256x64xf32, #tpu.memory_space<vmem>>) dst(%dma_wait3A_214 : memref<10008x64xf32, #tpu.memory_space<vmem_shared>>)
      } else {
      }
      %add3A_153 = arith.constant 1 : i32
      %add3A_154 = arith.addi %add3A_120, %add3A_153 : i32
      %lt3A_155 = arith.constant 80 : i32
      %lt3A_156 = arith.cmpi slt, %add3A_154, %lt3A_155 : i32
      %convert_element_type3A_157 = arith.extui %lt3A_156 : i1 to i32
      %cond3A_158 = arith.constant 0 : i32
      %cond3A_159 = arith.cmpi ne, %convert_element_type3A_157, %cond3A_158 : i32
      scf.if %cond3A_159 {
        %add3A_202 = arith.constant 1 : i32
        %add3A_203 = arith.addi %add3A_120, %add3A_202 : i32
        %dma_start3A_204 = arith.constant 1 : i32
        %dma_start3A_205 = arith.constant 1 : i32
        %dma_start3A_206 = arith.constant 0 : i32
        %dma_start3A_207 = arith.constant 0 : i32
        %dma_start3A_208 = tpu.memref_slice %arg11[%dma_start3A_204, %dma_start3A_206, %dma_start3A_207] : memref<2x256x64xf32, #tpu.memory_space<vmem>> -> memref<1x256x64xf32, #tpu.memory_space<vmem>>
        %dma_start3A_209 = tpu.memref_squeeze %dma_start3A_208 : memref<1x256x64xf32, #tpu.memory_space<vmem>> -> memref<256x64xf32, #tpu.memory_space<vmem>>
        %dma_start3A_210 = arith.constant 0 : i32
        %dma_start3A_211 = tpu.memref_slice %arg9[%add3A_203, %dma_start3A_210] : memref<80x256xi32, #tpu.memory_space<vmem>> -> memref<1x256xi32, #tpu.memory_space<vmem>>
        %dma_start3A_212 = tpu.memref_squeeze %dma_start3A_211 : memref<1x256xi32, #tpu.memory_space<vmem>> -> memref<256xi32, #tpu.memory_space<vmem>>
        %dma_start3A_213 = arith.constant 0 : i32
        %dma_start3A_214 = arith.constant 0 : i32
        %dma_start3A_215 = tpu.memref_slice %arg2[%dma_start3A_213, %dma_start3A_214] : memref<40000x64xf32, #tpu.memory_space<hbm>> -> memref<40000x64xf32, #tpu.memory_space<hbm>>
        %dma_start3A_216 = tpu.memref_slice %arg13[%dma_start3A_205] : memref<2x!tpu.dma_semaphore, #tpu.memory_space<semaphore_mem>> -> memref<1x!tpu.dma_semaphore, #tpu.memory_space<semaphore_mem>>
        %dma_start3A_217 = tpu.memref_squeeze %dma_start3A_216 : memref<1x!tpu.dma_semaphore, #tpu.memory_space<semaphore_mem>> -> memref<!tpu.dma_semaphore, #tpu.memory_space<semaphore_mem>>
        tpu.enqueue_indirect_dma source(%dma_start3A_215 : memref<40000x64xf32, #tpu.memory_space<hbm>>) target(%dma_start3A_209 : memref<256x64xf32, #tpu.memory_space<vmem>>) offsets(%dma_start3A_212 : memref<256xi32, #tpu.memory_space<vmem>>) semaphore(%dma_start3A_217 : memref<!tpu.dma_semaphore, #tpu.memory_space<semaphore_mem>>)
      } else {
      }
      %add3A_160 = arith.constant 1 : i32
      %add3A_161 = arith.addi %mul3A_118, %add3A_160 : i32
      %dma_wait3A_162 = arith.constant 1 : i32
      %dma_wait3A_163 = arith.constant 1 : i32
      %dma_wait3A_164 = arith.constant 0 : i32
      %dma_wait3A_165 = arith.constant 0 : i32
      %dma_wait3A_166 = tpu.memref_slice %arg11[%dma_wait3A_162, %dma_wait3A_164, %dma_wait3A_165] : memref<2x256x64xf32, #tpu.memory_space<vmem>> -> memref<1x256x64xf32, #tpu.memory_space<vmem>>
      %dma_wait3A_167 = tpu.memref_squeeze %dma_wait3A_166 : memref<1x256x64xf32, #tpu.memory_space<vmem>> -> memref<256x64xf32, #tpu.memory_space<vmem>>
      %dma_wait3A_168 = arith.constant 0 : i32
      %dma_wait3A_169 = tpu.memref_slice %arg9[%add3A_161, %dma_wait3A_168] : memref<80x256xi32, #tpu.memory_space<vmem>> -> memref<1x256xi32, #tpu.memory_space<vmem>>
      %dma_wait3A_170 = tpu.memref_squeeze %dma_wait3A_169 : memref<1x256xi32, #tpu.memory_space<vmem>> -> memref<256xi32, #tpu.memory_space<vmem>>
      %dma_wait3A_171 = arith.constant 0 : i32
      %dma_wait3A_172 = arith.constant 0 : i32
      %dma_wait3A_173 = tpu.memref_slice %arg2[%dma_wait3A_171, %dma_wait3A_172] : memref<40000x64xf32, #tpu.memory_space<hbm>> -> memref<40000x64xf32, #tpu.memory_space<hbm>>
      %dma_wait3A_174 = tpu.memref_slice %arg13[%dma_wait3A_163] : memref<2x!tpu.dma_semaphore, #tpu.memory_space<semaphore_mem>> -> memref<1x!tpu.dma_semaphore, #tpu.memory_space<semaphore_mem>>
      %dma_wait3A_175 = tpu.memref_squeeze %dma_wait3A_174 : memref<1x!tpu.dma_semaphore, #tpu.memory_space<semaphore_mem>> -> memref<!tpu.dma_semaphore, #tpu.memory_space<semaphore_mem>>
      tpu.wait_indirect_dma semaphore(%dma_wait3A_175 : memref<!tpu.dma_semaphore, #tpu.memory_space<semaphore_mem>>) src(%dma_wait3A_173 : memref<40000x64xf32, #tpu.memory_space<hbm>>) dst(%dma_wait3A_167 : memref<256x64xf32, #tpu.memory_space<vmem>>)
      %dma_start3A_176 = arith.constant 1 : i32
      %dma_start3A_177 = arith.constant 1 : i32
      %dma_start3A_178 = arith.constant 0 : i32
      %dma_start3A_179 = arith.constant 0 : i32
      %dma_start3A_180 = tpu.memref_slice %arg11[%dma_start3A_176, %dma_start3A_178, %dma_start3A_179] : memref<2x256x64xf32, #tpu.memory_space<vmem>> -> memref<1x256x64xf32, #tpu.memory_space<vmem>>
      %dma_start3A_181 = tpu.memref_squeeze %dma_start3A_180 : memref<1x256x64xf32, #tpu.memory_space<vmem>> -> memref<256x64xf32, #tpu.memory_space<vmem>>
      %dma_start3A_182 = arith.constant 0 : i32
      %dma_start3A_183 = tpu.memref_slice %arg10[%add3A_161, %dma_start3A_182] : memref<80x256xi32, #tpu.memory_space<vmem>> -> memref<1x256xi32, #tpu.memory_space<vmem>>
      %dma_start3A_184 = tpu.memref_squeeze %dma_start3A_183 : memref<1x256xi32, #tpu.memory_space<vmem>> -> memref<256xi32, #tpu.memory_space<vmem>>
      %dma_start3A_185 = arith.constant 0 : i32
      %dma_start3A_186 = arith.constant 0 : i32
      %dma_start3A_187 = tpu.memref_slice %arg12[%dma_start3A_185, %dma_start3A_186] : memref<10008x64xf32, #tpu.memory_space<vmem_shared>> -> memref<10008x64xf32, #tpu.memory_space<vmem_shared>>
      %dma_start3A_188 = tpu.memref_slice %arg14[%dma_start3A_177] : memref<2x!tpu.dma_semaphore, #tpu.memory_space<semaphore_mem>> -> memref<1x!tpu.dma_semaphore, #tpu.memory_space<semaphore_mem>>
      %dma_start3A_189 = tpu.memref_squeeze %dma_start3A_188 : memref<1x!tpu.dma_semaphore, #tpu.memory_space<semaphore_mem>> -> memref<!tpu.dma_semaphore, #tpu.memory_space<semaphore_mem>>
      tpu.enqueue_indirect_dma source(%dma_start3A_181 : memref<256x64xf32, #tpu.memory_space<vmem>>) target(%dma_start3A_187 : memref<10008x64xf32, #tpu.memory_space<vmem_shared>>) offsets(%dma_start3A_184 : memref<256xi32, #tpu.memory_space<vmem>>) semaphore(%dma_start3A_189 : memref<!tpu.dma_semaphore, #tpu.memory_space<semaphore_mem>>) {add = true}
      %ge3A_190 = arith.constant 1 : i32
      %ge3A_191 = arith.cmpi sge, %add3A_161, %ge3A_190 : i32
      %convert_element_type3A_192 = arith.extui %ge3A_191 : i1 to i32
      %cond3A_193 = arith.constant 0 : i32
      %cond3A_194 = arith.cmpi ne, %convert_element_type3A_192, %cond3A_193 : i32
      scf.if %cond3A_194 {
        %sub3A = arith.constant 1 : i32
        %sub3A_202 = arith.subi %add3A_161, %sub3A : i32
        %dma_wait3A_203 = arith.constant 0 : i32
        %dma_wait3A_204 = arith.constant 0 : i32
        %dma_wait3A_205 = arith.constant 0 : i32
        %dma_wait3A_206 = arith.constant 0 : i32
        %dma_wait3A_207 = tpu.memref_slice %arg11[%dma_wait3A_203, %dma_wait3A_205, %dma_wait3A_206] : memref<2x256x64xf32, #tpu.memory_space<vmem>> -> memref<1x256x64xf32, #tpu.memory_space<vmem>>
        %dma_wait3A_208 = tpu.memref_squeeze %dma_wait3A_207 : memref<1x256x64xf32, #tpu.memory_space<vmem>> -> memref<256x64xf32, #tpu.memory_space<vmem>>
        %dma_wait3A_209 = arith.constant 0 : i32
        %dma_wait3A_210 = tpu.memref_slice %arg10[%sub3A_202, %dma_wait3A_209] : memref<80x256xi32, #tpu.memory_space<vmem>> -> memref<1x256xi32, #tpu.memory_space<vmem>>
        %dma_wait3A_211 = tpu.memref_squeeze %dma_wait3A_210 : memref<1x256xi32, #tpu.memory_space<vmem>> -> memref<256xi32, #tpu.memory_space<vmem>>
        %dma_wait3A_212 = arith.constant 0 : i32
        %dma_wait3A_213 = arith.constant 0 : i32
        %dma_wait3A_214 = tpu.memref_slice %arg12[%dma_wait3A_212, %dma_wait3A_213] : memref<10008x64xf32, #tpu.memory_space<vmem_shared>> -> memref<10008x64xf32, #tpu.memory_space<vmem_shared>>
        %dma_wait3A_215 = tpu.memref_slice %arg14[%dma_wait3A_204] : memref<2x!tpu.dma_semaphore, #tpu.memory_space<semaphore_mem>> -> memref<1x!tpu.dma_semaphore, #tpu.memory_space<semaphore_mem>>
        %dma_wait3A_216 = tpu.memref_squeeze %dma_wait3A_215 : memref<1x!tpu.dma_semaphore, #tpu.memory_space<semaphore_mem>> -> memref<!tpu.dma_semaphore, #tpu.memory_space<semaphore_mem>>
        tpu.wait_indirect_dma semaphore(%dma_wait3A_216 : memref<!tpu.dma_semaphore, #tpu.memory_space<semaphore_mem>>) src(%dma_wait3A_208 : memref<256x64xf32, #tpu.memory_space<vmem>>) dst(%dma_wait3A_214 : memref<10008x64xf32, #tpu.memory_space<vmem_shared>>)
      } else {
      }
      %add3A_195 = arith.constant 1 : i32
      %add3A_196 = arith.addi %add3A_161, %add3A_195 : i32
      %lt3A_197 = arith.constant 80 : i32
      %lt3A_198 = arith.cmpi slt, %add3A_196, %lt3A_197 : i32
      %convert_element_type3A_199 = arith.extui %lt3A_198 : i1 to i32
      %cond3A_200 = arith.constant 0 : i32
      %cond3A_201 = arith.cmpi ne, %convert_element_type3A_199, %cond3A_200 : i32
      scf.if %cond3A_201 {
        %add3A_202 = arith.constant 1 : i32
        %add3A_203 = arith.addi %add3A_161, %add3A_202 : i32
        %dma_start3A_204 = arith.constant 0 : i32
        %dma_start3A_205 = arith.constant 0 : i32
        %dma_start3A_206 = arith.constant 0 : i32
        %dma_start3A_207 = arith.constant 0 : i32
        %dma_start3A_208 = tpu.memref_slice %arg11[%dma_start3A_204, %dma_start3A_206, %dma_start3A_207] : memref<2x256x64xf32, #tpu.memory_space<vmem>> -> memref<1x256x64xf32, #tpu.memory_space<vmem>>
        %dma_start3A_209 = tpu.memref_squeeze %dma_start3A_208 : memref<1x256x64xf32, #tpu.memory_space<vmem>> -> memref<256x64xf32, #tpu.memory_space<vmem>>
        %dma_start3A_210 = arith.constant 0 : i32
        %dma_start3A_211 = tpu.memref_slice %arg9[%add3A_203, %dma_start3A_210] : memref<80x256xi32, #tpu.memory_space<vmem>> -> memref<1x256xi32, #tpu.memory_space<vmem>>
        %dma_start3A_212 = tpu.memref_squeeze %dma_start3A_211 : memref<1x256xi32, #tpu.memory_space<vmem>> -> memref<256xi32, #tpu.memory_space<vmem>>
        %dma_start3A_213 = arith.constant 0 : i32
        %dma_start3A_214 = arith.constant 0 : i32
        %dma_start3A_215 = tpu.memref_slice %arg2[%dma_start3A_213, %dma_start3A_214] : memref<40000x64xf32, #tpu.memory_space<hbm>> -> memref<40000x64xf32, #tpu.memory_space<hbm>>
        %dma_start3A_216 = tpu.memref_slice %arg13[%dma_start3A_205] : memref<2x!tpu.dma_semaphore, #tpu.memory_space<semaphore_mem>> -> memref<1x!tpu.dma_semaphore, #tpu.memory_space<semaphore_mem>>
        %dma_start3A_217 = tpu.memref_squeeze %dma_start3A_216 : memref<1x!tpu.dma_semaphore, #tpu.memory_space<semaphore_mem>> -> memref<!tpu.dma_semaphore, #tpu.memory_space<semaphore_mem>>
        tpu.enqueue_indirect_dma source(%dma_start3A_215 : memref<40000x64xf32, #tpu.memory_space<hbm>>) target(%dma_start3A_209 : memref<256x64xf32, #tpu.memory_space<vmem>>) offsets(%dma_start3A_212 : memref<256xi32, #tpu.memory_space<vmem>>) semaphore(%dma_start3A_217 : memref<!tpu.dma_semaphore, #tpu.memory_space<semaphore_mem>>)
      } else {
      }
    }
    %scan3A_89 = arith.constant 40 : i32
    %dma_wait3A_90 = arith.constant 1 : i32
    %dma_wait3A_91 = arith.constant 79 : i32
    %dma_wait3A_92 = arith.constant 1 : i32
    %dma_wait3A_93 = arith.constant 0 : i32
    %dma_wait3A_94 = arith.constant 0 : i32
    %dma_wait3A_95 = tpu.memref_slice %arg11[%dma_wait3A_90, %dma_wait3A_93, %dma_wait3A_94] : memref<2x256x64xf32, #tpu.memory_space<vmem>> -> memref<1x256x64xf32, #tpu.memory_space<vmem>>
    %dma_wait3A_96 = tpu.memref_squeeze %dma_wait3A_95 : memref<1x256x64xf32, #tpu.memory_space<vmem>> -> memref<256x64xf32, #tpu.memory_space<vmem>>
    %dma_wait3A_97 = arith.constant 0 : i32
    %dma_wait3A_98 = tpu.memref_slice %arg10[%dma_wait3A_91, %dma_wait3A_97] : memref<80x256xi32, #tpu.memory_space<vmem>> -> memref<1x256xi32, #tpu.memory_space<vmem>>
    %dma_wait3A_99 = tpu.memref_squeeze %dma_wait3A_98 : memref<1x256xi32, #tpu.memory_space<vmem>> -> memref<256xi32, #tpu.memory_space<vmem>>
    %dma_wait3A_100 = arith.constant 0 : i32
    %dma_wait3A_101 = arith.constant 0 : i32
    %dma_wait3A_102 = tpu.memref_slice %arg12[%dma_wait3A_100, %dma_wait3A_101] : memref<10008x64xf32, #tpu.memory_space<vmem_shared>> -> memref<10008x64xf32, #tpu.memory_space<vmem_shared>>
    %dma_wait3A_103 = tpu.memref_slice %arg14[%dma_wait3A_92] : memref<2x!tpu.dma_semaphore, #tpu.memory_space<semaphore_mem>> -> memref<1x!tpu.dma_semaphore, #tpu.memory_space<semaphore_mem>>
    %dma_wait3A_104 = tpu.memref_squeeze %dma_wait3A_103 : memref<1x!tpu.dma_semaphore, #tpu.memory_space<semaphore_mem>> -> memref<!tpu.dma_semaphore, #tpu.memory_space<semaphore_mem>>
    tpu.wait_indirect_dma semaphore(%dma_wait3A_104 : memref<!tpu.dma_semaphore, #tpu.memory_space<semaphore_mem>>) src(%dma_wait3A_96 : memref<256x64xf32, #tpu.memory_space<vmem>>) dst(%dma_wait3A_102 : memref<10008x64xf32, #tpu.memory_space<vmem_shared>>)
    %barrier3A_105 = arith.constant 0 : index
    tpu.barrier barrier_id(%barrier3A_105)
    %lt3A_106 = arith.constant 15 : i32
    %lt3A_107 = arith.cmpi slt, %arg1, %lt3A_106 : i32
    %convert_element_type3A_108 = arith.extui %lt3A_107 : i1 to i32
    %cond3A_109 = arith.constant 0 : i32
    %cond3A_110 = arith.cmpi ne, %convert_element_type3A_108, %cond3A_109 : i32
    scf.if %cond3A_110 {
      "tpu.region"() ({
        %run_scoped3A = tpu.sem_alloc : memref<!tpu.dma_semaphore, #tpu.memory_space<semaphore_mem>>
        %dma_start3A_116 = arith.constant 0 : i32
        %dma_start3A_117 = tpu.memref_slice %arg8[%add3A_57, %mul3A_0, %dma_start3A_116] : memref<4x10000x64xf32, #tpu.memory_space<hbm>> -> memref<1x640x64xf32, #tpu.memory_space<hbm>>
        %dma_start3A_118 = tpu.memref_squeeze %dma_start3A_117 : memref<1x640x64xf32, #tpu.memory_space<hbm>> -> memref<640x64xf32, #tpu.memory_space<hbm>>
        %dma_start3A_119 = arith.constant 0 : i32
        %dma_start3A_120 = tpu.memref_slice %arg12[%mul3A_0, %dma_start3A_119] : memref<10008x64xf32, #tpu.memory_space<vmem_shared>> -> memref<640x64xf32, #tpu.memory_space<vmem_shared>>
        tpu.enqueue_dma source(%dma_start3A_120 : memref<640x64xf32, #tpu.memory_space<vmem_shared>>) target(%dma_start3A_118 : memref<640x64xf32, #tpu.memory_space<hbm>>) target_semaphore(%run_scoped3A : memref<!tpu.dma_semaphore, #tpu.memory_space<semaphore_mem>>)
        %dma_wait3A_121 = arith.constant 0 : i32
        %dma_wait3A_122 = tpu.memref_slice %arg8[%add3A_57, %mul3A_0, %dma_wait3A_121] : memref<4x10000x64xf32, #tpu.memory_space<hbm>> -> memref<1x640x64xf32, #tpu.memory_space<hbm>>
        %dma_wait3A_123 = tpu.memref_squeeze %dma_wait3A_122 : memref<1x640x64xf32, #tpu.memory_space<hbm>> -> memref<640x64xf32, #tpu.memory_space<hbm>>
        %dma_wait3A_124 = arith.constant 0 : i32
        %dma_wait3A_125 = tpu.memref_slice %arg12[%mul3A_0, %dma_wait3A_124] : memref<10008x64xf32, #tpu.memory_space<vmem_shared>> -> memref<640x64xf32, #tpu.memory_space<vmem_shared>>
        tpu.wait_dma2 semaphore(%run_scoped3A : memref<!tpu.dma_semaphore, #tpu.memory_space<semaphore_mem>>) src(%dma_wait3A_125 : memref<640x64xf32, #tpu.memory_space<vmem_shared>>) dst(%dma_wait3A_123 : memref<640x64xf32, #tpu.memory_space<hbm>>)
        tpu.yield
      }) : () -> ()
    } else {
    }
    %eq3A_111 = arith.constant 15 : i32
    %eq3A_112 = arith.cmpi eq, %arg1, %eq3A_111 : i32
    %convert_element_type3A_113 = arith.extui %eq3A_112 : i1 to i32
    %cond3A_114 = arith.constant 0 : i32
    %cond3A_115 = arith.cmpi ne, %convert_element_type3A_113, %cond3A_114 : i32
    scf.if %cond3A_115 {
      "tpu.region"() ({
        %run_scoped3A = tpu.sem_alloc : memref<!tpu.dma_semaphore, #tpu.memory_space<semaphore_mem>>
        %dma_start3A_116 = arith.constant 9600 : i32
        %dma_start3A_117 = arith.constant 0 : i32
        %dma_start3A_118 = tpu.memref_slice %arg8[%add3A_57, %dma_start3A_116, %dma_start3A_117] : memref<4x10000x64xf32, #tpu.memory_space<hbm>> -> memref<1x400x64xf32, #tpu.memory_space<hbm>>
        %dma_start3A_119 = tpu.memref_squeeze %dma_start3A_118 : memref<1x400x64xf32, #tpu.memory_space<hbm>> -> memref<400x64xf32, #tpu.memory_space<hbm>>
        %dma_start3A_120 = arith.constant 9600 : i32
        %dma_start3A_121 = arith.constant 0 : i32
        %dma_start3A_122 = tpu.memref_slice %arg12[%dma_start3A_120, %dma_start3A_121] : memref<10008x64xf32, #tpu.memory_space<vmem_shared>> -> memref<400x64xf32, #tpu.memory_space<vmem_shared>>
        tpu.enqueue_dma source(%dma_start3A_122 : memref<400x64xf32, #tpu.memory_space<vmem_shared>>) target(%dma_start3A_119 : memref<400x64xf32, #tpu.memory_space<hbm>>) target_semaphore(%run_scoped3A : memref<!tpu.dma_semaphore, #tpu.memory_space<semaphore_mem>>)
        %dma_wait3A_123 = arith.constant 9600 : i32
        %dma_wait3A_124 = arith.constant 0 : i32
        %dma_wait3A_125 = tpu.memref_slice %arg8[%add3A_57, %dma_wait3A_123, %dma_wait3A_124] : memref<4x10000x64xf32, #tpu.memory_space<hbm>> -> memref<1x400x64xf32, #tpu.memory_space<hbm>>
        %dma_wait3A_126 = tpu.memref_squeeze %dma_wait3A_125 : memref<1x400x64xf32, #tpu.memory_space<hbm>> -> memref<400x64xf32, #tpu.memory_space<hbm>>
        %dma_wait3A_127 = arith.constant 9600 : i32
        %dma_wait3A_128 = arith.constant 0 : i32
        %dma_wait3A_129 = tpu.memref_slice %arg12[%dma_wait3A_127, %dma_wait3A_128] : memref<10008x64xf32, #tpu.memory_space<vmem_shared>> -> memref<400x64xf32, #tpu.memory_space<vmem_shared>>
        tpu.wait_dma2 semaphore(%run_scoped3A : memref<!tpu.dma_semaphore, #tpu.memory_space<semaphore_mem>>) src(%dma_wait3A_129 : memref<400x64xf32, #tpu.memory_space<vmem_shared>>) dst(%dma_wait3A_126 : memref<400x64xf32, #tpu.memory_space<hbm>>)
        tpu.yield
      }) : () -> ()
    } else {
    }
    return
  }
}

module attributes {stable_mosaic.version = 14 : i64} {
  func.func @_tc1_body(%arg0: i32, %arg1: memref<1000x128xf32, #tpu.memory_space<vmem>>, %arg2: memref<2x1000x64xf32, #tpu.memory_space<vmem>>, %arg3: memref<1000x8xf32, #tpu.memory_space<vmem>>, %arg4: memref<128x256xf32, #tpu.memory_space<vmem>>, %arg5: memref<128x256xf32, #tpu.memory_space<vmem>>, %arg6: memref<256xf32, #tpu.memory_space<vmem>>, %arg7: memref<4x1000x64xf32, #tpu.memory_space<vmem>>) attributes {dimension_semantics = [#tpu.dimension_semantics<arbitrary>], iteration_bounds = array<i64: 10>, scalar_prefetch = 0 : i64, scratch_operands = 0 : i64, tpu.core_type = #tpu.core_type<tc>, window_params = [{transform_indices = @transform_0, window_bounds = array<i64: 1000, 128>}, {transform_indices = @transform_1, window_bounds = array<i64: 2, 1000, 64>}, {transform_indices = @transform_2, window_bounds = array<i64: 1000, 8>}, {pipeline_mode = #tpu.pipeline_mode<synchronous>, transform_indices = @transform_3, window_bounds = array<i64: 128, 256>}, {pipeline_mode = #tpu.pipeline_mode<synchronous>, transform_indices = @transform_4, window_bounds = array<i64: 128, 256>}, {pipeline_mode = #tpu.pipeline_mode<synchronous>, transform_indices = @transform_5, window_bounds = array<i64: 256>}, {transform_indices = @transform_6, window_bounds = array<i64: 4, 1000, 64>}]} {
    %get3A = arith.constant 0 : index
    %get3A_0 = arith.constant 0 : index
    %get3A_1 = arith.constant 0 : index
    %get3A_2 = vector.load %arg2[%get3A, %get3A_0, %get3A_1] : memref<2x1000x64xf32, #tpu.memory_space<vmem>>, vector<1x1000x64xf32>
    %get3A_3 = vector.shape_cast %get3A_2 : vector<1x1000x64xf32> to vector<1000x64xf32>
    %get3A_4 = arith.constant 1 : index
    %get3A_5 = arith.constant 0 : index
    %get3A_6 = arith.constant 0 : index
    %get3A_7 = vector.load %arg2[%get3A_4, %get3A_5, %get3A_6] : memref<2x1000x64xf32, #tpu.memory_space<vmem>>, vector<1x1000x64xf32>
    %get3A_8 = vector.shape_cast %get3A_7 : vector<1x1000x64xf32> to vector<1000x64xf32>
    %concatenate3A = tpu.concatenate %get3A_3, %get3A_8 in 1 : vector<1000x64xf32>, vector<1000x64xf32> -> vector<1000x128xf32>
    %get3A_9 = arith.constant 0 : index
    %get3A_10 = arith.constant 0 : index
    %get3A_11 = vector.load %arg3[%get3A_9, %get3A_10] : memref<1000x8xf32, #tpu.memory_space<vmem>>, vector<1000x8xf32>
    %slice3A = vector.extract_strided_slice %get3A_11 {offsets = [0, 0], sizes = [1000, 1], strides = [1, 1]} : vector<1000x8xf32> to vector<1000x1xf32>
    %max3A = arith.constant 1.000000e+00 : f32
    %max3A_12 = vector.broadcast %max3A : f32 to vector<1000x1xf32>
    %max3A_13 = arith.maximumf %slice3A, %max3A_12 : vector<1000x1xf32>
    %div3A = arith.constant 1.000000e+00 : f32
    %div3A_14 = vector.broadcast %div3A : f32 to vector<1000x1xf32>
    %div3A_15 = arith.divf %div3A_14, %max3A_13 : vector<1000x1xf32>
    %mul3A = vector.broadcast %div3A_15 : vector<1000x1xf32> to vector<1000x128xf32>
    %mul3A_16 = arith.mulf %concatenate3A, %mul3A : vector<1000x128xf32>
    %get3A_17 = arith.constant 0 : index
    %get3A_18 = arith.constant 0 : index
    %get3A_19 = vector.load %arg1[%get3A_17, %get3A_18] : memref<1000x128xf32, #tpu.memory_space<vmem>>, vector<1000x128xf32>
    %get3A_20 = arith.constant 0 : index
    %get3A_21 = arith.constant 0 : index
    %get3A_22 = vector.load %arg4[%get3A_20, %get3A_21] : memref<128x256xf32, #tpu.memory_space<vmem>>, vector<128x256xf32>
    %dot_general3A = arith.constant dense<0.000000e+00> : vector<1000x256xf32>
    %dot_general3A_23 = tpu.matmul %get3A_19, %get3A_22, %dot_general3A {dimension_numbers = #tpu.dot_dimension_numbers<[1], [0], [0], [1], [0, 0, 1, 1], [], []>, transpose_lhs_hint = false} : vector<1000x128xf32>, vector<128x256xf32>, vector<1000x256xf32> -> vector<1000x256xf32>
    %get3A_24 = arith.constant 0 : index
    %get3A_25 = arith.constant 0 : index
    %get3A_26 = vector.load %arg5[%get3A_24, %get3A_25] : memref<128x256xf32, #tpu.memory_space<vmem>>, vector<128x256xf32>
    %dot_general3A_27 = arith.constant dense<0.000000e+00> : vector<1000x256xf32>
    %dot_general3A_28 = tpu.matmul %mul3A_16, %get3A_26, %dot_general3A_27 {dimension_numbers = #tpu.dot_dimension_numbers<[1], [0], [0], [1], [0, 0, 1, 1], [], []>, transpose_lhs_hint = false} : vector<1000x128xf32>, vector<128x256xf32>, vector<1000x256xf32> -> vector<1000x256xf32>
    %add3A = arith.addf %dot_general3A_23, %dot_general3A_28 : vector<1000x256xf32>
    %get3A_29 = arith.constant 0 : index
    %get3A_30 = vector.load %arg6[%get3A_29] : memref<256xf32, #tpu.memory_space<vmem>>, vector<256xf32>
    %broadcast_in_dim3A = vector.shape_cast %get3A_30 : vector<256xf32> to vector<1x256xf32>
    %add3A_31 = vector.broadcast %broadcast_in_dim3A : vector<1x256xf32> to vector<1000x256xf32>
    %add3A_32 = arith.addf %add3A, %add3A_31 : vector<1000x256xf32>
    %max3A_33 = arith.constant 0.000000e+00 : f32
    %max3A_34 = vector.broadcast %max3A_33 : f32 to vector<1000x256xf32>
    %max3A_35 = arith.maximumf %add3A_32, %max3A_34 : vector<1000x256xf32>
    %slice3A_36 = vector.extract_strided_slice %max3A_35 {offsets = [0, 0], sizes = [1000, 64], strides = [1, 1]} : vector<1000x256xf32> to vector<1000x64xf32>
    %swap3A = arith.constant 0 : index
    %swap3A_37 = arith.constant 0 : index
    %swap3A_38 = arith.constant 0 : index
    %swap3A_39 = vector.load %arg7[%swap3A, %swap3A_37, %swap3A_38] : memref<4x1000x64xf32, #tpu.memory_space<vmem>>, vector<1x1000x64xf32>
    %swap3A_40 = vector.shape_cast %swap3A_39 : vector<1x1000x64xf32> to vector<1000x64xf32>
    %swap3A_41 = vector.shape_cast %slice3A_36 : vector<1000x64xf32> to vector<1x1000x64xf32>
    tpu.vector_store %arg7[%swap3A, %swap3A_37, %swap3A_38], %swap3A_41 {strides = array<i32>} : memref<4x1000x64xf32, #tpu.memory_space<vmem>>, vector<1x1000x64xf32>,
    %slice3A_42 = vector.extract_strided_slice %max3A_35 {offsets = [0, 64], sizes = [1000, 64], strides = [1, 1]} : vector<1000x256xf32> to vector<1000x64xf32>
    %swap3A_43 = arith.constant 1 : index
    %swap3A_44 = arith.constant 0 : index
    %swap3A_45 = arith.constant 0 : index
    %swap3A_46 = vector.load %arg7[%swap3A_43, %swap3A_44, %swap3A_45] : memref<4x1000x64xf32, #tpu.memory_space<vmem>>, vector<1x1000x64xf32>
    %swap3A_47 = vector.shape_cast %swap3A_46 : vector<1x1000x64xf32> to vector<1000x64xf32>
    %swap3A_48 = vector.shape_cast %slice3A_42 : vector<1000x64xf32> to vector<1x1000x64xf32>
    tpu.vector_store %arg7[%swap3A_43, %swap3A_44, %swap3A_45], %swap3A_48 {strides = array<i32>} : memref<4x1000x64xf32, #tpu.memory_space<vmem>>, vector<1x1000x64xf32>,
    %slice3A_49 = vector.extract_strided_slice %max3A_35 {offsets = [0, 128], sizes = [1000, 64], strides = [1, 1]} : vector<1000x256xf32> to vector<1000x64xf32>
    %swap3A_50 = arith.constant 2 : index
    %swap3A_51 = arith.constant 0 : index
    %swap3A_52 = arith.constant 0 : index
    %swap3A_53 = vector.load %arg7[%swap3A_50, %swap3A_51, %swap3A_52] : memref<4x1000x64xf32, #tpu.memory_space<vmem>>, vector<1x1000x64xf32>
    %swap3A_54 = vector.shape_cast %swap3A_53 : vector<1x1000x64xf32> to vector<1000x64xf32>
    %swap3A_55 = vector.shape_cast %slice3A_49 : vector<1000x64xf32> to vector<1x1000x64xf32>
    tpu.vector_store %arg7[%swap3A_50, %swap3A_51, %swap3A_52], %swap3A_55 {strides = array<i32>} : memref<4x1000x64xf32, #tpu.memory_space<vmem>>, vector<1x1000x64xf32>,
    %slice3A_56 = vector.extract_strided_slice %max3A_35 {offsets = [0, 192], sizes = [1000, 64], strides = [1, 1]} : vector<1000x256xf32> to vector<1000x64xf32>
    %swap3A_57 = arith.constant 3 : index
    %swap3A_58 = arith.constant 0 : index
    %swap3A_59 = arith.constant 0 : index
    %swap3A_60 = vector.load %arg7[%swap3A_57, %swap3A_58, %swap3A_59] : memref<4x1000x64xf32, #tpu.memory_space<vmem>>, vector<1x1000x64xf32>
    %swap3A_61 = vector.shape_cast %swap3A_60 : vector<1x1000x64xf32> to vector<1000x64xf32>
    %swap3A_62 = vector.shape_cast %slice3A_56 : vector<1000x64xf32> to vector<1x1000x64xf32>
    tpu.vector_store %arg7[%swap3A_57, %swap3A_58, %swap3A_59], %swap3A_62 {strides = array<i32>} : memref<4x1000x64xf32, #tpu.memory_space<vmem>>, vector<1x1000x64xf32>,
    return
  }
  func.func @transform_0(%arg0: i32) -> (i32, i32) {
    %c0_i32 = arith.constant 0 : i32
    %c0_i32_0 = arith.constant 0 : i32
    return %arg0, %c0_i32 : i32, i32
  }
  func.func @transform_1(%arg0: i32) -> (i32, i32, i32) {
    %c0_i32 = arith.constant 0 : i32
    %c0_i32_0 = arith.constant 0 : i32
    %c0_i32_1 = arith.constant 0 : i32
    return %c0_i32, %arg0, %c0_i32_0 : i32, i32, i32
  }
  func.func @transform_2(%arg0: i32) -> (i32, i32) {
    %c0_i32 = arith.constant 0 : i32
    %c0_i32_0 = arith.constant 0 : i32
    return %arg0, %c0_i32 : i32, i32
  }
  func.func @transform_3(%arg0: i32) -> (i32, i32) {
    %c0_i32 = arith.constant 0 : i32
    %c0_i32_0 = arith.constant 0 : i32
    %c0_i32_1 = arith.constant 0 : i32
    return %c0_i32, %c0_i32_0 : i32, i32
  }
  func.func @transform_4(%arg0: i32) -> (i32, i32) {
    %c0_i32 = arith.constant 0 : i32
    %c0_i32_0 = arith.constant 0 : i32
    %c0_i32_1 = arith.constant 0 : i32
    return %c0_i32, %c0_i32_0 : i32, i32
  }
  func.func @transform_5(%arg0: i32) -> i32 {
    %c0_i32 = arith.constant 0 : i32
    %c0_i32_0 = arith.constant 0 : i32
    return %c0_i32 : i32
  }
  func.func @transform_6(%arg0: i32) -> (i32, i32, i32) {
    %c0_i32 = arith.constant 0 : i32
    %c0_i32_0 = arith.constant 0 : i32
    %c0_i32_1 = arith.constant 0 : i32
    return %c0_i32, %arg0, %c0_i32_0 : i32, i32, i32
  }
}

module attributes {stable_mosaic.version = 14 : i64} {
  func.func @_tc2_body(%arg0: i32, %arg1: memref<4x1000x64xf32, #tpu.memory_space<vmem>>, %arg2: memref<4x1000x64xf32, #tpu.memory_space<vmem>>, %arg3: memref<1000x8xf32, #tpu.memory_space<vmem>>, %arg4: memref<256x256xf32, #tpu.memory_space<vmem>>, %arg5: memref<256x256xf32, #tpu.memory_space<vmem>>, %arg6: memref<256xf32, #tpu.memory_space<vmem>>, %arg7: memref<256x64xf32, #tpu.memory_space<vmem>>, %arg8: memref<256x64xf32, #tpu.memory_space<vmem>>, %arg9: memref<64xf32, #tpu.memory_space<vmem>>, %arg10: memref<1000x64xf32, #tpu.memory_space<vmem>>, %arg11: memref<1000x64xf32, #tpu.memory_space<vmem>>) attributes {dimension_semantics = [#tpu.dimension_semantics<arbitrary>], iteration_bounds = array<i64: 10>, scalar_prefetch = 0 : i64, scratch_operands = 0 : i64, tpu.core_type = #tpu.core_type<tc>, window_params = [{transform_indices = @transform_0, window_bounds = array<i64: 4, 1000, 64>}, {transform_indices = @transform_1, window_bounds = array<i64: 4, 1000, 64>}, {transform_indices = @transform_2, window_bounds = array<i64: 1000, 8>}, {pipeline_mode = #tpu.pipeline_mode<synchronous>, transform_indices = @transform_3, window_bounds = array<i64: 256, 256>}, {pipeline_mode = #tpu.pipeline_mode<synchronous>, transform_indices = @transform_4, window_bounds = array<i64: 256, 256>}, {pipeline_mode = #tpu.pipeline_mode<synchronous>, transform_indices = @transform_5, window_bounds = array<i64: 256>}, {pipeline_mode = #tpu.pipeline_mode<synchronous>, transform_indices = @transform_6, window_bounds = array<i64: 256, 64>}, {pipeline_mode = #tpu.pipeline_mode<synchronous>, transform_indices = @transform_7, window_bounds = array<i64: 256, 64>}, {pipeline_mode = #tpu.pipeline_mode<synchronous>, transform_indices = @transform_8, window_bounds = array<i64: 64>}, {transform_indices = @transform_9, window_bounds = array<i64: 1000, 64>}, {transform_indices = @transform_10, window_bounds = array<i64: 1000, 64>}]} {
    %get3A = arith.constant 0 : index
    %get3A_0 = arith.constant 0 : index
    %get3A_1 = arith.constant 0 : index
    %get3A_2 = vector.load %arg1[%get3A, %get3A_0, %get3A_1] : memref<4x1000x64xf32, #tpu.memory_space<vmem>>, vector<1x1000x64xf32>
    %get3A_3 = vector.shape_cast %get3A_2 : vector<1x1000x64xf32> to vector<1000x64xf32>
    %get3A_4 = arith.constant 1 : index
    %get3A_5 = arith.constant 0 : index
    %get3A_6 = arith.constant 0 : index
    %get3A_7 = vector.load %arg1[%get3A_4, %get3A_5, %get3A_6] : memref<4x1000x64xf32, #tpu.memory_space<vmem>>, vector<1x1000x64xf32>
    %get3A_8 = vector.shape_cast %get3A_7 : vector<1x1000x64xf32> to vector<1000x64xf32>
    %get3A_9 = arith.constant 2 : index
    %get3A_10 = arith.constant 0 : index
    %get3A_11 = arith.constant 0 : index
    %get3A_12 = vector.load %arg1[%get3A_9, %get3A_10, %get3A_11] : memref<4x1000x64xf32, #tpu.memory_space<vmem>>, vector<1x1000x64xf32>
    %get3A_13 = vector.shape_cast %get3A_12 : vector<1x1000x64xf32> to vector<1000x64xf32>
    %get3A_14 = arith.constant 3 : index
    %get3A_15 = arith.constant 0 : index
    %get3A_16 = arith.constant 0 : index
    %get3A_17 = vector.load %arg1[%get3A_14, %get3A_15, %get3A_16] : memref<4x1000x64xf32, #tpu.memory_space<vmem>>, vector<1x1000x64xf32>
    %get3A_18 = vector.shape_cast %get3A_17 : vector<1x1000x64xf32> to vector<1000x64xf32>
    %concatenate3A = tpu.concatenate %get3A_3, %get3A_8, %get3A_13, %get3A_18 in 1 : vector<1000x64xf32>, vector<1000x64xf32>, vector<1000x64xf32>, vector<1000x64xf32> -> vector<1000x256xf32>
    %get3A_19 = arith.constant 0 : index
    %get3A_20 = arith.constant 0 : index
    %get3A_21 = arith.constant 0 : index
    %get3A_22 = vector.load %arg2[%get3A_19, %get3A_20, %get3A_21] : memref<4x1000x64xf32, #tpu.memory_space<vmem>>, vector<1x1000x64xf32>
    %get3A_23 = vector.shape_cast %get3A_22 : vector<1x1000x64xf32> to vector<1000x64xf32>
    %get3A_24 = arith.constant 1 : index
    %get3A_25 = arith.constant 0 : index
    %get3A_26 = arith.constant 0 : index
    %get3A_27 = vector.load %arg2[%get3A_24, %get3A_25, %get3A_26] : memref<4x1000x64xf32, #tpu.memory_space<vmem>>, vector<1x1000x64xf32>
    %get3A_28 = vector.shape_cast %get3A_27 : vector<1x1000x64xf32> to vector<1000x64xf32>
    %get3A_29 = arith.constant 2 : index
    %get3A_30 = arith.constant 0 : index
    %get3A_31 = arith.constant 0 : index
    %get3A_32 = vector.load %arg2[%get3A_29, %get3A_30, %get3A_31] : memref<4x1000x64xf32, #tpu.memory_space<vmem>>, vector<1x1000x64xf32>
    %get3A_33 = vector.shape_cast %get3A_32 : vector<1x1000x64xf32> to vector<1000x64xf32>
    %get3A_34 = arith.constant 3 : index
    %get3A_35 = arith.constant 0 : index
    %get3A_36 = arith.constant 0 : index
    %get3A_37 = vector.load %arg2[%get3A_34, %get3A_35, %get3A_36] : memref<4x1000x64xf32, #tpu.memory_space<vmem>>, vector<1x1000x64xf32>
    %get3A_38 = vector.shape_cast %get3A_37 : vector<1x1000x64xf32> to vector<1000x64xf32>
    %concatenate3A_39 = tpu.concatenate %get3A_23, %get3A_28, %get3A_33, %get3A_38 in 1 : vector<1000x64xf32>, vector<1000x64xf32>, vector<1000x64xf32>, vector<1000x64xf32> -> vector<1000x256xf32>
    %get3A_40 = arith.constant 0 : index
    %get3A_41 = arith.constant 0 : index
    %get3A_42 = vector.load %arg3[%get3A_40, %get3A_41] : memref<1000x8xf32, #tpu.memory_space<vmem>>, vector<1000x8xf32>
    %slice3A = vector.extract_strided_slice %get3A_42 {offsets = [0, 0], sizes = [1000, 1], strides = [1, 1]} : vector<1000x8xf32> to vector<1000x1xf32>
    %max3A = arith.constant 1.000000e+00 : f32
    %max3A_43 = vector.broadcast %max3A : f32 to vector<1000x1xf32>
    %max3A_44 = arith.maximumf %slice3A, %max3A_43 : vector<1000x1xf32>
    %div3A = arith.constant 1.000000e+00 : f32
    %div3A_45 = vector.broadcast %div3A : f32 to vector<1000x1xf32>
    %div3A_46 = arith.divf %div3A_45, %max3A_44 : vector<1000x1xf32>
    %mul3A = vector.broadcast %div3A_46 : vector<1000x1xf32> to vector<1000x256xf32>
    %mul3A_47 = arith.mulf %concatenate3A_39, %mul3A : vector<1000x256xf32>
    %get3A_48 = arith.constant 0 : index
    %get3A_49 = arith.constant 0 : index
    %get3A_50 = vector.load %arg4[%get3A_48, %get3A_49] : memref<256x256xf32, #tpu.memory_space<vmem>>, vector<256x256xf32>
    %dot_general3A = arith.constant dense<0.000000e+00> : vector<1000x256xf32>
    %dot_general3A_51 = tpu.matmul %concatenate3A, %get3A_50, %dot_general3A {dimension_numbers = #tpu.dot_dimension_numbers<[1], [0], [0], [1], [0, 0, 1, 1], [], []>, transpose_lhs_hint = false} : vector<1000x256xf32>, vector<256x256xf32>, vector<1000x256xf32> -> vector<1000x256xf32>
    %get3A_52 = arith.constant 0 : index
    %get3A_53 = arith.constant 0 : index
    %get3A_54 = vector.load %arg5[%get3A_52, %get3A_53] : memref<256x256xf32, #tpu.memory_space<vmem>>, vector<256x256xf32>
    %dot_general3A_55 = arith.constant dense<0.000000e+00> : vector<1000x256xf32>
    %dot_general3A_56 = tpu.matmul %mul3A_47, %get3A_54, %dot_general3A_55 {dimension_numbers = #tpu.dot_dimension_numbers<[1], [0], [0], [1], [0, 0, 1, 1], [], []>, transpose_lhs_hint = false} : vector<1000x256xf32>, vector<256x256xf32>, vector<1000x256xf32> -> vector<1000x256xf32>
    %add3A = arith.addf %dot_general3A_51, %dot_general3A_56 : vector<1000x256xf32>
    %get3A_57 = arith.constant 0 : index
    %get3A_58 = vector.load %arg6[%get3A_57] : memref<256xf32, #tpu.memory_space<vmem>>, vector<256xf32>
    %broadcast_in_dim3A = vector.shape_cast %get3A_58 : vector<256xf32> to vector<1x256xf32>
    %add3A_59 = vector.broadcast %broadcast_in_dim3A : vector<1x256xf32> to vector<1000x256xf32>
    %add3A_60 = arith.addf %add3A, %add3A_59 : vector<1000x256xf32>
    %max3A_61 = arith.constant 0.000000e+00 : f32
    %max3A_62 = vector.broadcast %max3A_61 : f32 to vector<1000x256xf32>
    %max3A_63 = arith.maximumf %add3A_60, %max3A_62 : vector<1000x256xf32>
    %get3A_64 = arith.constant 0 : index
    %get3A_65 = arith.constant 0 : index
    %get3A_66 = vector.load %arg7[%get3A_64, %get3A_65] : memref<256x64xf32, #tpu.memory_space<vmem>>, vector<256x64xf32>
    %dot_general3A_67 = arith.constant dense<0.000000e+00> : vector<1000x64xf32>
    %dot_general3A_68 = tpu.matmul %max3A_63, %get3A_66, %dot_general3A_67 {dimension_numbers = #tpu.dot_dimension_numbers<[1], [0], [0], [1], [0, 0, 1, 1], [], []>, transpose_lhs_hint = false} : vector<1000x256xf32>, vector<256x64xf32>, vector<1000x64xf32> -> vector<1000x64xf32>
    %get3A_69 = arith.constant 0 : index
    %get3A_70 = vector.load %arg9[%get3A_69] : memref<64xf32, #tpu.memory_space<vmem>>, vector<64xf32>
    %broadcast_in_dim3A_71 = vector.shape_cast %get3A_70 : vector<64xf32> to vector<1x64xf32>
    %add3A_72 = vector.broadcast %broadcast_in_dim3A_71 : vector<1x64xf32> to vector<1000x64xf32>
    %add3A_73 = arith.addf %dot_general3A_68, %add3A_72 : vector<1000x64xf32>
    %swap3A = arith.constant 0 : index
    %swap3A_74 = arith.constant 0 : index
    %swap3A_75 = vector.load %arg10[%swap3A, %swap3A_74] : memref<1000x64xf32, #tpu.memory_space<vmem>>, vector<1000x64xf32>
    tpu.vector_store %arg10[%swap3A, %swap3A_74], %add3A_73 {strides = array<i32>} : memref<1000x64xf32, #tpu.memory_space<vmem>>, vector<1000x64xf32>,
    %get3A_76 = arith.constant 0 : index
    %get3A_77 = arith.constant 0 : index
    %get3A_78 = vector.load %arg8[%get3A_76, %get3A_77] : memref<256x64xf32, #tpu.memory_space<vmem>>, vector<256x64xf32>
    %dot_general3A_79 = arith.constant dense<0.000000e+00> : vector<1000x64xf32>
    %dot_general3A_80 = tpu.matmul %max3A_63, %get3A_78, %dot_general3A_79 {dimension_numbers = #tpu.dot_dimension_numbers<[1], [0], [0], [1], [0, 0, 1, 1], [], []>, transpose_lhs_hint = false} : vector<1000x256xf32>, vector<256x64xf32>, vector<1000x64xf32> -> vector<1000x64xf32>
    %swap3A_81 = arith.constant 0 : index
    %swap3A_82 = arith.constant 0 : index
    %swap3A_83 = vector.load %arg11[%swap3A_81, %swap3A_82] : memref<1000x64xf32, #tpu.memory_space<vmem>>, vector<1000x64xf32>
    tpu.vector_store %arg11[%swap3A_81, %swap3A_82], %dot_general3A_80 {strides = array<i32>} : memref<1000x64xf32, #tpu.memory_space<vmem>>, vector<1000x64xf32>,
    return
  }
  func.func @transform_0(%arg0: i32) -> (i32, i32, i32) {
    %c0_i32 = arith.constant 0 : i32
    %c0_i32_0 = arith.constant 0 : i32
    %c0_i32_1 = arith.constant 0 : i32
    return %c0_i32, %arg0, %c0_i32_0 : i32, i32, i32
  }
  func.func @transform_1(%arg0: i32) -> (i32, i32, i32) {
    %c0_i32 = arith.constant 0 : i32
    %c0_i32_0 = arith.constant 0 : i32
    %c0_i32_1 = arith.constant 0 : i32
    return %c0_i32, %arg0, %c0_i32_0 : i32, i32, i32
  }
  func.func @transform_2(%arg0: i32) -> (i32, i32) {
    %c0_i32 = arith.constant 0 : i32
    %c0_i32_0 = arith.constant 0 : i32
    return %arg0, %c0_i32 : i32, i32
  }
  func.func @transform_3(%arg0: i32) -> (i32, i32) {
    %c0_i32 = arith.constant 0 : i32
    %c0_i32_0 = arith.constant 0 : i32
    %c0_i32_1 = arith.constant 0 : i32
    return %c0_i32, %c0_i32_0 : i32, i32
  }
  func.func @transform_4(%arg0: i32) -> (i32, i32) {
    %c0_i32 = arith.constant 0 : i32
    %c0_i32_0 = arith.constant 0 : i32
    %c0_i32_1 = arith.constant 0 : i32
    return %c0_i32, %c0_i32_0 : i32, i32
  }
  func.func @transform_5(%arg0: i32) -> i32 {
    %c0_i32 = arith.constant 0 : i32
    %c0_i32_0 = arith.constant 0 : i32
    return %c0_i32 : i32
  }
  func.func @transform_6(%arg0: i32) -> (i32, i32) {
    %c0_i32 = arith.constant 0 : i32
    %c0_i32_0 = arith.constant 0 : i32
    %c0_i32_1 = arith.constant 0 : i32
    return %c0_i32, %c0_i32_0 : i32, i32
  }
  func.func @transform_7(%arg0: i32) -> (i32, i32) {
    %c0_i32 = arith.constant 0 : i32
    %c0_i32_0 = arith.constant 0 : i32
    %c0_i32_1 = arith.constant 0 : i32
    return %c0_i32, %c0_i32_0 : i32, i32
  }
  func.func @transform_8(%arg0: i32) -> i32 {
    %c0_i32 = arith.constant 0 : i32
    %c0_i32_0 = arith.constant 0 : i32
    return %c0_i32 : i32
  }
  func.func @transform_9(%arg0: i32) -> (i32, i32) {
    %c0_i32 = arith.constant 0 : i32
    %c0_i32_0 = arith.constant 0 : i32
    return %arg0, %c0_i32 : i32, i32
  }
  func.func @transform_10(%arg0: i32) -> (i32, i32) {
    %c0_i32 = arith.constant 0 : i32
    %c0_i32_0 = arith.constant 0 : i32
    return %arg0, %c0_i32 : i32, i32
  }
}

module attributes {stable_mosaic.version = 14 : i64} {
  func.func @_tc3_body(%arg0: i32, %arg1: memref<1000x64xf32, #tpu.memory_space<vmem>>, %arg2: memref<2x1000x64xf32, #tpu.memory_space<vmem>>, %arg3: memref<1000x8xf32, #tpu.memory_space<vmem>>, %arg4: memref<1000x64xf32, #tpu.memory_space<vmem>>) attributes {dimension_semantics = [#tpu.dimension_semantics<arbitrary>], iteration_bounds = array<i64: 10>, scalar_prefetch = 0 : i64, scratch_operands = 0 : i64, tpu.core_type = #tpu.core_type<tc>, window_params = [{transform_indices = @transform_0, window_bounds = array<i64: 1000, 64>}, {transform_indices = @transform_1, window_bounds = array<i64: 2, 1000, 64>}, {transform_indices = @transform_2, window_bounds = array<i64: 1000, 8>}, {transform_indices = @transform_3, window_bounds = array<i64: 1000, 64>}]} {
    %get3A = arith.constant 0 : index
    %get3A_0 = arith.constant 0 : index
    %get3A_1 = arith.constant 0 : index
    %get3A_2 = vector.load %arg2[%get3A, %get3A_0, %get3A_1] : memref<2x1000x64xf32, #tpu.memory_space<vmem>>, vector<1x1000x64xf32>
    %get3A_3 = vector.shape_cast %get3A_2 : vector<1x1000x64xf32> to vector<1000x64xf32>
    %get3A_4 = arith.constant 1 : index
    %get3A_5 = arith.constant 0 : index
    %get3A_6 = arith.constant 0 : index
    %get3A_7 = vector.load %arg2[%get3A_4, %get3A_5, %get3A_6] : memref<2x1000x64xf32, #tpu.memory_space<vmem>>, vector<1x1000x64xf32>
    %get3A_8 = vector.shape_cast %get3A_7 : vector<1x1000x64xf32> to vector<1000x64xf32>
    %add3A = arith.addf %get3A_3, %get3A_8 : vector<1000x64xf32>
    %get3A_9 = arith.constant 0 : index
    %get3A_10 = arith.constant 0 : index
    %get3A_11 = vector.load %arg1[%get3A_9, %get3A_10] : memref<1000x64xf32, #tpu.memory_space<vmem>>, vector<1000x64xf32>
    %get3A_12 = arith.constant 0 : index
    %get3A_13 = arith.constant 0 : index
    %get3A_14 = vector.load %arg3[%get3A_12, %get3A_13] : memref<1000x8xf32, #tpu.memory_space<vmem>>, vector<1000x8xf32>
    %slice3A = vector.extract_strided_slice %get3A_14 {offsets = [0, 0], sizes = [1000, 1], strides = [1, 1]} : vector<1000x8xf32> to vector<1000x1xf32>
    %max3A = arith.constant 1.000000e+00 : f32
    %max3A_15 = vector.broadcast %max3A : f32 to vector<1000x1xf32>
    %max3A_16 = arith.maximumf %slice3A, %max3A_15 : vector<1000x1xf32>
    %div3A = arith.constant 1.000000e+00 : f32
    %div3A_17 = vector.broadcast %div3A : f32 to vector<1000x1xf32>
    %div3A_18 = arith.divf %div3A_17, %max3A_16 : vector<1000x1xf32>
    %mul3A = vector.broadcast %div3A_18 : vector<1000x1xf32> to vector<1000x64xf32>
    %mul3A_19 = arith.mulf %add3A, %mul3A : vector<1000x64xf32>
    %add3A_20 = arith.addf %get3A_11, %mul3A_19 : vector<1000x64xf32>
    %swap3A = arith.constant 0 : index
    %swap3A_21 = arith.constant 0 : index
    %swap3A_22 = vector.load %arg4[%swap3A, %swap3A_21] : memref<1000x64xf32, #tpu.memory_space<vmem>>, vector<1000x64xf32>
    tpu.vector_store %arg4[%swap3A, %swap3A_21], %add3A_20 {strides = array<i32>} : memref<1000x64xf32, #tpu.memory_space<vmem>>, vector<1000x64xf32>,
    return
  }
  func.func @transform_0(%arg0: i32) -> (i32, i32) {
    %c0_i32 = arith.constant 0 : i32
    %c0_i32_0 = arith.constant 0 : i32
    return %arg0, %c0_i32 : i32, i32
  }
  func.func @transform_1(%arg0: i32) -> (i32, i32, i32) {
    %c0_i32 = arith.constant 0 : i32
    %c0_i32_0 = arith.constant 0 : i32
    %c0_i32_1 = arith.constant 0 : i32
    return %c0_i32, %arg0, %c0_i32_0 : i32, i32, i32
  }
  func.func @transform_2(%arg0: i32) -> (i32, i32) {
    %c0_i32 = arith.constant 0 : i32
    %c0_i32_0 = arith.constant 0 : i32
    return %arg0, %c0_i32 : i32, i32
  }
  func.func @transform_3(%arg0: i32) -> (i32, i32) {
    %c0_i32 = arith.constant 0 : i32
    %c0_i32_0 = arith.constant 0 : i32
    return %arg0, %c0_i32 : i32, i32
  }
}

</mosaic_0001>

<sc_bundles>
// kernel: kernel.11.cloned.1.call-start
scs
__scs_entry_jumppad:
0x0: {  	(pc) =	sbr.rel $0x88, $3  }
0x1: {  	(tag) =	ssettag $0x0;
	lr =	simm.s32 $0x1  }
0x2: {  	[smem:$0x3F96] =	sst lr;
	_ =	strace $0xD0000000  }
0x3: {  	_ = 	snop  }
0x4: {  	_ = 	snop  }
0x5: {  	_ = 	snop  }
0x6: {  	_ = 	snop  }
0x7: {  	_ = 	snop  }
__scs_overlays_trampoline_lowered:
0x8: {  	[smem:$0x3FA5] =	sst s0  }
0x9: {  	[smem:$0x3FA6] =	sst s1  }
0xa: {  	[smem:$0x3FA7] =	sst s2  }
0xb: {  	[smem:$0x3FA8] =	sst s3  }
0xc: {  	[smem:$0x3FA9] =	sst s4  }
0xd: {  	[smem:$0x3FAA] =	sst s5  }
0xe: {  	[smem:$0x3FAB] =	sst s6  }
0xf: {  	[smem:$0x3FAC] =	sst s7  }
0x10: {  	[smem:$0x3FAD] =	sst s8  }
0x11: {  	[smem:$0x3FAE] =	sst s9;
	s0 =	simm.s32 @!p0 $0x0  }
0x12: {  	s1 =	sld [smem:$0x3F94];
	s0 =	simm.s32 @p0 $0x1  }
0x13: {  	[smem:$0x3FAF] =	sst s0;
	s0 =	simm.s32 @!p1 $0x0  }
0x14: {  	s2 =	sld [smem:$0x3F93];
	s0 =	simm.s32 @p1 $0x1  }
0x15: {  	[smem:$0x3FB0] =	sst s0;
	s0 =	simm.s32 @!p2 $0x0  }
0x16: {  	s3 =	sld [smem:$0x3FDB];
	s0 =	simm.s32 @p2 $0x1  }
0x17: {  	s4 =	simm.s32 $0x1BF5;
	[smem:$0x3FB2] =	sst s0  }
0x18: {  	s0 =	sld [smem:$0x3F95];
	_ =	swait.ge [sflag:s4], $0x0  }
0x19: {  	s7 =	sld [smem:$0x3F96]  }
0x1a: {  	s8 =	sadd.s32 $0xFFFFE003, lr  }
0x1b: {  	s9 =	sadd.s32 $0xFFFFFEF7, lr;
	s5 =	simm.s32 $0xFFFFFFFF;
	p2 =	slt.u32 s8, $0xFFFFF086  }
0x1c: {  	p1 =	slt.u32 s9, $0xF7A;
	s5 =	simm.s32 @!p2 $0x0  }
0x1d: {  	s5 =	simm.s32 @p1 $0x1;
	p0 =	seq.s32 s7, s2  }
0x1e: {  	s7 =	smul.u32 @!p0 $0xF7A, s2;
	p2 =	seq.s32 @!p0 s5, $0x0  }
0x1f: {  	s9 =	smul.u32 $0xF7A, s1;
	s8 =	simm.s32 @!p0 $0x1BF5;
	p2 =	por !p2, p0  }
0x20: {  	[sflag:s8] =	ssyncset.s32 @!p0 $0xFFFFF086;
	s6 =	sadd.s32 @!p0 s3, s7;
	s7 =	simm.s32 @!p0 $0x108  }
0x21: {  	s3 =	sadd.s32 s3, s9;
	s6 =	sadd.s32 @!p0 $0x88, s6;
	s7 =	simm.s32 @p2 $0x1082  }
0x22: {  	[simem:s7], [sflag:s8] =	dma.local @!p0 [hbm:s6], $0xF7A  }
0x23: {  	s9 =	sor.u32 $0xD0000000, s2;
	s6 =	simm.s32 $0x108;
	_ =	swait.ge @!p0 [sflag:s8], $0x0  }
0x24: {  	s3 =	sadd.s32 $0x88, s3;
	s6 =	simm.s32 @!p1 $0x1082;
	[sflag:s4] =	ssyncset.s32 $0xFFFFF086  }
0x25: {  	[simem:s6], [sflag:s4] =	dma.local [hbm:s3], $0xF7A  }
0x26: {  	[smem:$0x3F96] =	sst s1;
	(tag) =	ssettag s2;
	_ =	strace s9  }
0x27: {  	s1 =	sld [smem:$0x3FA6]  }
0x28: {  	s2 =	sld [smem:$0x3FA7]  }
0x29: {  	s4 =	sld [smem:$0x3FA9]  }
0x2a: {  	p0 =	seq.s32 s5, $0x0;
	s5 =	sld [smem:$0x3FAA]  }
0x2b: {  	s6 =	sld [smem:$0x3FAB]  }
0x2c: {  	s7 =	sld [smem:$0x3FAC]  }
0x2d: {  	s3 =	simm.s32 $0x108;
	s8 =	sld [smem:$0x3FAD]  }
0x2e: {  	s3 =	simm.s32 @!p0 $0x1082;
	s9 =	sld [smem:$0x3FAE]  }
0x2f: {  	lr =	sadd.s32 s0, s3;
	s0 =	sld [smem:$0x3FA5]  }
0x30: {  	s3 =	sld [smem:$0x3FA8]  }
0x31: {  	[smem:$0x3FB1] =	sst s10  }
0x32: {  	s10 =	sld [smem:$0x3FAF];
	_ =	sdelay $0x3  }
0x33: {  	p0 =	seq.s32 s10, $0x1;
	s10 =	sld [smem:$0x3FB1];
	_ =	sdelay $0x3  }
0x34: {  	[smem:$0x3FB1] =	sst s10  }
0x35: {  	s10 =	sld [smem:$0x3FB0];
	_ =	sdelay $0x3  }
0x36: {  	p1 =	seq.s32 s10, $0x1;
	s10 =	sld [smem:$0x3FB1];
	_ =	sdelay $0x3  }
0x37: {  	[smem:$0x3FB1] =	sst s10  }
0x38: {  	s10 =	sld [smem:$0x3FB2]  }
0x39: {  	_ = 	snop;
	(pc) =	sbr.ind lr, $3  }
0x3a: {  	_ = 	snop  }
0x3b: {  	_ = 	snop  }
0x3c: {  	p2 =	seq.s32 s10, $0x1;
	s10 =	sld [smem:$0x3FB1]  }
0x3d: {  	_ =	shalt  }
0x3e: {  	_ =	shalt  }
0x3f: {  	_ =	shalt  }
0x40: {  	_ =	shalt  }
0x41: {  	_ =	shalt  }
0x42: {  	_ =	shalt  }
0x43: {  	_ =	shalt  }
0x44: {  	_ =	shalt  }
0x45: {  	_ =	shalt  }
0x46: {  	_ =	shalt  }
0x47: {  	_ =	shalt  }
0x48: {  	_ =	shalt  }
0x49: {  	_ =	shalt  }
0x4a: {  	_ =	shalt  }
0x4b: {  	_ =	shalt  }
0x4c: {  	_ =	shalt  }
0x4d: {  	_ =	shalt  }
0x4e: {  	_ =	shalt  }
0x4f: {  	_ =	shalt  }
0x50: {  	_ =	shalt  }
0x51: {  	_ =	shalt  }
0x52: {  	_ =	shalt  }
0x53: {  	_ =	shalt  }
0x54: {  	_ =	shalt  }
0x55: {  	_ =	shalt  }
0x56: {  	_ =	shalt  }
0x57: {  	_ =	shalt  }
0x58: {  	_ =	shalt  }
0x59: {  	_ =	shalt  }
0x5a: {  	_ =	shalt  }
0x5b: {  	_ =	shalt  }
0x5c: {  	_ =	shalt  }
0x5d: {  	_ =	shalt  }
0x5e: {  	_ =	shalt  }
0x5f: {  	_ =	shalt  }
0x60: {  	_ =	shalt  }
0x61: {  	_ =	shalt  }
0x62: {  	_ =	shalt  }
0x63: {  	_ =	shalt  }
0x64: {  	_ =	shalt  }
0x65: {  	_ =	shalt  }
0x66: {  	_ =	shalt  }
0x67: {  	_ =	shalt  }
0x68: {  	_ =	shalt  }
0x69: {  	_ =	shalt  }
0x6a: {  	_ =	shalt  }
0x6b: {  	_ =	shalt  }
0x6c: {  	_ =	shalt  }
0x6d: {  	_ =	shalt  }
0x6e: {  	_ =	shalt  }
0x6f: {  	_ =	shalt  }
0x70: {  	_ =	shalt  }
0x71: {  	_ =	shalt  }
0x72: {  	_ =	shalt  }
0x73: {  	_ =	shalt  }
0x74: {  	_ =	shalt  }
0x75: {  	_ =	shalt  }
0x76: {  	_ =	shalt  }
0x77: {  	_ =	shalt  }
0x78: {  	_ =	shalt  }
0x79: {  	_ =	shalt  }
0x7a: {  	_ =	shalt  }
0x7b: {  	_ =	shalt  }
0x7c: {  	_ =	shalt  }
0x7d: {  	_ =	shalt  }
0x7e: {  	_ =	shalt  }
0x7f: {  	_ =	shalt  }
0x80: {  	_ =	shalt  }
0x81: {  	_ =	shalt  }
0x82: {  	_ =	shalt  }
0x83: {  	_ =	shalt  }
0x84: {  	_ =	shalt  }
0x85: {  	_ =	shalt  }
0x86: {  	_ =	shalt  }
0x87: {  	_ =	shalt  }
.Lfunc_end0:
.L_simem_size_0:
called_computation.1_lowered:
.L_overlay_start_0:
0x88: {  	s2 =	sld [smem:$0x3FD9]  }
0x89: {  	s3 =	sld [smem:$0x3FFE];
	_ =	sdelay $0x1  }
0x8a: {  	s1 =	srdreg.scid  }
0x8b: {  	s0 =	sand.u32 $0x1, s1  }
0x8c: {  	s16 =	sshll.u32 s0, $0xA;
	s2 =	sadd.s32 s3, s2  }
0x8d: {  	s2 =	sadd.s32 s2, s16  }
0x8e: {  	[smem:$0x3FBD] =	sst s2  }
0x8f: {  	_ = 	snop  }
0x90: {  	(tm) =	ssettm $0x1  }
0x91: {  	s17 =	sld [smem:$0x3FFB];
	_ =	sdelay $0x3  }
0x92: {  	_ =	strace s17  }
0x93: {  	s2 =	sld [smem:$0x3FFC];
	_ =	sdelay $0x3  }
0x94: {  	_ =	strace s2  }
0x95: {  	s2 =	sld [smem:$0x3FFD];
	_ =	sdelay $0x3  }
0x96: {  	_ =	strace s2  }
0x97: {  	_ =	strace $0x8FFFFFFF  }
0x98: {  	s18 =	sld [smem:$0x3FDB];
	_ =	sdelay $0x1  }
0x99: {  	s19 =	simm.s32 $_scs_section_size  }
0x9a: {  	s4 =	simm.s32 $_size__tile_overlayer_lowered;
	s5 =	simm.s32 $_tile_overlayer_lowered  }
0x9b: {  	s22 =	simm.s32 $0x1BFF;
	s21 =	sshll.u32 s5, $0x1;
	s2 =	sadd.s32 s19, s18  }
0x9c: {  	s6 =	simm.s32 $0x0;
	s20 =	sshll.u32 s4, $0x1;
	s4 =	sadd.s32 s21, s2  }
0x9d: {  	[timem:s6], [sflag:s22] =	dma.local [hbm:s4], s20  }
0x9e: {  	_ =	swait.ge [sflag:s22], s20  }
0x9f: {  	s3 =	ssub.s32 $0x0, s20;
	[sflag:s22] =	ssyncset.done $0x0  }
0xa0: {  	[sflag:s22] =	ssyncadd.s32 s3;
	_ =	sdelay $0x1  }
0xa1: {  	s23 =	simm.s32 $0x1B8B  }
0xa2: {  	_ =	swait.ge [sflag:s23], $0x1  }
0xa3: {  	[sflag:s23] =	ssyncset.done $0x0  }
0xa4: {  	s25 =	simm.s32 $0x1B8E;
	s24 =	sld [smem:$0x3FFE];
	[sflag:s23] =	ssyncadd.s32 $0xFFFFFFFF  }
0xa5: {  	s26 =	simm.s32 $execute0_lowered;
	[smem:$0x3FD2] =	sst s25  }
0xa6: {  	s4 =	sshll.u32 s26, $0x1;
	_ =	strace $0x80000049;
	[dreg:$0x1] =	wrdreg $0xFFFFFFFF  }
0xa7: {  	s28 =	simm.s32 $_size_execute0_lowered;
	s2 =	sadd.s32 s2, s4;
	[dreg:$0x0] =	wrdreg $0x0  }
0xa8: {  	s4 =	sshll.u32 s28, $0x1;
	[dreg:$0x2] =	wrdreg s2  }
0xa9: {  	[dreg:$0x3] =	wrdreg s4  }
0xaa: {  	[dreg:$0x4] =	wrdreg $0xC0  }
0xab: {  	_ =	task [dreg:s6], $0x5FFFF  }
0xac: {  	[dreg:$0x1] =	wrdreg $0xFFFFFFFF  }
0xad: {  	[dreg:$0x0] =	wrdreg $0x60  }
0xae: {  	[dreg:$0x2] =	wrdreg s24  }
0xaf: {  	[dreg:$0x3] =	wrdreg $0x120000  }
0xb0: {  	[dreg:$0x4] =	wrdreg $0x9  }
0xb1: {  	_ =	task.clear_ibuf [dreg:s6], $0x5FFFF;
	_ =	strace $0x90000049  }
0xb2: {  	s29 =	simm.s32 $0x9;
	_ =	strace $0x8000004B  }
0xb3: {  	_ =	swait.ge [sflag:s29], $0x1  }
0xb4: {  	[sflag:s29] =	ssyncadd.s32 $0xFFFFFFFF  }
0xb5: {  	_ =	strace $0x9000004B  }
0xb6: {  	_ =	sfence  }
0xb7: {  	s30 =	sld [smem:$0x0];
	_ =	sdelay $0x2  }
0xb8: {  	s31 =	sshll.u32 s1, $0xD;
	s1 =	sshrl.u32 s1, $0x2  }
0xb9: {  	s3 =	sand.u32 $0x4000, s31;
	s1 =	sadd.s32 s1, s30  }
0xba: {  	s0 =	sor.u32 s3, s0;
	s1 =	sshll.u32 s1, $0x11  }
0xbb: {  	s0 =	sor.u32 s1, s0  }
0xbc: {  	s0 =	sadd.s32 $0x8F2B, s0  }
0xbd: {  	[sflag:s0] =	ssyncadd.remote.s32 $0x1  }
0xbe: {  	_ =	sfence.sel $0xFFFF  }
0xbf: {  	[dreg:$0x0] =	wrdreg $0xFFFFFFFF;
	(pc) =	sbr.abs _section_cstart, $3  }
0xc0: {  	[dreg:$0x1] =	wrdreg $0xFFFFFFFF  }
0xc1: {  	_ =	task.clear_ibuf [dreg:s6], $0x2FFFF;
	_ =	strace $0x9FFFFFFF  }
0xc2: {  	(tm) =	ssettm $0x7FFFFFFF  }
0xc3: {  	_ =	shalt  }
tec
execute0_lowered:
.L_overlay_start_1:
0x0: {  	(tag) =	ssettag $0x1  }
0x1: {  	s0 =	rddreg [dreg:$0x0]  }
0x2: {  	s1 =	rddreg [dreg:$0x1];
	s2 =	simm.s32 $0x0  }
0x3: {  	s3 =	srdreg.scid;
	s18 =	stileid.u32;
	s28 =	simm.s32 $0x200  }
0x4: {  	s29 =	simm.s32 $0x4;
	s30 =	simm.s32 $0x0;
	[smem:$0x7FF] =	sst s2  }
0x5: {  	s4 =	sadd.s32 $0x2800, s0;
	s6 =	sadd.s32 $0x7A600, s0;
	s7 =	smul.u32 $0x28000, s18  }
0x6: {  	s3 =	sand.u32 $0x1, s3;
	s14 =	sadd.s32 $0xA2600, s0;
	s12 =	smul.u32 $0x5000, s18  }
0x7: {  	s5 =	sadd.s32 $0x51A00, s0;
	s0 =	sadd.s32 $0x166A00, s0;
	s13 =	smul.u32 $0xA000, s18  }
0x8: {  	s20 =	sadd.s32 $0x96000, s1;
	p0 =	seq.s32 s18, $0xF;
	s10 =	smul.u32 $0xA0000, s3  }
0x9: {  	s18 =	simm.s32 $0x5;
	_ =	strace $0x8000004A;
	s11 =	smul.u32 $0x138800, s3  }
0xa: {  	s8 =	ssub.s32 $0x2, s3;
	[dreg:$0x4] =	wrdreg s20;
	s3 =	sshllo.u32 s3, $0x1  }
0xb: {  	s20 =	simm.s32 $0x100;
	s9 =	sshrl.u32 s8, $0x1;
	s15 =	smul.u32 $0x50000, s3  }
0xc: {  	s7 =	sshrl.u32 s7, $0x2;
	s3 =	smul.u32 $0x9C400, s3;
	s17 =	ssub.s32 s8, s9  }
0xd: {  	s19 =	sadd.s32 s12, s10;
	s7 =	sadd.s32 s7, s1;
	s22 =	sadd.s32 s13, s11  }
0xe: {  	s24 =	sshrl.u32 s11, $0x3;
	s11 =	sadd.s32 s13, s1;
	[dreg:$0x3] =	wrdreg s7  }
0xf: {  	s21 =	sshrl.u32 s19, $0x3;
	s23 =	sshrl.u32 s22, $0x3;
	s7 =	sadd.s32 s0, s24  }
0x10: {  	s15 =	sadd.s32 s12, s15;
	s26 =	sadd.s32 s13, s3;
	s3 =	sshrl.u32 s3, $0x3  }
0x11: {  	s17 =	smax.u32 s17, $0x1;
	s19 =	simm.s32 $0x5000;
	s22 =	simm.s32 $0x1  }
0x12: {  	s24 =	simm.s32 $0x2;
	s8 =	sadd.s32 s6, s21;
	s9 =	sadd.s32 s14, s21  }
.Ltmp0:
0x13: {  	s10 =	sadd.s32 s0, s23;
	s12 =	sadd.s32 $0x12C00, s7;
	(pc) =	sbr.rel .LBB2_1-.Ltmp0, $4  }
0x14: {  	s25 =	sshrl.u32 s15, $0x3;
	s31 =	sshrl.u32 s26, $0x3;
	s21 =	simm.s32 $0xA000  }
0x15: {  	s23 =	simm.s32 $0xE000;
	s26 =	simm.s32 $0x3;
	[dreg:$0x5] =	wrdreg s8  }
0x16: {  	s13 =	sadd.s32 s6, s25;
	s15 =	sadd.s32 s0, s31;
	s0 =	sadd.s32 s0, s3  }
0x17: {  	s14 =	sadd.s32 s14, s25;
	s25 =	simm.s32 $0x5100;
	s16 =	sadd.s32 $0x12C00, s0  }
.LBB2_7:
0x18: {  	_ =	swait.ge [sflag:s29], $0x4000  }
0x19: {  	[sflag:s29] =	ssyncset.done $0x0  }
0x1a: {  	[sflag:s29] =	ssyncadd.s32 $0xFFFFC000  }
0x1b: {  	s3 =	simm.s32 @p0 $0x1FC5;
	[bflag:$0x0] =	sbarrier.arrive $0xFFFF  }
0x1c: {  	[hbm:s16], [sflag:s3] =	dma.local @p0 [spmem:s31], $0xC80  }
0x1d: {  	s3 =	simm.s32 @p0 $0x5  }
0x1e: {  	_ =	swait.ge @p0 [sflag:s3], $0xC80  }
0x1f: {  	s30 =	sadd.s32 $0x1, s30;
	[sflag:s3] =	ssyncset.done @p0 $0x0  }
0x20: {  	p1 =	sne.s32 s30, s17;
	[sflag:s3] =	ssyncadd.s32 @p0 $0xFFFFF380  }
0x21: {  	[hbm:s15], [sflag:s0] =	dma.local @!p0 [spmem:s6], $0x1400  }
.Ltmp1:
0x22: {  	_ = 	snop;
	(pc) =	sbr.rel @!p1 .LBB2_8-.Ltmp1, $4  }
0x23: {  	s0 =	simm.s32 @!p0 $0x5  }
0x24: {  	_ =	swait.ge @!p0 [sflag:s0], $0x1400  }
0x25: {  	[sflag:s0] =	ssyncset.done @!p0 $0x0  }
0x26: {  	[sflag:s0] =	ssyncadd.s32 @!p0 $0xFFFFEC00  }
.LBB2_1:
0x27: {  	s0 =	rddreg [dreg:$0x4]  }
0x28: {  	s31 =	sshrl.u32 @p0 s0, $0x3;
	s0 =	simm.s32 @p0 $0x1FC5  }
0x29: {  	[spmem:s31], [sflag:s0] =	dma.local @p0 [hbm:s5], $0xC80  }
0x2a: {  	s0 =	simm.s32 @p0 $0x5  }
0x2b: {  	s3 =	stileid.u32;
	_ =	swait.ge @p0 [sflag:s0], $0xC80  }
0x2c: {  	s3 =	sshll.u32 @!p0 s3, $0x6;
	[sflag:s0] =	ssyncset.done @p0 $0x0  }
0x2d: {  	[sflag:s0] =	ssyncadd.s32 @p0 $0xFFFFF380;
	s0 =	sor.u32 @!p0 $0x1C05, s3;
	s3 =	rddreg [dreg:$0x3]  }
0x2e: {  	s6 =	simm.s32 @!p0 $0x5;
	s3 =	sshrl.u32 @!p0 s3, $0x3  }
0x2f: {  	[spmem:s3], [sflag:s0] =	dma.local @!p0 [hbm:s5], $0x1400  }
0x30: {  	_ =	swait.ge @!p0 [sflag:s6], $0x1400  }
0x31: {  	[sflag:s6] =	ssyncset.done @!p0 $0x0  }
0x32: {  	s8 =	rddreg [dreg:$0x5];
	[sflag:s6] =	ssyncadd.s32 @!p0 $0xFFFFEC00  }
0x33: {  	[tilespmem:s2], [sflag:$0x5] =	stream.linear.gather [hbm4b:s8+s2], $0x5000, $0x38;
	[tilespmem:$0x1BC60] =	vst v63  }
0x34: {  	_ =	swait.ge [sflag:s18], $0x5000  }
0x35: {  	[sflag:s18] =	ssyncset.done $0x0  }
0x36: {  	[sflag:s18] =	ssyncadd.s32 $0xFFFFB000  }
0x37: {  	[tilespmem:s19], [sflag:$0x5] =	stream.linear.gather [hbm4b:s9+s2], $0x5000, $0x38;
	[tilespmem:$0x1BC60] =	vst v63  }
0x38: {  	_ =	swait.ge [sflag:s18], $0x5000  }
0x39: {  	[sflag:s18] =	ssyncset.done $0x0  }
0x3a: {  	[sflag:s18] =	ssyncadd.s32 $0xFFFFB000  }
0x3b: {  	[bflag:$0x0] =	sbarrier.arrive $0xFFFF  }
0x3c: {  	[tilespmem:s21], [sflag:$0x1] =	stream.indirect.gather [hbm4b:s4+s20], $0x40, s2, s20, $0xb8;
	[tilespmem:$0x1BC60] =	vst v63  }
0x3d: {  	_ =	swait.ge [sflag:s22], $0x4000  }
0x3e: {  	[sflag:s22] =	ssyncset.done $0x0  }
0x3f: {  	[sflag:s22] =	ssyncadd.s32 $0xFFFFC000  }
0x40: {  	[spmem:s1] =	stream.indirect.scatter.add.f32 [tilespmem:s21], [sflag:$0x3], $0x40, s19, s20, $0xb8;
	[tilespmem:$0x1BC60] =	vst v63  }
0x41: {  	_ = 	snop  }
0x42: {  	[tilespmem:s23], [sflag:$0x2] =	stream.indirect.gather [hbm4b:s4+s20], $0x40, s20, s20, $0xb8;
	[tilespmem:$0x1BC60] =	vst v63  }
0x43: {  	_ =	swait.ge [sflag:s24], $0x4000  }
0x44: {  	[sflag:s24] =	ssyncset.done $0x0  }
0x45: {  	[sflag:s24] =	ssyncadd.s32 $0xFFFFC000  }
0x46: {  	[spmem:s1] =	stream.indirect.scatter.add.f32 [tilespmem:s23], [sflag:$0x4], $0x40, s25, s20, $0xb8;
	[tilespmem:$0x1BC60] =	vst v63  }
0x47: {  	_ =	swait.ge [sflag:s26], $0x4000  }
0x48: {  	[sflag:s26] =	ssyncset.done $0x0  }
0x49: {  	s6 =	simm.s32 $0xFFFED000;
	[sflag:s26] =	ssyncadd.s32 $0xFFFFC000  }
0x4a: {  	[tilespmem:s21], [sflag:$0x1] =	stream.indirect.gather [hbm4b:s4+s20], $0x40, s28, s20, $0xb8;
	[tilespmem:$0x1BC60] =	vst v63  }
.LBB2_2:
0x4b: {  	_ =	swait.ge [sflag:s22], $0x4000  }
0x4c: {  	s7 =	sshra.s32 s6, $0x2;
	[sflag:s22] =	ssyncset.done $0x0  }
0x4d: {  	s8 =	sadd.s32 $0x9E00, s7;
	[sflag:s22] =	ssyncadd.s32 $0xFFFFC000  }
0x4e: {  	[spmem:s1] =	stream.indirect.scatter.add.f32 [tilespmem:s21], [sflag:$0x3], $0x40, s8, s20, $0xb8;
	[tilespmem:$0x1BC60] =	vst v63  }
0x4f: {  	_ =	swait.ge [sflag:s29], $0x4000  }
0x50: {  	[sflag:s29] =	ssyncset.done $0x0  }
0x51: {  	s8 =	sadd.s32 $0x4F00, s7;
	[sflag:s29] =	ssyncadd.s32 $0xFFFFC000  }
0x52: {  	[tilespmem:s23], [sflag:$0x2] =	stream.indirect.gather [hbm4b:s4+s20], $0x40, s8, s20, $0xb8;
	[tilespmem:$0x1BC60] =	vst v63  }
0x53: {  	_ =	swait.ge [sflag:s24], $0x4000  }
0x54: {  	p1 =	seq.s32 s6, $0x0;
	[sflag:s24] =	ssyncset.done $0x0  }
.Ltmp2:
0x55: {  	s8 =	sadd.s32 $0x9F00, s7;
	[sflag:s24] =	ssyncadd.s32 $0xFFFFC000;
	(pc) =	sbr.rel @p1 .LBB2_4-.Ltmp2, $4  }
0x56: {  	[spmem:s1] =	stream.indirect.scatter.add.f32 [tilespmem:s23], [sflag:$0x4], $0x40, s8, s20, $0xb8;
	[tilespmem:$0x1BC60] =	vst v63  }
0x57: {  	_ =	swait.ge [sflag:s26], $0x4000  }
0x58: {  	[sflag:s26] =	ssyncset.done $0x0  }
0x59: {  	[sflag:s26] =	ssyncadd.s32 $0xFFFFC000  }
.Ltmp3:
0x5a: {  	(pc) =	sbr.rel .LBB2_2-.Ltmp3, $3  }
0x5b: {  	_ =	sdelay $0x1  }
0x5c: {  	s7 =	sadd.s32 $0x5000, s7;
	s6 =	sadd.s32 $0x800, s6  }
0x5d: {  	[tilespmem:s21], [sflag:$0x1] =	stream.indirect.gather [hbm4b:s4+s20], $0x40, s7, s20, $0xb8;
	[tilespmem:$0x1BC60] =	vst v63  }
.LBB2_4:
0x5e: {  	_ =	swait.ge [sflag:s29], $0x4000  }
0x5f: {  	[sflag:s29] =	ssyncset.done $0x0  }
0x60: {  	[sflag:s29] =	ssyncadd.s32 $0xFFFFC000  }
0x61: {  	s6 =	simm.s32 @p0 $0x1FC5;
	s7 =	simm.s32 @p0 $0x5;
	[bflag:$0x0] =	sbarrier.arrive $0xFFFF  }
0x62: {  	[hbm:s12], [sflag:s6] =	dma.local @p0 [spmem:s31], $0xC80  }
0x63: {  	_ =	swait.ge @p0 [sflag:s7], $0xC80  }
0x64: {  	[sflag:s7] =	ssyncset.done @p0 $0x0  }
0x65: {  	[sflag:s7] =	ssyncadd.s32 @p0 $0xFFFFF380  }
0x66: {  	[spmem:s31], [sflag:s6] =	dma.local @p0 [hbm:s5], $0xC80  }
0x67: {  	_ =	swait.ge @p0 [sflag:s7], $0xC80  }
0x68: {  	[sflag:s7] =	ssyncset.done @p0 $0x0  }
0x69: {  	s6 =	sshrl.u32 @!p0 s11, $0x3;
	[sflag:s7] =	ssyncadd.s32 @p0 $0xFFFFF380;
	s7 =	simm.s32 @!p0 $0x5  }
0x6a: {  	[hbm:s10], [sflag:s0] =	dma.local @!p0 [spmem:s6], $0x1400  }
0x6b: {  	_ =	swait.ge @!p0 [sflag:s7], $0x1400  }
0x6c: {  	[sflag:s7] =	ssyncset.done @!p0 $0x0  }
0x6d: {  	[sflag:s7] =	ssyncadd.s32 @!p0 $0xFFFFEC00  }
0x6e: {  	[spmem:s3], [sflag:s0] =	dma.local @!p0 [hbm:s5], $0x1400  }
0x6f: {  	_ =	swait.ge @!p0 [sflag:s7], $0x1400  }
0x70: {  	[sflag:s7] =	ssyncset.done @!p0 $0x0  }
0x71: {  	[sflag:s7] =	ssyncadd.s32 @!p0 $0xFFFFEC00  }
0x72: {  	[tilespmem:s2], [sflag:$0x5] =	stream.linear.gather [hbm4b:s13+s2], $0x5000, $0x38;
	[tilespmem:$0x1BC60] =	vst v63  }
0x73: {  	_ =	swait.ge [sflag:s18], $0x5000  }
0x74: {  	[sflag:s18] =	ssyncset.done $0x0  }
0x75: {  	[sflag:s18] =	ssyncadd.s32 $0xFFFFB000  }
0x76: {  	[tilespmem:s19], [sflag:$0x5] =	stream.linear.gather [hbm4b:s14+s2], $0x5000, $0x38;
	[tilespmem:$0x1BC60] =	vst v63  }
0x77: {  	_ =	swait.ge [sflag:s18], $0x5000  }
0x78: {  	[sflag:s18] =	ssyncset.done $0x0  }
0x79: {  	[sflag:s18] =	ssyncadd.s32 $0xFFFFB000  }
0x7a: {  	[bflag:$0x0] =	sbarrier.arrive $0xFFFF  }
0x7b: {  	[tilespmem:s21], [sflag:$0x1] =	stream.indirect.gather [hbm4b:s4+s20], $0x40, s2, s20, $0xb8;
	[tilespmem:$0x1BC60] =	vst v63  }
0x7c: {  	_ =	swait.ge [sflag:s22], $0x4000  }
0x7d: {  	[sflag:s22] =	ssyncset.done $0x0  }
0x7e: {  	[sflag:s22] =	ssyncadd.s32 $0xFFFFC000  }
0x7f: {  	[spmem:s1] =	stream.indirect.scatter.add.f32 [tilespmem:s21], [sflag:$0x3], $0x40, s19, s20, $0xb8;
	[tilespmem:$0x1BC60] =	vst v63  }
0x80: {  	_ = 	snop  }
0x81: {  	[tilespmem:s23], [sflag:$0x2] =	stream.indirect.gather [hbm4b:s4+s20], $0x40, s20, s20, $0xb8;
	[tilespmem:$0x1BC60] =	vst v63  }
0x82: {  	_ =	swait.ge [sflag:s24], $0x4000  }
0x83: {  	[sflag:s24] =	ssyncset.done $0x0  }
0x84: {  	[sflag:s24] =	ssyncadd.s32 $0xFFFFC000  }
0x85: {  	[spmem:s1] =	stream.indirect.scatter.add.f32 [tilespmem:s23], [sflag:$0x4], $0x40, s25, s20, $0xb8;
	[tilespmem:$0x1BC60] =	vst v63  }
0x86: {  	_ =	swait.ge [sflag:s26], $0x4000  }
0x87: {  	[sflag:s26] =	ssyncset.done $0x0  }
0x88: {  	s3 =	simm.s32 $0xFFFED000;
	[sflag:s26] =	ssyncadd.s32 $0xFFFFC000  }
0x89: {  	[tilespmem:s21], [sflag:$0x1] =	stream.indirect.gather [hbm4b:s4+s20], $0x40, s28, s20, $0xb8;
	[tilespmem:$0x1BC60] =	vst v63  }
.LBB2_5:
0x8a: {  	_ =	swait.ge [sflag:s22], $0x4000  }
0x8b: {  	s7 =	sshra.s32 s3, $0x2;
	[sflag:s22] =	ssyncset.done $0x0  }
0x8c: {  	s8 =	sadd.s32 $0x9E00, s7;
	[sflag:s22] =	ssyncadd.s32 $0xFFFFC000  }
0x8d: {  	[spmem:s1] =	stream.indirect.scatter.add.f32 [tilespmem:s21], [sflag:$0x3], $0x40, s8, s20, $0xb8;
	[tilespmem:$0x1BC60] =	vst v63  }
0x8e: {  	_ =	swait.ge [sflag:s29], $0x4000  }
0x8f: {  	[sflag:s29] =	ssyncset.done $0x0  }
0x90: {  	s8 =	sadd.s32 $0x4F00, s7;
	[sflag:s29] =	ssyncadd.s32 $0xFFFFC000  }
0x91: {  	[tilespmem:s23], [sflag:$0x2] =	stream.indirect.gather [hbm4b:s4+s20], $0x40, s8, s20, $0xb8;
	[tilespmem:$0x1BC60] =	vst v63  }
0x92: {  	_ =	swait.ge [sflag:s24], $0x4000  }
0x93: {  	p1 =	seq.s32 s3, $0x0;
	[sflag:s24] =	ssyncset.done $0x0  }
.Ltmp4:
0x94: {  	s8 =	sadd.s32 $0x9F00, s7;
	[sflag:s24] =	ssyncadd.s32 $0xFFFFC000;
	(pc) =	sbr.rel @p1 .LBB2_7-.Ltmp4, $4  }
0x95: {  	[spmem:s1] =	stream.indirect.scatter.add.f32 [tilespmem:s23], [sflag:$0x4], $0x40, s8, s20, $0xb8;
	[tilespmem:$0x1BC60] =	vst v63  }
0x96: {  	_ =	swait.ge [sflag:s26], $0x4000  }
0x97: {  	[sflag:s26] =	ssyncset.done $0x0  }
0x98: {  	[sflag:s26] =	ssyncadd.s32 $0xFFFFC000  }
.Ltmp5:
0x99: {  	(pc) =	sbr.rel .LBB2_5-.Ltmp5, $3  }
0x9a: {  	_ =	sdelay $0x1  }
0x9b: {  	s7 =	sadd.s32 $0x5000, s7;
	s3 =	sadd.s32 $0x800, s3  }
0x9c: {  	[tilespmem:s21], [sflag:$0x1] =	stream.indirect.gather [hbm4b:s4+s20], $0x40, s7, s20, $0xb8;
	[tilespmem:$0x1BC60] =	vst v63  }
.LBB2_8:
0x9d: {  	_ =	sfence.sel $0x180000  }
0x9e: {  	[bflag:$0x0] =	sbarrier.arrive $0xFFFF  }
0x9f: {  	_ =	strace $0x9000004A  }
0xa0: {  	s0 =	stileid.u32;
	[bflag:$0x2] =	sbarrier.arrive $0xFFFF  }
0xa1: {  	p0 =	sne.s32 s0, $0x0;
	s0 =	rddreg [dreg:$0x2]  }
0xa2: {  	s0 =	sadd.s32 @!p0 $0x100000, s0  }
0xa3: {  	[sflag:s0] =	ssyncadd.tile.s32 @!p0 $0x1;
	_ =	shalt  }
.Lfunc_end2:
_tile_overlayer_lowered:
.L_overlay_start_2:
0xa4: {  	(tag) =	ssettag $0x2  }
0xa5: {  	s0 =	rddreg [dreg:$0x0];
	s2 =	stileid.u32  }
0xa6: {  	s1 =	rddreg [dreg:$0x1];
	p0 =	sne.s32 s2, $0x0  }
0xa7: {  	s3 =	rddreg [dreg:$0x2];
	[bflag:$0x3] =	sbarrier.arrive $0xFFFF;
	s2 =	simm.s32 @!p0 $0x1C05  }
0xa8: {  	[timem:s3], [sflag:s2] =	dma.local @!p0 [hbm:s0], s1  }
0xa9: {  	s0 =	simm.s32 @!p0 $0x5  }
0xaa: {  	_ =	swait.ge @!p0 [sflag:s0], s1  }
0xab: {  	s1 =	ssub.s32 @!p0 $0x0, s1;
	[sflag:s0] =	ssyncset.done @!p0 $0x0  }
0xac: {  	[sflag:s0] =	ssyncadd.s32 @!p0 s1  }
0xad: {  	[bflag:$0x3] =	sbarrier.arrive $0xFFFF  }
0xae: {  	_ =	shalt  }

// kernel: kernel.14.cloned.1.call-start
scs
__scs_entry_jumppad:
0x0: {  	(pc) =	sbr.rel $0x88, $3  }
0x1: {  	(tag) =	ssettag $0x0;
	lr =	simm.s32 $0x1  }
0x2: {  	[smem:$0x3F96] =	sst lr;
	_ =	strace $0xD0000000  }
0x3: {  	_ = 	snop  }
0x4: {  	_ = 	snop  }
0x5: {  	_ = 	snop  }
0x6: {  	_ = 	snop  }
0x7: {  	_ = 	snop  }
__scs_overlays_trampoline_lowered:
0x8: {  	[smem:$0x3FA5] =	sst s0  }
0x9: {  	[smem:$0x3FA6] =	sst s1  }
0xa: {  	[smem:$0x3FA7] =	sst s2  }
0xb: {  	[smem:$0x3FA8] =	sst s3  }
0xc: {  	[smem:$0x3FA9] =	sst s4  }
0xd: {  	[smem:$0x3FAA] =	sst s5  }
0xe: {  	[smem:$0x3FAB] =	sst s6  }
0xf: {  	[smem:$0x3FAC] =	sst s7  }
0x10: {  	[smem:$0x3FAD] =	sst s8  }
0x11: {  	[smem:$0x3FAE] =	sst s9;
	s0 =	simm.s32 @!p0 $0x0  }
0x12: {  	s1 =	sld [smem:$0x3F94];
	s0 =	simm.s32 @p0 $0x1  }
0x13: {  	[smem:$0x3FAF] =	sst s0;
	s0 =	simm.s32 @!p1 $0x0  }
0x14: {  	s2 =	sld [smem:$0x3F93];
	s0 =	simm.s32 @p1 $0x1  }
0x15: {  	[smem:$0x3FB0] =	sst s0;
	s0 =	simm.s32 @!p2 $0x0  }
0x16: {  	s3 =	sld [smem:$0x3FDB];
	s0 =	simm.s32 @p2 $0x1  }
0x17: {  	s4 =	simm.s32 $0x1BF5;
	[smem:$0x3FB2] =	sst s0  }
0x18: {  	s0 =	sld [smem:$0x3F95];
	_ =	swait.ge [sflag:s4], $0x0  }
0x19: {  	s7 =	sld [smem:$0x3F96]  }
0x1a: {  	s8 =	sadd.s32 $0xFFFFE003, lr  }
0x1b: {  	s9 =	sadd.s32 $0xFFFFFEF7, lr;
	s5 =	simm.s32 $0xFFFFFFFF;
	p2 =	slt.u32 s8, $0xFFFFF086  }
0x1c: {  	p1 =	slt.u32 s9, $0xF7A;
	s5 =	simm.s32 @!p2 $0x0  }
0x1d: {  	s5 =	simm.s32 @p1 $0x1;
	p0 =	seq.s32 s7, s2  }
0x1e: {  	s7 =	smul.u32 @!p0 $0xF7A, s2;
	p2 =	seq.s32 @!p0 s5, $0x0  }
0x1f: {  	s9 =	smul.u32 $0xF7A, s1;
	s8 =	simm.s32 @!p0 $0x1BF5;
	p2 =	por !p2, p0  }
0x20: {  	[sflag:s8] =	ssyncset.s32 @!p0 $0xFFFFF086;
	s6 =	sadd.s32 @!p0 s3, s7;
	s7 =	simm.s32 @!p0 $0x108  }
0x21: {  	s3 =	sadd.s32 s3, s9;
	s6 =	sadd.s32 @!p0 $0x88, s6;
	s7 =	simm.s32 @p2 $0x1082  }
0x22: {  	[simem:s7], [sflag:s8] =	dma.local @!p0 [hbm:s6], $0xF7A  }
0x23: {  	s9 =	sor.u32 $0xD0000000, s2;
	s6 =	simm.s32 $0x108;
	_ =	swait.ge @!p0 [sflag:s8], $0x0  }
0x24: {  	s3 =	sadd.s32 $0x88, s3;
	s6 =	simm.s32 @!p1 $0x1082;
	[sflag:s4] =	ssyncset.s32 $0xFFFFF086  }
0x25: {  	[simem:s6], [sflag:s4] =	dma.local [hbm:s3], $0xF7A  }
0x26: {  	[smem:$0x3F96] =	sst s1;
	(tag) =	ssettag s2;
	_ =	strace s9  }
0x27: {  	s1 =	sld [smem:$0x3FA6]  }
0x28: {  	s2 =	sld [smem:$0x3FA7]  }
0x29: {  	s4 =	sld [smem:$0x3FA9]  }
0x2a: {  	p0 =	seq.s32 s5, $0x0;
	s5 =	sld [smem:$0x3FAA]  }
0x2b: {  	s6 =	sld [smem:$0x3FAB]  }
0x2c: {  	s7 =	sld [smem:$0x3FAC]  }
0x2d: {  	s3 =	simm.s32 $0x108;
	s8 =	sld [smem:$0x3FAD]  }
0x2e: {  	s3 =	simm.s32 @!p0 $0x1082;
	s9 =	sld [smem:$0x3FAE]  }
0x2f: {  	lr =	sadd.s32 s0, s3;
	s0 =	sld [smem:$0x3FA5]  }
0x30: {  	s3 =	sld [smem:$0x3FA8]  }
0x31: {  	[smem:$0x3FB1] =	sst s10  }
0x32: {  	s10 =	sld [smem:$0x3FAF];
	_ =	sdelay $0x3  }
0x33: {  	p0 =	seq.s32 s10, $0x1;
	s10 =	sld [smem:$0x3FB1];
	_ =	sdelay $0x3  }
0x34: {  	[smem:$0x3FB1] =	sst s10  }
0x35: {  	s10 =	sld [smem:$0x3FB0];
	_ =	sdelay $0x3  }
0x36: {  	p1 =	seq.s32 s10, $0x1;
	s10 =	sld [smem:$0x3FB1];
	_ =	sdelay $0x3  }
0x37: {  	[smem:$0x3FB1] =	sst s10  }
0x38: {  	s10 =	sld [smem:$0x3FB2]  }
0x39: {  	_ = 	snop;
	(pc) =	sbr.ind lr, $3  }
0x3a: {  	_ = 	snop  }
0x3b: {  	_ = 	snop  }
0x3c: {  	p2 =	seq.s32 s10, $0x1;
	s10 =	sld [smem:$0x3FB1]  }
0x3d: {  	_ =	shalt  }
0x3e: {  	_ =	shalt  }
0x3f: {  	_ =	shalt  }
0x40: {  	_ =	shalt  }
0x41: {  	_ =	shalt  }
0x42: {  	_ =	shalt  }
0x43: {  	_ =	shalt  }
0x44: {  	_ =	shalt  }
0x45: {  	_ =	shalt  }
0x46: {  	_ =	shalt  }
0x47: {  	_ =	shalt  }
0x48: {  	_ =	shalt  }
0x49: {  	_ =	shalt  }
0x4a: {  	_ =	shalt  }
0x4b: {  	_ =	shalt  }
0x4c: {  	_ =	shalt  }
0x4d: {  	_ =	shalt  }
0x4e: {  	_ =	shalt  }
0x4f: {  	_ =	shalt  }
0x50: {  	_ =	shalt  }
0x51: {  	_ =	shalt  }
0x52: {  	_ =	shalt  }
0x53: {  	_ =	shalt  }
0x54: {  	_ =	shalt  }
0x55: {  	_ =	shalt  }
0x56: {  	_ =	shalt  }
0x57: {  	_ =	shalt  }
0x58: {  	_ =	shalt  }
0x59: {  	_ =	shalt  }
0x5a: {  	_ =	shalt  }
0x5b: {  	_ =	shalt  }
0x5c: {  	_ =	shalt  }
0x5d: {  	_ =	shalt  }
0x5e: {  	_ =	shalt  }
0x5f: {  	_ =	shalt  }
0x60: {  	_ =	shalt  }
0x61: {  	_ =	shalt  }
0x62: {  	_ =	shalt  }
0x63: {  	_ =	shalt  }
0x64: {  	_ =	shalt  }
0x65: {  	_ =	shalt  }
0x66: {  	_ =	shalt  }
0x67: {  	_ =	shalt  }
0x68: {  	_ =	shalt  }
0x69: {  	_ =	shalt  }
0x6a: {  	_ =	shalt  }
0x6b: {  	_ =	shalt  }
0x6c: {  	_ =	shalt  }
0x6d: {  	_ =	shalt  }
0x6e: {  	_ =	shalt  }
0x6f: {  	_ =	shalt  }
0x70: {  	_ =	shalt  }
0x71: {  	_ =	shalt  }
0x72: {  	_ =	shalt  }
0x73: {  	_ =	shalt  }
0x74: {  	_ =	shalt  }
0x75: {  	_ =	shalt  }
0x76: {  	_ =	shalt  }
0x77: {  	_ =	shalt  }
0x78: {  	_ =	shalt  }
0x79: {  	_ =	shalt  }
0x7a: {  	_ =	shalt  }
0x7b: {  	_ =	shalt  }
0x7c: {  	_ =	shalt  }
0x7d: {  	_ =	shalt  }
0x7e: {  	_ =	shalt  }
0x7f: {  	_ =	shalt  }
0x80: {  	_ =	shalt  }
0x81: {  	_ =	shalt  }
0x82: {  	_ =	shalt  }
0x83: {  	_ =	shalt  }
0x84: {  	_ =	shalt  }
0x85: {  	_ =	shalt  }
0x86: {  	_ =	shalt  }
0x87: {  	_ =	shalt  }
.Lfunc_end0:
.L_simem_size_0:
called_computation.2_lowered:
.L_overlay_start_0:
0x88: {  	s2 =	sld [smem:$0x3FD9]  }
0x89: {  	s3 =	sld [smem:$0x3FFE];
	_ =	sdelay $0x1  }
0x8a: {  	s1 =	srdreg.scid  }
0x8b: {  	s0 =	sand.u32 $0x1, s1  }
0x8c: {  	s17 =	sshll.u32 s0, $0xA;
	s2 =	sadd.s32 s3, s2  }
0x8d: {  	s2 =	sadd.s32 s2, s17  }
0x8e: {  	[smem:$0x3FBD] =	sst s2  }
0x8f: {  	_ = 	snop  }
0x90: {  	s2 =	sld [smem:$0x3FD0];
	(tm) =	ssettm $0x1  }
0x91: {  	s18 =	sld [smem:$0x3FFB];
	_ =	sdelay $0x3  }
0x92: {  	_ =	strace s18  }
0x93: {  	s3 =	sld [smem:$0x3FFC];
	_ =	sdelay $0x3  }
0x94: {  	_ =	strace s3  }
0x95: {  	s3 =	sld [smem:$0x3FFD];
	_ =	sdelay $0x3  }
0x96: {  	_ =	strace s3  }
0x97: {  	_ =	strace $0x8FFFFFFF  }
0x98: {  	s19 =	sld [smem:$0x3FDB];
	_ =	sdelay $0x1  }
0x99: {  	s4 =	simm.s32 $_scs_section_size  }
0x9a: {  	s5 =	simm.s32 $_size__tile_overlayer_lowered;
	s6 =	simm.s32 $_tile_overlayer_lowered  }
0x9b: {  	s22 =	simm.s32 $0x1BFF;
	s21 =	sshll.u32 s6, $0x1;
	s3 =	sadd.s32 s4, s19  }
0x9c: {  	s7 =	simm.s32 $0x0;
	s20 =	sshll.u32 s5, $0x1;
	s5 =	sadd.s32 s21, s3  }
0x9d: {  	[timem:s7], [sflag:s22] =	dma.local [hbm:s5], s20  }
0x9e: {  	_ =	swait.ge [sflag:s22], s20  }
0x9f: {  	s4 =	ssub.s32 $0x0, s20;
	[sflag:s22] =	ssyncset.done $0x0  }
0xa0: {  	[sflag:s22] =	ssyncadd.s32 s4;
	_ =	sdelay $0x1  }
0xa1: {  	s23 =	simm.s32 $0x1B8B  }
0xa2: {  	_ =	swait.ge [sflag:s23], $0x1  }
0xa3: {  	[sflag:s23] =	ssyncset.done $0x0  }
0xa4: {  	s25 =	simm.s32 $0x1B8E;
	s24 =	sld [smem:$0x3FFE];
	[sflag:s23] =	ssyncadd.s32 $0xFFFFFFFF  }
0xa5: {  	s26 =	simm.s32 $execute0_lowered;
	[smem:$0x3FD2] =	sst s25  }
0xa6: {  	s5 =	sshll.u32 s26, $0x1;
	_ =	strace $0x8000004C;
	[dreg:$0x1] =	wrdreg $0xFFFFFFFF  }
0xa7: {  	s28 =	simm.s32 $_size_execute0_lowered;
	s3 =	sadd.s32 s3, s5;
	[dreg:$0x0] =	wrdreg $0x0  }
0xa8: {  	s5 =	sshll.u32 s28, $0x1;
	[dreg:$0x2] =	wrdreg s3  }
0xa9: {  	[dreg:$0x3] =	wrdreg s5  }
0xaa: {  	[dreg:$0x4] =	wrdreg $0xC0  }
0xab: {  	_ =	task [dreg:s7], $0x5FFFF  }
0xac: {  	[dreg:$0x1] =	wrdreg $0xFFFFFFFF  }
0xad: {  	[dreg:$0x0] =	wrdreg $0x60  }
0xae: {  	[dreg:$0x2] =	wrdreg s2  }
0xaf: {  	[dreg:$0x3] =	wrdreg s24  }
0xb0: {  	[dreg:$0x4] =	wrdreg $0xD0000  }
0xb1: {  	[dreg:$0x5] =	wrdreg $0x9  }
0xb2: {  	_ =	task.clear_ibuf [dreg:s7], $0x6FFFF;
	_ =	strace $0x9000004C  }
0xb3: {  	s29 =	simm.s32 $0x9;
	_ =	strace $0x8000004E  }
0xb4: {  	_ =	swait.ge [sflag:s29], $0x1  }
0xb5: {  	[sflag:s29] =	ssyncadd.s32 $0xFFFFFFFF  }
0xb6: {  	_ =	strace $0x9000004E  }
0xb7: {  	_ =	sfence  }
0xb8: {  	s30 =	sld [smem:$0x0];
	_ =	sdelay $0x2  }
0xb9: {  	s31 =	sshll.u32 s1, $0xD;
	s1 =	sshrl.u32 s1, $0x2  }
0xba: {  	s3 =	sand.u32 $0x4000, s31;
	s1 =	sadd.s32 s1, s30  }
0xbb: {  	s0 =	sor.u32 s3, s0;
	s1 =	sshll.u32 s1, $0x11  }
0xbc: {  	s0 =	sor.u32 s1, s0  }
0xbd: {  	s0 =	sadd.s32 $0x8F2B, s0  }
0xbe: {  	[sflag:s0] =	ssyncadd.remote.s32 $0x1  }
0xbf: {  	_ =	sfence.sel $0xFFFF  }
0xc0: {  	[dreg:$0x0] =	wrdreg $0xFFFFFFFF;
	(pc) =	sbr.abs _section_cstart, $3  }
0xc1: {  	[dreg:$0x1] =	wrdreg $0xFFFFFFFF  }
0xc2: {  	_ =	task.clear_ibuf [dreg:s7], $0x2FFFF;
	_ =	strace $0x9FFFFFFF  }
0xc3: {  	(tm) =	ssettm $0x7FFFFFFF  }
tec
execute0_lowered:
.L_overlay_start_1:
0x0: {  	(tag) =	ssettag $0x1  }
0x1: {  	s1 =	rddreg [dreg:$0x0]  }
0x2: {  	s6 =	rddreg [dreg:$0x1]  }
0x3: {  	s0 =	srdreg.scid;
	s3 =	rddreg [dreg:$0x2]  }
0x4: {  	s2 =	rddreg [dreg:$0x3];
	s4 =	simm.s32 $0x0;
	s16 =	simm.s32 $0x100  }
0x5: {  	s17 =	simm.s32 $0x5000;
	s18 =	simm.s32 $0x1;
	s19 =	simm.s32 $0x9000  }
0x6: {  	s20 =	simm.s32 $0x2;
	s21 =	simm.s32 $0x2900;
	s22 =	simm.s32 $0x3  }
0x7: {  	s23 =	simm.s32 $0x200;
	s24 =	simm.s32 $0x4;
	s5 =	sand.u32 $0x1, s0  }
0x8: {  	s26 =	simm.s32 $0x0;
	s0 =	stileid.u32;
	s7 =	smul.u32 $0x28000, s5  }
0x9: {  	[smem:$0x7FF] =	sst s4;
	s13 =	sadd.s32 $0x2800, s6;
	s8 =	smul.u32 $0x2800, s0  }
0xa: {  	s15 =	sadd.s32 $0x96000, s3;
	_ =	strace $0x8000004D;
	s28 =	smul.u32 $0x28000, s0  }
0xb: {  	s9 =	ssub.s32 $0x2, s5;
	s10 =	smul.u32 $0x9C400, s5;
	s5 =	sadd.s32 $0x51A00, s6  }
0xc: {  	s12 =	smul.u32 $0xA000, s0;
	p0 =	seq.s32 s0, $0xF;
	s11 =	sshrl.u32 s9, $0x1  }
0xd: {  	s7 =	sadd.s32 s8, s7;
	s11 =	ssub.s32 s9, s11;
	s29 =	sshrl.u32 s28, $0x2  }
0xe: {  	s30 =	sadd.s32 s12, s10;
	s31 =	sshrl.u32 s10, $0x3;
	s25 =	sadd.s32 s12, s3  }
0xf: {  	s12 =	sshll.u32 @!p0 s0, $0x6;
	s7 =	sshrl.u32 s7, $0x3;
	s14 =	sadd.s32 s29, s3  }
.Ltmp0:
0x10: {  	s8 =	sshrl.u32 s30, $0x3;
	s9 =	sadd.s32 s13, s31;
	(pc) =	sbr.rel .LBB2_1-.Ltmp0, $4  }
0x11: {  	s10 =	smax.u32 s11, $0x1;
	s11 =	sshrl.u32 @p0 s15, $0x3;
	s12 =	sor.u32 @!p0 $0x1C05, s12  }
0x12: {  	s15 =	simm.s32 $0x2800;
	s25 =	sshrl.u32 @!p0 s25, $0x3;
	s7 =	sadd.s32 s7, s6  }
0x13: {  	s8 =	sadd.s32 s13, s8;
	s9 =	sadd.s32 $0x12C00, s9;
	s13 =	sshrl.u32 @!p0 s14, $0x3  }
0x14: {  	s14 =	simm.s32 $0x5;
	s6 =	sadd.s32 $0x5D400, s7;
	s7 =	sadd.s32 $0x53400, s7  }
.LBB2_4:
0x15: {  	_ =	swait.ge [sflag:s24], $0x4000  }
0x16: {  	[sflag:s24] =	ssyncset.done $0x0  }
0x17: {  	[sflag:s24] =	ssyncadd.s32 $0xFFFFC000  }
0x18: {  	s28 =	simm.s32 @p0 $0x1FC5;
	[bflag:$0x0] =	sbarrier.arrive $0xFFFF  }
0x19: {  	[hbm:s9], [sflag:s28] =	dma.local @p0 [spmem:s11], $0xC80  }
0x1a: {  	s28 =	simm.s32 @p0 $0x5  }
0x1b: {  	s26 =	sadd.s32 $0x1, s26;
	_ =	swait.ge @p0 [sflag:s28], $0xC80  }
0x1c: {  	p1 =	sne.s32 s26, s10;
	[sflag:s28] =	ssyncset.done @p0 $0x0  }
.Ltmp1:
0x1d: {  	[sflag:s28] =	ssyncadd.s32 @p0 $0xFFFFF380;
	s28 =	simm.s32 @!p0 $0x5;
	(pc) =	sbr.rel @!p1 .LBB2_5-.Ltmp1, $4  }
0x1e: {  	[hbm:s8], [sflag:s12] =	dma.local @!p0 [spmem:s25], $0x1400  }
0x1f: {  	_ =	swait.ge @!p0 [sflag:s28], $0x1400  }
0x20: {  	[sflag:s28] =	ssyncset.done @!p0 $0x0  }
0x21: {  	[sflag:s28] =	ssyncadd.s32 @!p0 $0xFFFFEC00  }
.LBB2_1:
0x22: {  	s28 =	simm.s32 @p0 $0x1FC5  }
0x23: {  	[spmem:s11], [sflag:s28] =	dma.local @p0 [hbm:s5], $0xC80  }
0x24: {  	s28 =	simm.s32 @p0 $0x5  }
0x25: {  	_ =	swait.ge @p0 [sflag:s28], $0xC80  }
0x26: {  	[sflag:s28] =	ssyncset.done @p0 $0x0  }
0x27: {  	[sflag:s28] =	ssyncadd.s32 @p0 $0xFFFFF380;
	s28 =	simm.s32 @!p0 $0x5  }
0x28: {  	[spmem:s13], [sflag:s12] =	dma.local @!p0 [hbm:s5], $0x1400  }
0x29: {  	_ =	swait.ge @!p0 [sflag:s28], $0x1400  }
0x2a: {  	[sflag:s28] =	ssyncset.done @!p0 $0x0  }
0x2b: {  	[sflag:s28] =	ssyncadd.s32 @!p0 $0xFFFFEC00  }
0x2c: {  	[tilespmem:s4], [sflag:$0x5] =	stream.linear.gather [hbm4b:s6+s4], $0x2800, $0x38;
	[tilespmem:$0x16C60] =	vst v63  }
0x2d: {  	_ =	swait.ge [sflag:s14], $0x2800  }
0x2e: {  	[sflag:s14] =	ssyncset.done $0x0  }
0x2f: {  	[sflag:s14] =	ssyncadd.s32 $0xFFFFD800  }
0x30: {  	[tilespmem:s15], [sflag:$0x5] =	stream.linear.gather [hbm4b:s7+s4], $0x2800, $0x38;
	[tilespmem:$0x16C60] =	vst v63  }
0x31: {  	_ =	swait.ge [sflag:s14], $0x2800  }
0x32: {  	[sflag:s14] =	ssyncset.done $0x0  }
0x33: {  	[sflag:s14] =	ssyncadd.s32 $0xFFFFD800  }
0x34: {  	[bflag:$0x0] =	sbarrier.arrive $0xFFFF  }
0x35: {  	[tilespmem:s17], [sflag:$0x1] =	stream.indirect.gather [hbm4b:s1+s16], $0x40, s4, s16, $0xb8;
	[tilespmem:$0x16C60] =	vst v63  }
0x36: {  	_ =	swait.ge [sflag:s18], $0x4000  }
0x37: {  	[sflag:s18] =	ssyncset.done $0x0  }
0x38: {  	[sflag:s18] =	ssyncadd.s32 $0xFFFFC000  }
0x39: {  	[spmem:s3] =	stream.indirect.scatter.add.f32 [tilespmem:s17], [sflag:$0x3], $0x40, s15, s16, $0xb8;
	[tilespmem:$0x16C60] =	vst v63  }
0x3a: {  	_ = 	snop  }
0x3b: {  	[tilespmem:s19], [sflag:$0x2] =	stream.indirect.gather [hbm4b:s1+s16], $0x40, s16, s16, $0xb8;
	[tilespmem:$0x16C60] =	vst v63  }
0x3c: {  	_ =	swait.ge [sflag:s20], $0x4000  }
0x3d: {  	[sflag:s20] =	ssyncset.done $0x0  }
0x3e: {  	[sflag:s20] =	ssyncadd.s32 $0xFFFFC000  }
0x3f: {  	[spmem:s3] =	stream.indirect.scatter.add.f32 [tilespmem:s19], [sflag:$0x4], $0x40, s21, s16, $0xb8;
	[tilespmem:$0x16C60] =	vst v63  }
0x40: {  	_ =	swait.ge [sflag:s22], $0x4000  }
0x41: {  	[sflag:s22] =	ssyncset.done $0x0  }
0x42: {  	s28 =	simm.s32 $0xFFFF7000;
	[sflag:s22] =	ssyncadd.s32 $0xFFFFC000  }
0x43: {  	[tilespmem:s17], [sflag:$0x1] =	stream.indirect.gather [hbm4b:s1+s16], $0x40, s23, s16, $0xb8;
	[tilespmem:$0x16C60] =	vst v63  }
.LBB2_2:
0x44: {  	_ =	swait.ge [sflag:s18], $0x4000  }
0x45: {  	s29 =	sshra.s32 s28, $0x2;
	[sflag:s18] =	ssyncset.done $0x0  }
0x46: {  	s30 =	sadd.s32 $0x4E00, s29;
	[sflag:s18] =	ssyncadd.s32 $0xFFFFC000  }
0x47: {  	[spmem:s3] =	stream.indirect.scatter.add.f32 [tilespmem:s17], [sflag:$0x3], $0x40, s30, s16, $0xb8;
	[tilespmem:$0x16C60] =	vst v63  }
0x48: {  	_ =	swait.ge [sflag:s24], $0x4000  }
0x49: {  	[sflag:s24] =	ssyncset.done $0x0  }
0x4a: {  	s31 =	sadd.s32 $0x2700, s29;
	[sflag:s24] =	ssyncadd.s32 $0xFFFFC000  }
0x4b: {  	[tilespmem:s19], [sflag:$0x2] =	stream.indirect.gather [hbm4b:s1+s16], $0x40, s31, s16, $0xb8;
	[tilespmem:$0x16C60] =	vst v63  }
0x4c: {  	_ =	swait.ge [sflag:s20], $0x4000  }
0x4d: {  	p1 =	seq.s32 s28, $0x0;
	[sflag:s20] =	ssyncset.done $0x0  }
.Ltmp2:
0x4e: {  	s31 =	sadd.s32 $0x4F00, s29;
	[sflag:s20] =	ssyncadd.s32 $0xFFFFC000;
	(pc) =	sbr.rel @p1 .LBB2_4-.Ltmp2, $4  }
0x4f: {  	[spmem:s3] =	stream.indirect.scatter.add.f32 [tilespmem:s19], [sflag:$0x4], $0x40, s31, s16, $0xb8;
	[tilespmem:$0x16C60] =	vst v63  }
0x50: {  	_ =	swait.ge [sflag:s22], $0x4000  }
0x51: {  	[sflag:s22] =	ssyncset.done $0x0  }
0x52: {  	[sflag:s22] =	ssyncadd.s32 $0xFFFFC000  }
.Ltmp3:
0x53: {  	(pc) =	sbr.rel .LBB2_2-.Ltmp3, $3  }
0x54: {  	_ =	sdelay $0x1  }
0x55: {  	s29 =	sadd.s32 $0x2800, s29;
	s28 =	sadd.s32 $0x800, s28  }
0x56: {  	[tilespmem:s17], [sflag:$0x1] =	stream.indirect.gather [hbm4b:s1+s16], $0x40, s29, s16, $0xb8;
	[tilespmem:$0x16C60] =	vst v63  }
.LBB2_5:
0x57: {  	_ =	sfence.sel $0x180000  }
0x58: {  	[bflag:$0x0] =	sbarrier.arrive $0xFFFF  }
0x59: {  	p0 =	sne.s32 s0, $0x0;
	_ =	strace $0x9000004D  }
0x5a: {  	s0 =	sadd.s32 @!p0 $0x100000, s2;
	[bflag:$0x2] =	sbarrier.arrive $0xFFFF  }
0x5b: {  	[sflag:s0] =	ssyncadd.tile.s32 @!p0 $0x1;
	_ =	shalt  }
.Lfunc_end2:
_tile_overlayer_lowered:
.L_overlay_start_2:
0x5c: {  	(tag) =	ssettag $0x2  }
0x5d: {  	s0 =	rddreg [dreg:$0x0];
	s2 =	stileid.u32  }
0x5e: {  	s1 =	rddreg [dreg:$0x1];
	p0 =	sne.s32 s2, $0x0  }
0x5f: {  	s3 =	rddreg [dreg:$0x2];
	[bflag:$0x3] =	sbarrier.arrive $0xFFFF;
	s2 =	simm.s32 @!p0 $0x1C05  }
0x60: {  	[timem:s3], [sflag:s2] =	dma.local @!p0 [hbm:s0], s1  }
0x61: {  	s0 =	simm.s32 @!p0 $0x5  }
0x62: {  	_ =	swait.ge @!p0 [sflag:s0], s1  }
0x63: {  	s1 =	ssub.s32 @!p0 $0x0, s1;
	[sflag:s0] =	ssyncset.done @!p0 $0x0  }
0x64: {  	[sflag:s0] =	ssyncadd.s32 @!p0 s1  }
0x65: {  	[bflag:$0x3] =	sbarrier.arrive $0xFFFF  }
0x66: {  	_ =	shalt  }

// kernel: kernel.8.cloned.1.call-start
scs
__scs_entry_jumppad:
0x0: {  	(pc) =	sbr.rel $0x88, $3  }
0x1: {  	(tag) =	ssettag $0x0;
	lr =	simm.s32 $0x1  }
0x2: {  	[smem:$0x3F96] =	sst lr;
	_ =	strace $0xD0000000  }
0x3: {  	_ = 	snop  }
0x4: {  	_ = 	snop  }
0x5: {  	_ = 	snop  }
0x6: {  	_ = 	snop  }
0x7: {  	_ = 	snop  }
__scs_overlays_trampoline_lowered:
0x8: {  	[smem:$0x3FA5] =	sst s0  }
0x9: {  	[smem:$0x3FA6] =	sst s1  }
0xa: {  	[smem:$0x3FA7] =	sst s2  }
0xb: {  	[smem:$0x3FA8] =	sst s3  }
0xc: {  	[smem:$0x3FA9] =	sst s4  }
0xd: {  	[smem:$0x3FAA] =	sst s5  }
0xe: {  	[smem:$0x3FAB] =	sst s6  }
0xf: {  	[smem:$0x3FAC] =	sst s7  }
0x10: {  	[smem:$0x3FAD] =	sst s8  }
0x11: {  	[smem:$0x3FAE] =	sst s9;
	s0 =	simm.s32 @!p0 $0x0  }
0x12: {  	s1 =	sld [smem:$0x3F94];
	s0 =	simm.s32 @p0 $0x1  }
0x13: {  	[smem:$0x3FAF] =	sst s0;
	s0 =	simm.s32 @!p1 $0x0  }
0x14: {  	s2 =	sld [smem:$0x3F93];
	s0 =	simm.s32 @p1 $0x1  }
0x15: {  	[smem:$0x3FB0] =	sst s0;
	s0 =	simm.s32 @!p2 $0x0  }
0x16: {  	s3 =	sld [smem:$0x3FDB];
	s0 =	simm.s32 @p2 $0x1  }
0x17: {  	s4 =	simm.s32 $0x1BF5;
	[smem:$0x3FB2] =	sst s0  }
0x18: {  	s0 =	sld [smem:$0x3F95];
	_ =	swait.ge [sflag:s4], $0x0  }
0x19: {  	s7 =	sld [smem:$0x3F96]  }
0x1a: {  	s8 =	sadd.s32 $0xFFFFE003, lr  }
0x1b: {  	s9 =	sadd.s32 $0xFFFFFEF7, lr;
	s5 =	simm.s32 $0xFFFFFFFF;
	p2 =	slt.u32 s8, $0xFFFFF086  }
0x1c: {  	p1 =	slt.u32 s9, $0xF7A;
	s5 =	simm.s32 @!p2 $0x0  }
0x1d: {  	s5 =	simm.s32 @p1 $0x1;
	p0 =	seq.s32 s7, s2  }
0x1e: {  	s7 =	smul.u32 @!p0 $0xF7A, s2;
	p2 =	seq.s32 @!p0 s5, $0x0  }
0x1f: {  	s9 =	smul.u32 $0xF7A, s1;
	s8 =	simm.s32 @!p0 $0x1BF5;
	p2 =	por !p2, p0  }
0x20: {  	[sflag:s8] =	ssyncset.s32 @!p0 $0xFFFFF086;
	s6 =	sadd.s32 @!p0 s3, s7;
	s7 =	simm.s32 @!p0 $0x108  }
0x21: {  	s3 =	sadd.s32 s3, s9;
	s6 =	sadd.s32 @!p0 $0x88, s6;
	s7 =	simm.s32 @p2 $0x1082  }
0x22: {  	[simem:s7], [sflag:s8] =	dma.local @!p0 [hbm:s6], $0xF7A  }
0x23: {  	s9 =	sor.u32 $0xD0000000, s2;
	s6 =	simm.s32 $0x108;
	_ =	swait.ge @!p0 [sflag:s8], $0x0  }
0x24: {  	s3 =	sadd.s32 $0x88, s3;
	s6 =	simm.s32 @!p1 $0x1082;
	[sflag:s4] =	ssyncset.s32 $0xFFFFF086  }
0x25: {  	[simem:s6], [sflag:s4] =	dma.local [hbm:s3], $0xF7A  }
0x26: {  	[smem:$0x3F96] =	sst s1;
	(tag) =	ssettag s2;
	_ =	strace s9  }
0x27: {  	s1 =	sld [smem:$0x3FA6]  }
0x28: {  	s2 =	sld [smem:$0x3FA7]  }
0x29: {  	s4 =	sld [smem:$0x3FA9]  }
0x2a: {  	p0 =	seq.s32 s5, $0x0;
	s5 =	sld [smem:$0x3FAA]  }
0x2b: {  	s6 =	sld [smem:$0x3FAB]  }
0x2c: {  	s7 =	sld [smem:$0x3FAC]  }
0x2d: {  	s3 =	simm.s32 $0x108;
	s8 =	sld [smem:$0x3FAD]  }
0x2e: {  	s3 =	simm.s32 @!p0 $0x1082;
	s9 =	sld [smem:$0x3FAE]  }
0x2f: {  	lr =	sadd.s32 s0, s3;
	s0 =	sld [smem:$0x3FA5]  }
0x30: {  	s3 =	sld [smem:$0x3FA8]  }
0x31: {  	[smem:$0x3FB1] =	sst s10  }
0x32: {  	s10 =	sld [smem:$0x3FAF];
	_ =	sdelay $0x3  }
0x33: {  	p0 =	seq.s32 s10, $0x1;
	s10 =	sld [smem:$0x3FB1];
	_ =	sdelay $0x3  }
0x34: {  	[smem:$0x3FB1] =	sst s10  }
0x35: {  	s10 =	sld [smem:$0x3FB0];
	_ =	sdelay $0x3  }
0x36: {  	p1 =	seq.s32 s10, $0x1;
	s10 =	sld [smem:$0x3FB1];
	_ =	sdelay $0x3  }
0x37: {  	[smem:$0x3FB1] =	sst s10  }
0x38: {  	s10 =	sld [smem:$0x3FB2]  }
0x39: {  	_ = 	snop;
	(pc) =	sbr.ind lr, $3  }
0x3a: {  	_ = 	snop  }
0x3b: {  	_ = 	snop  }
0x3c: {  	p2 =	seq.s32 s10, $0x1;
	s10 =	sld [smem:$0x3FB1]  }
0x3d: {  	_ =	shalt  }
0x3e: {  	_ =	shalt  }
0x3f: {  	_ =	shalt  }
0x40: {  	_ =	shalt  }
0x41: {  	_ =	shalt  }
0x42: {  	_ =	shalt  }
0x43: {  	_ =	shalt  }
0x44: {  	_ =	shalt  }
0x45: {  	_ =	shalt  }
0x46: {  	_ =	shalt  }
0x47: {  	_ =	shalt  }
0x48: {  	_ =	shalt  }
0x49: {  	_ =	shalt  }
0x4a: {  	_ =	shalt  }
0x4b: {  	_ =	shalt  }
0x4c: {  	_ =	shalt  }
0x4d: {  	_ =	shalt  }
0x4e: {  	_ =	shalt  }
0x4f: {  	_ =	shalt  }
0x50: {  	_ =	shalt  }
0x51: {  	_ =	shalt  }
0x52: {  	_ =	shalt  }
0x53: {  	_ =	shalt  }
0x54: {  	_ =	shalt  }
0x55: {  	_ =	shalt  }
0x56: {  	_ =	shalt  }
0x57: {  	_ =	shalt  }
0x58: {  	_ =	shalt  }
0x59: {  	_ =	shalt  }
0x5a: {  	_ =	shalt  }
0x5b: {  	_ =	shalt  }
0x5c: {  	_ =	shalt  }
0x5d: {  	_ =	shalt  }
0x5e: {  	_ =	shalt  }
0x5f: {  	_ =	shalt  }
0x60: {  	_ =	shalt  }
0x61: {  	_ =	shalt  }
0x62: {  	_ =	shalt  }
0x63: {  	_ =	shalt  }
0x64: {  	_ =	shalt  }
0x65: {  	_ =	shalt  }
0x66: {  	_ =	shalt  }
0x67: {  	_ =	shalt  }
0x68: {  	_ =	shalt  }
0x69: {  	_ =	shalt  }
0x6a: {  	_ =	shalt  }
0x6b: {  	_ =	shalt  }
0x6c: {  	_ =	shalt  }
0x6d: {  	_ =	shalt  }
0x6e: {  	_ =	shalt  }
0x6f: {  	_ =	shalt  }
0x70: {  	_ =	shalt  }
0x71: {  	_ =	shalt  }
0x72: {  	_ =	shalt  }
0x73: {  	_ =	shalt  }
0x74: {  	_ =	shalt  }
0x75: {  	_ =	shalt  }
0x76: {  	_ =	shalt  }
0x77: {  	_ =	shalt  }
0x78: {  	_ =	shalt  }
0x79: {  	_ =	shalt  }
0x7a: {  	_ =	shalt  }
0x7b: {  	_ =	shalt  }
0x7c: {  	_ =	shalt  }
0x7d: {  	_ =	shalt  }
0x7e: {  	_ =	shalt  }
0x7f: {  	_ =	shalt  }
0x80: {  	_ =	shalt  }
0x81: {  	_ =	shalt  }
0x82: {  	_ =	shalt  }
0x83: {  	_ =	shalt  }
0x84: {  	_ =	shalt  }
0x85: {  	_ =	shalt  }
0x86: {  	_ =	shalt  }
0x87: {  	_ =	shalt  }
.Lfunc_end0:
.L_simem_size_0:
called_computation_lowered:
.L_overlay_start_0:
0x88: {  	s2 =	sld [smem:$0x3FD9]  }
0x89: {  	s3 =	sld [smem:$0x3FFE];
	_ =	sdelay $0x1  }
0x8a: {  	s1 =	srdreg.scid  }
0x8b: {  	s0 =	sand.u32 $0x1, s1  }
0x8c: {  	s17 =	sshll.u32 s0, $0xA;
	s2 =	sadd.s32 s3, s2  }
0x8d: {  	s2 =	sadd.s32 s2, s17  }
0x8e: {  	[smem:$0x3FBD] =	sst s2  }
0x8f: {  	_ = 	snop  }
0x90: {  	s2 =	sld [smem:$0x3FD0];
	(tm) =	ssettm $0x1  }
0x91: {  	s18 =	sld [smem:$0x3FFB];
	_ =	sdelay $0x3  }
0x92: {  	_ =	strace s18  }
0x93: {  	s3 =	sld [smem:$0x3FFC];
	_ =	sdelay $0x3  }
0x94: {  	_ =	strace s3  }
0x95: {  	s3 =	sld [smem:$0x3FFD];
	_ =	sdelay $0x3  }
0x96: {  	_ =	strace s3  }
0x97: {  	_ =	strace $0x8FFFFFFF  }
0x98: {  	s19 =	sld [smem:$0x3FDB];
	_ =	sdelay $0x1  }
0x99: {  	s4 =	simm.s32 $_scs_section_size  }
0x9a: {  	s5 =	simm.s32 $_size__tile_overlayer_lowered;
	s6 =	simm.s32 $_tile_overlayer_lowered  }
0x9b: {  	s22 =	simm.s32 $0x1BFF;
	s21 =	sshll.u32 s6, $0x1;
	s3 =	sadd.s32 s4, s19  }
0x9c: {  	s7 =	simm.s32 $0x0;
	s20 =	sshll.u32 s5, $0x1;
	s5 =	sadd.s32 s21, s3  }
0x9d: {  	[timem:s7], [sflag:s22] =	dma.local [hbm:s5], s20  }
0x9e: {  	_ =	swait.ge [sflag:s22], s20  }
0x9f: {  	s4 =	ssub.s32 $0x0, s20;
	[sflag:s22] =	ssyncset.done $0x0  }
0xa0: {  	[sflag:s22] =	ssyncadd.s32 s4;
	_ =	sdelay $0x1  }
0xa1: {  	s23 =	simm.s32 $0x1B8B  }
0xa2: {  	_ =	swait.ge [sflag:s23], $0x1  }
0xa3: {  	[sflag:s23] =	ssyncset.done $0x0  }
0xa4: {  	s25 =	simm.s32 $0x1B8E;
	s24 =	sld [smem:$0x3FFE];
	[sflag:s23] =	ssyncadd.s32 $0xFFFFFFFF  }
0xa5: {  	s26 =	simm.s32 $execute0_lowered;
	[smem:$0x3FD2] =	sst s25  }
0xa6: {  	s5 =	sshll.u32 s26, $0x1;
	_ =	strace $0x80000046;
	[dreg:$0x1] =	wrdreg $0xFFFFFFFF  }
0xa7: {  	s28 =	simm.s32 $_size_execute0_lowered;
	s3 =	sadd.s32 s3, s5;
	[dreg:$0x0] =	wrdreg $0x0  }
0xa8: {  	s5 =	sshll.u32 s28, $0x1;
	[dreg:$0x2] =	wrdreg s3  }
0xa9: {  	[dreg:$0x3] =	wrdreg s5  }
0xaa: {  	[dreg:$0x4] =	wrdreg $0xC0  }
0xab: {  	_ =	task [dreg:s7], $0x5FFFF  }
0xac: {  	[dreg:$0x1] =	wrdreg $0xFFFFFFFF  }
0xad: {  	[dreg:$0x0] =	wrdreg $0x60  }
0xae: {  	[dreg:$0x2] =	wrdreg s24  }
0xaf: {  	[dreg:$0x3] =	wrdreg s2  }
0xb0: {  	[dreg:$0x4] =	wrdreg $0x120000  }
0xb1: {  	[dreg:$0x5] =	wrdreg $0x1C4600  }
0xb2: {  	[dreg:$0x6] =	wrdreg $0x9  }
0xb3: {  	_ =	task.clear_ibuf [dreg:s7], $0x7FFFF;
	_ =	strace $0x90000046  }
0xb4: {  	s29 =	simm.s32 $0x9;
	_ =	strace $0x80000048  }
0xb5: {  	_ =	swait.ge [sflag:s29], $0x1  }
0xb6: {  	[sflag:s29] =	ssyncadd.s32 $0xFFFFFFFF  }
0xb7: {  	_ =	strace $0x90000048  }
0xb8: {  	_ =	sfence  }
0xb9: {  	s30 =	sld [smem:$0x0];
	_ =	sdelay $0x2  }
0xba: {  	s31 =	sshll.u32 s1, $0xD;
	s1 =	sshrl.u32 s1, $0x2  }
0xbb: {  	s3 =	sand.u32 $0x4000, s31;
	s1 =	sadd.s32 s1, s30  }
0xbc: {  	s0 =	sor.u32 s3, s0;
	s1 =	sshll.u32 s1, $0x11  }
0xbd: {  	s0 =	sor.u32 s1, s0  }
0xbe: {  	s0 =	sadd.s32 $0x8F2B, s0  }
0xbf: {  	[sflag:s0] =	ssyncadd.remote.s32 $0x1  }
0xc0: {  	_ =	sfence.sel $0xFFFF  }
0xc1: {  	[dreg:$0x0] =	wrdreg $0xFFFFFFFF;
	(pc) =	sbr.abs _section_cstart, $3  }
0xc2: {  	[dreg:$0x1] =	wrdreg $0xFFFFFFFF  }
0xc3: {  	_ =	task.clear_ibuf [dreg:s7], $0x2FFFF;
	_ =	strace $0x9FFFFFFF  }
0xc4: {  	(tm) =	ssettm $0x7FFFFFFF  }
0xc5: {  	_ =	shalt  }
tec
execute0_lowered:
.L_overlay_start_1:
0x0: {  	(tag) =	ssettag $0x1  }
0x1: {  	s0 =	rddreg [dreg:$0x0]  }
0x2: {  	s1 =	rddreg [dreg:$0x1];
	s3 =	srdreg.scid  }
0x3: {  	s17 =	stileid.u32;
	s2 =	rddreg [dreg:$0x2]  }
0x4: {  	s4 =	simm.s32 $0x0;
	s28 =	simm.s32 $0x1;
	s30 =	simm.s32 $0x4  }
0x5: {  	s8 =	sand.u32 $0x1, s3;
	s9 =	smul.u32 $0x5000, s17;
	s3 =	rddreg [dreg:$0x3]  }
0x6: {  	s31 =	simm.s32 $0x0;
	[smem:$0x7FF] =	sst s4;
	s12 =	smul.u32 $0x28000, s17  }
0x7: {  	s7 =	sadd.s32 $0x52E00, s0;
	s11 =	sadd.s32 $0x53200, s0;
	s15 =	smul.u32 $0xA000, s17  }
0x8: {  	s18 =	sadd.s32 $0x96000, s2;
	s21 =	smul.u32 $0x1400, s17;
	s26 =	sadd.s32 $0x2580, s1  }
0x9: {  	p0 =	seq.s32 s17, $0xF;
	_ =	strace $0x80000047;
	[dreg:$0x5] =	wrdreg s11  }
0xa: {  	s5 =	smul.u32 $0x50000, s8;
	s16 =	ssub.s32 $0x2, s8;
	[dreg:$0x6] =	wrdreg s18  }
0xb: {  	s14 =	smul.u32 $0x9C400, s8;
	s19 =	sadd.s32 $0x12C00, s3;
	[dreg:$0xd] =	wrdreg s26  }
0xc: {  	p1 =	sne.s32 @p0 s8, $0x0;
	p2 =	sne.s32 @!p0 s8, $0x0;
	p3 =	sne.s32 s8, $0x0  }
0xd: {  	s26 =	simm.s32 $0xA000;
	s13 =	sshrl.u32 s16, $0x1;
	s12 =	sshrl.u32 s12, $0x2  }
0xe: {  	[dreg:$0x7] =	wrdreg s19;
	s24 =	sshrl.u32 s21, $0x3;
	s19 =	simm.s32 $0x7  }
0xf: {  	p1 =	por p1, !p0;
	p2 =	por p2, p0;
	s6 =	sadd.s32 s9, s5  }
0x10: {  	s5 =	sadd.s32 $0x2A800, s0;
	s9 =	sshrl.u32 s9, $0x2;
	s11 =	ssub.s32 s16, s13  }
0x11: {  	s12 =	sadd.s32 s12, s2;
	s20 =	sadd.s32 s15, s14;
	s23 =	sshrl.u32 s14, $0x3  }
0x12: {  	s25 =	sadd.s32 s1, s24;
	s6 =	sshrl.u32 s6, $0x3;
	s13 =	sshrl.u32 s20, $0x3  }
0x13: {  	[dreg:$0xb] =	wrdreg s25;
	s29 =	smax.u32 s11, $0x1;
	s10 =	sadd.s32 s6, s0  }
0x14: {  	s6 =	sadd.s32 $0x51A00, s0;
	[dreg:$0xe] =	wrdreg s29;
	s16 =	sadd.s32 $0x2800, s10  }
0x15: {  	s0 =	sadd.s32 $0x53400, s0;
	s10 =	sadd.s32 $0x16800, s10;
	[dreg:$0x8] =	wrdreg s16  }
0x16: {  	s22 =	sadd.s32 s0, s13;
	s0 =	sadd.s32 s0, s23;
	[dreg:$0x9] =	wrdreg s10  }
.Ltmp0:
0x17: {  	[dreg:$0xa] =	wrdreg s22;
	s0 =	sadd.s32 $0x12C00, s0;
	(pc) =	sbr.rel .LBB2_1-.Ltmp0, $4  }
0x18: {  	s9 =	sadd.s32 s9, s3;
	[dreg:$0xc] =	wrdreg s0;
	s0 =	sshrl.u32 @!p0 s12, $0x3  }
0x19: {  	s13 =	sadd.s32 s15, s2;
	[dreg:$0xf] =	wrdreg s0;
	s0 =	sshrl.u32 @!p2 s9, $0x3  }
0x1a: {  	s10 =	sadd.s32 s21, s3;
	[dreg:$0x10] =	wrdreg s0;
	s0 =	sshrl.u32 @!p0 s13, $0x3  }
0x1b: {  	s23 =	simm.s32 $0x100;
	s25 =	sshrl.u32 @!p2 s10, $0x3;
	[dreg:$0x11] =	wrdreg s0  }
.LBB2_4:
0x1c: {  	_ =	swait.ge [sflag:s30], $0x4000  }
0x1d: {  	[sflag:s30] =	ssyncset.done $0x0  }
0x1e: {  	[sflag:s30] =	ssyncadd.s32 $0xFFFFC000  }
0x1f: {  	_ =	swait.ge @!p3 [sflag:s20], $0x800  }
0x20: {  	[sflag:s20] =	ssyncset.done @!p3 $0x0  }
0x21: {  	[sflag:s20] =	ssyncadd.s32 @!p3 $0xFFFFF800  }
0x22: {  	[bflag:$0x0] =	sbarrier.arrive $0xFFFF  }
0x23: {  	s8 =	simm.s32 @p0 $0x1FC7;
	s9 =	rddreg [dreg:$0xc]  }
0x24: {  	[hbm:s9], [sflag:s8] =	dma.local @p0 [spmem:s0], $0xC80  }
0x25: {  	s0 =	simm.s32 @p0 $0x7  }
0x26: {  	_ =	swait.ge @p0 [sflag:s0], $0xC80  }
0x27: {  	[sflag:s0] =	ssyncset.done @p0 $0x0  }
0x28: {  	[sflag:s0] =	ssyncadd.s32 @p0 $0xFFFFF380;
	s0 =	rddreg [dreg:$0xd]  }
0x29: {  	[hbm:s0], [sflag:s8] =	dma.local @!p1 [spmem:s18], $0x190  }
0x2a: {  	s0 =	simm.s32 @!p1 $0x7  }
0x2b: {  	_ =	swait.ge @!p1 [sflag:s0], $0x190  }
0x2c: {  	[sflag:s0] =	ssyncset.done @!p1 $0x0;
	s8 =	rddreg [dreg:$0x11]  }
0x2d: {  	[sflag:s0] =	ssyncadd.s32 @!p1 $0xFFFFFE70;
	s0 =	rddreg [dreg:$0xa]  }
0x2e: {  	[hbm:s0], [sflag:s1] =	dma.local @!p0 [spmem:s8], $0x1400  }
0x2f: {  	s0 =	simm.s32 @!p0 $0x7  }
0x30: {  	_ =	swait.ge @!p0 [sflag:s0], $0x1400  }
0x31: {  	[sflag:s0] =	ssyncset.done @!p0 $0x0  }
0x32: {  	[sflag:s0] =	ssyncadd.s32 @!p0 $0xFFFFEC00;
	s0 =	rddreg [dreg:$0xb]  }
0x33: {  	[hbm:s0], [sflag:s1] =	dma.local @!p2 [spmem:s25], $0x280  }
0x34: {  	s0 =	simm.s32 @!p2 $0x7  }
0x35: {  	_ =	swait.ge @!p2 [sflag:s0], $0x280  }
0x36: {  	s31 =	sadd.s32 $0x1, s31;
	s29 =	rddreg [dreg:$0xe]  }
0x37: {  	p4 =	sne.s32 s31, s29  }
.Ltmp1:
0x38: {  	_ = 	snop;
	(pc) =	sbr.rel @!p4 .LBB2_5-.Ltmp1, $3  }
0x39: {  	_ =	sdelay $0x1  }
0x3a: {  	[sflag:s0] =	ssyncset.done @!p2 $0x0  }
0x3b: {  	[sflag:s0] =	ssyncadd.s32 @!p2 $0xFFFFFD80  }
.LBB2_1:
0x3c: {  	s0 =	rddreg [dreg:$0x5];
	s1 =	simm.s32 $0x1BC60  }
0x3d: {  	[tilespmem:s1], [sflag:$0x7] =	stream.linear.gather [hbm4b:s0+s4], $0x800, $0x38;
	[tilespmem:$0x1D7F0] =	vst v63  }
0x3e: {  	_ =	swait.ge [sflag:s19], $0x800  }
0x3f: {  	s8 =	simm.s32 @p0 $0x7;
	[sflag:s19] =	ssyncset.done $0x0;
	s0 =	rddreg [dreg:$0x6]  }
0x40: {  	s1 =	simm.s32 @p0 $0x1FC7;
	[sflag:s19] =	ssyncadd.s32 $0xFFFFF800;
	s0 =	sshrl.u32 @p0 s0, $0x3  }
0x41: {  	[spmem:s0], [sflag:s1] =	dma.local @p0 [hbm:s6], $0xC80  }
0x42: {  	_ =	swait.ge @p0 [sflag:s8], $0xC80  }
0x43: {  	[sflag:s8] =	ssyncset.done @p0 $0x0  }
0x44: {  	[sflag:s8] =	ssyncadd.s32 @p0 $0xFFFFF380;
	s8 =	rddreg [dreg:$0x7]  }
0x45: {  	s18 =	sshrl.u32 @!p1 s8, $0x3  }
0x46: {  	[spmem:s18], [sflag:s1] =	dma.local @!p1 [hbm:s7], $0x190  }
0x47: {  	s1 =	simm.s32 @!p1 $0x7  }
0x48: {  	s8 =	stileid.u32;
	_ =	swait.ge @!p1 [sflag:s1], $0x190  }
0x49: {  	s8 =	sshll.u32 @!p0 s8, $0x6;
	[sflag:s1] =	ssyncset.done @!p1 $0x0  }
0x4a: {  	[sflag:s1] =	ssyncadd.s32 @!p1 $0xFFFFFE70;
	s1 =	sor.u32 @!p0 $0x1C07, s8;
	s8 =	rddreg [dreg:$0xf]  }
0x4b: {  	[spmem:s8], [sflag:s1] =	dma.local @!p0 [hbm:s6], $0x1400  }
0x4c: {  	s8 =	simm.s32 @!p0 $0x7  }
0x4d: {  	_ =	swait.ge @!p0 [sflag:s8], $0x1400  }
0x4e: {  	[sflag:s8] =	ssyncset.done @!p0 $0x0  }
0x4f: {  	[sflag:s8] =	ssyncadd.s32 @!p0 $0xFFFFEC00;
	s8 =	rddreg [dreg:$0x10]  }
0x50: {  	[spmem:s8], [sflag:s1] =	dma.local @!p2 [hbm:s7], $0x280  }
0x51: {  	s8 =	simm.s32 @!p2 $0x7  }
0x52: {  	_ =	swait.ge @!p2 [sflag:s8], $0x280  }
0x53: {  	[sflag:s8] =	ssyncset.done @!p2 $0x0  }
0x54: {  	s22 =	rddreg [dreg:$0x8];
	[sflag:s8] =	ssyncadd.s32 @!p2 $0xFFFFFD80  }
0x55: {  	[tilespmem:s4], [sflag:$0x7] =	stream.linear.gather [hbm4b:s22+s4], $0x5000, $0x38;
	[tilespmem:$0x1D7F0] =	vst v63  }
0x56: {  	_ =	swait.ge [sflag:s19], $0x5000  }
0x57: {  	[sflag:s19] =	ssyncset.done $0x0  }
0x58: {  	s9 =	simm.s32 $0x5000;
	s24 =	rddreg [dreg:$0x9];
	[sflag:s19] =	ssyncadd.s32 $0xFFFFB000  }
0x59: {  	[tilespmem:s9], [sflag:$0x7] =	stream.linear.gather [hbm4b:s24+s4], $0x5000, $0x38;
	[tilespmem:$0x1D7F0] =	vst v63  }
0x5a: {  	_ =	swait.ge [sflag:s19], $0x5000  }
0x5b: {  	[sflag:s19] =	ssyncset.done $0x0  }
0x5c: {  	[sflag:s19] =	ssyncadd.s32 $0xFFFFB000  }
0x5d: {  	[bflag:$0x0] =	sbarrier.arrive $0xFFFF  }
0x5e: {  	[tilespmem:s26], [sflag:$0x1] =	stream.indirect.gather [hbm4b:s5+s23], $0x40, s4, s23, $0xb8;
	[tilespmem:$0x1D7F0] =	vst v63  }
0x5f: {  	_ =	swait.ge [sflag:s28], $0x4000  }
0x60: {  	[sflag:s28] =	ssyncset.done $0x0  }
0x61: {  	[sflag:s28] =	ssyncadd.s32 $0xFFFFC000  }
0x62: {  	[spmem:s2] =	stream.indirect.scatter.add.f32 [tilespmem:s26], [sflag:$0x3], $0x40, s9, s23, $0xb8;
	[tilespmem:$0x1D7F0] =	vst v63  }
0x63: {  	s29 =	simm.s32 @p3 $0x100;
	s8 =	simm.s32 @p3 $0xE000;
	s9 =	simm.s32 @p3 $0x2  }
0x64: {  	[tilespmem:s8], [sflag:$0x2] =	stream.indirect.gather @p3 [hbm4b:s5+s29], $0x40, s29, s29, $0xb8;
	[tilespmem:$0x1D7F0] =	vst v63  }
0x65: {  	_ =	swait.ge @p3 [sflag:s9], $0x4000  }
0x66: {  	[sflag:s9] =	ssyncset.done @p3 $0x0  }
0x67: {  	s10 =	simm.s32 @p3 $0x5100;
	[sflag:s9] =	ssyncadd.s32 @p3 $0xFFFFC000  }
0x68: {  	[spmem:s2] =	stream.indirect.scatter.add.f32 @p3 [tilespmem:s8], [sflag:$0x4], $0x40, s10, s29, $0xb8;
	[tilespmem:$0x1D7F0] =	vst v63  }
0x69: {  	s10 =	simm.s32 @p3 $0x3  }
0x6a: {  	_ =	swait.ge @p3 [sflag:s10], $0x4000  }
0x6b: {  	s11 =	simm.s32 @!p3 $0x100;
	[sflag:s10] =	ssyncset.done @p3 $0x0  }
0x6c: {  	s13 =	simm.s32 @!p3 $0x5000;
	s12 =	simm.s32 @!p3 $0x1BC60;
	[sflag:s10] =	ssyncadd.s32 @p3 $0xFFFFC000  }
0x6d: {  	[spmem:s3] =	stream.indirect.scatter.add.f32 @!p3 [tilespmem:s12], [sflag:$0x5], $0x8, s13, s11, $0xb8;
	[tilespmem:$0x1D7F0] =	vst v63  }
0x6e: {  	s14 =	simm.s32 @!p3 $0x2;
	s13 =	simm.s32 @!p3 $0xE000  }
0x6f: {  	[tilespmem:s13], [sflag:$0x2] =	stream.indirect.gather @!p3 [hbm4b:s5+s11], $0x40, s11, s11, $0xb8;
	[tilespmem:$0x1D7F0] =	vst v63  }
0x70: {  	_ =	swait.ge @!p3 [sflag:s14], $0x4000  }
0x71: {  	[sflag:s14] =	ssyncset.done @!p3 $0x0  }
0x72: {  	s15 =	simm.s32 @!p3 $0x5100;
	[sflag:s14] =	ssyncadd.s32 @!p3 $0xFFFFC000  }
0x73: {  	[spmem:s2] =	stream.indirect.scatter.add.f32 @!p3 [tilespmem:s13], [sflag:$0x4], $0x40, s15, s11, $0xb8;
	[tilespmem:$0x1D7F0] =	vst v63  }
0x74: {  	_ = 	snop  }
0x75: {  	[spmem:s3] =	stream.indirect.scatter.add.f32 @!p3 [tilespmem:s12], [sflag:$0x6], $0x8, s15, s11, $0xb8;
	[tilespmem:$0x1D7F0] =	vst v63  }
0x76: {  	s15 =	simm.s32 @!p3 $0x3  }
0x77: {  	_ =	swait.ge @!p3 [sflag:s15], $0x4000  }
0x78: {  	[sflag:s15] =	ssyncset.done @!p3 $0x0  }
0x79: {  	s16 =	simm.s32 @!p3 $0x5;
	[sflag:s15] =	ssyncadd.s32 @!p3 $0xFFFFC000  }
0x7a: {  	_ =	swait.ge @!p3 [sflag:s16], $0x800  }
0x7b: {  	[sflag:s16] =	ssyncset.done @!p3 $0x0  }
0x7c: {  	s17 =	simm.s32 $0x200;
	[sflag:s16] =	ssyncadd.s32 @!p3 $0xFFFFF800  }
0x7d: {  	[tilespmem:s26], [sflag:$0x1] =	stream.indirect.gather [hbm4b:s5+s23], $0x40, s17, s23, $0xb8;
	[tilespmem:$0x1D7F0] =	vst v63  }
0x7e: {  	s17 =	simm.s32 $0xFFFED000  }
.LBB2_2:
0x7f: {  	_ =	swait.ge [sflag:s28], $0x4000  }
0x80: {  	s22 =	sshra.s32 s17, $0x2;
	[sflag:s28] =	ssyncset.done $0x0  }
0x81: {  	s21 =	simm.s32 @p3 $0x4;
	s20 =	sadd.s32 $0x9E00, s22;
	[sflag:s28] =	ssyncadd.s32 $0xFFFFC000  }
0x82: {  	[spmem:s2] =	stream.indirect.scatter.add.f32 [tilespmem:s26], [sflag:$0x3], $0x40, s20, s23, $0xb8;
	[tilespmem:$0x1D7F0] =	vst v63  }
0x83: {  	_ =	swait.ge @p3 [sflag:s21], $0x4000  }
0x84: {  	s24 =	sshra.s32 @p3 s17, $0x2;
	[sflag:s21] =	ssyncset.done @p3 $0x0  }
0x85: {  	[sflag:s21] =	ssyncadd.s32 @p3 $0xFFFFC000;
	s21 =	sadd.s32 @p3 $0x4F00, s24  }
0x86: {  	[tilespmem:s8], [sflag:$0x2] =	stream.indirect.gather @p3 [hbm4b:s5+s29], $0x40, s21, s29, $0xb8;
	[tilespmem:$0x1D7F0] =	vst v63  }
0x87: {  	_ =	swait.ge @p3 [sflag:s9], $0x4000  }
0x88: {  	[sflag:s9] =	ssyncset.done @p3 $0x0  }
0x89: {  	s21 =	sadd.s32 @p3 $0x9F00, s24;
	[sflag:s9] =	ssyncadd.s32 @p3 $0xFFFFC000  }
0x8a: {  	[spmem:s2] =	stream.indirect.scatter.add.f32 @p3 [tilespmem:s8], [sflag:$0x4], $0x40, s21, s29, $0xb8;
	[tilespmem:$0x1D7F0] =	vst v63  }
0x8b: {  	_ =	swait.ge @p3 [sflag:s10], $0x4000  }
0x8c: {  	[sflag:s10] =	ssyncset.done @p3 $0x0  }
0x8d: {  	[sflag:s10] =	ssyncadd.s32 @p3 $0xFFFFC000  }
0x8e: {  	[spmem:s3] =	stream.indirect.scatter.add.f32 @!p3 [tilespmem:s12], [sflag:$0x5], $0x8, s20, s11, $0xb8;
	[tilespmem:$0x1D7F0] =	vst v63  }
0x8f: {  	s20 =	simm.s32 @!p3 $0x4  }
0x90: {  	_ =	swait.ge @!p3 [sflag:s20], $0x4000  }
0x91: {  	[sflag:s20] =	ssyncset.done @!p3 $0x0  }
0x92: {  	[sflag:s20] =	ssyncadd.s32 @!p3 $0xFFFFC000;
	s20 =	simm.s32 @!p3 $0x6  }
0x93: {  	_ =	swait.ge @!p3 [sflag:s20], $0x800  }
0x94: {  	s21 =	sshra.s32 @!p3 s17, $0x2;
	[sflag:s20] =	ssyncset.done @!p3 $0x0  }
0x95: {  	s24 =	sadd.s32 @!p3 $0x4F00, s21;
	[sflag:s20] =	ssyncadd.s32 @!p3 $0xFFFFF800  }
0x96: {  	[tilespmem:s13], [sflag:$0x2] =	stream.indirect.gather @!p3 [hbm4b:s5+s11], $0x40, s24, s11, $0xb8;
	[tilespmem:$0x1D7F0] =	vst v63  }
0x97: {  	_ =	swait.ge @!p3 [sflag:s14], $0x4000  }
0x98: {  	[sflag:s14] =	ssyncset.done @!p3 $0x0  }
0x99: {  	s21 =	sadd.s32 @!p3 $0x9F00, s21;
	[sflag:s14] =	ssyncadd.s32 @!p3 $0xFFFFC000  }
0x9a: {  	[spmem:s2] =	stream.indirect.scatter.add.f32 @!p3 [tilespmem:s13], [sflag:$0x4], $0x40, s21, s11, $0xb8;
	[tilespmem:$0x1D7F0] =	vst v63  }
0x9b: {  	_ = 	snop  }
0x9c: {  	[spmem:s3] =	stream.indirect.scatter.add.f32 @!p3 [tilespmem:s12], [sflag:$0x6], $0x8, s21, s11, $0xb8;
	[tilespmem:$0x1D7F0] =	vst v63  }
0x9d: {  	p4 =	seq.s32 s17, $0x0;
	_ =	swait.ge @!p3 [sflag:s15], $0x4000  }
.Ltmp2:
0x9e: {  	[sflag:s15] =	ssyncset.done @!p3 $0x0;
	(pc) =	sbr.rel @p4 .LBB2_4-.Ltmp2, $4  }
0x9f: {  	[sflag:s15] =	ssyncadd.s32 @!p3 $0xFFFFC000  }
0xa0: {  	_ =	swait.ge @!p3 [sflag:s16], $0x800  }
0xa1: {  	[sflag:s16] =	ssyncset.done @!p3 $0x0  }
0xa2: {  	[sflag:s16] =	ssyncadd.s32 @!p3 $0xFFFFF800  }
.Ltmp3:
0xa3: {  	(pc) =	sbr.rel .LBB2_2-.Ltmp3, $3  }
0xa4: {  	_ =	sdelay $0x1  }
0xa5: {  	s20 =	sadd.s32 $0x5000, s22;
	s17 =	sadd.s32 $0x800, s17  }
0xa6: {  	[tilespmem:s26], [sflag:$0x1] =	stream.indirect.gather [hbm4b:s5+s23], $0x40, s20, s23, $0xb8;
	[tilespmem:$0x1D7F0] =	vst v63  }
.LBB2_5:
0xa7: {  	_ =	sfence.sel $0x180000  }
0xa8: {  	[bflag:$0x0] =	sbarrier.arrive $0xFFFF  }
0xa9: {  	_ =	strace $0x90000047  }
0xaa: {  	s0 =	stileid.u32;
	[bflag:$0x2] =	sbarrier.arrive $0xFFFF  }
0xab: {  	p0 =	sne.s32 s0, $0x0;
	s0 =	rddreg [dreg:$0x4]  }
0xac: {  	s0 =	sadd.s32 @!p0 $0x100000, s0  }
0xad: {  	[sflag:s0] =	ssyncadd.tile.s32 @!p0 $0x1;
	_ =	shalt  }
.Lfunc_end2:
_tile_overlayer_lowered:
.L_overlay_start_2:
0xae: {  	(tag) =	ssettag $0x2  }
0xaf: {  	s0 =	rddreg [dreg:$0x0];
	s2 =	stileid.u32  }
0xb0: {  	s1 =	rddreg [dreg:$0x1];
	p0 =	sne.s32 s2, $0x0  }
0xb1: {  	s3 =	rddreg [dreg:$0x2];
	[bflag:$0x3] =	sbarrier.arrive $0xFFFF;
	s2 =	simm.s32 @!p0 $0x1C07  }
0xb2: {  	[timem:s3], [sflag:s2] =	dma.local @!p0 [hbm:s0], s1  }
0xb3: {  	s0 =	simm.s32 @!p0 $0x7  }
0xb4: {  	_ =	swait.ge @!p0 [sflag:s0], s1  }
0xb5: {  	s1 =	ssub.s32 @!p0 $0x0, s1;
	[sflag:s0] =	ssyncset.done @!p0 $0x0  }
0xb6: {  	[sflag:s0] =	ssyncadd.s32 @!p0 s1  }
0xb7: {  	[bflag:$0x3] =	sbarrier.arrive $0xFFFF  }
0xb8: {  	_ =	shalt  }

</sc_bundles>
